<compile_context>
chip_gen: v7x
topology: tpu7x:2x2x1
jax: 0.10.2.dev20260603
libtpu: 0.0.44.dev20260713+nightly
codegen_flags: <defaults>
</compile_context>

<pallas_src>
import functools

import jax
import jax.numpy as jnp
from jax import lax
from jax.experimental import pallas as pl
from jax.experimental.pallas import tpu as pltpu
from jax.experimental.pallas import tpu_sc as plsc

N = 10000
D = 128
E = 320000
G = 32
W0 = D + 16

NP = 10112
ROWS_PER_TILE = NP // 16
NW = 32
CH = 128
MB = 8
NMACRO = -(-E // (NW * CH * MB))
NCHUNK = NMACRO * MB
EP = NW * CH * NCHUNK
PER_W = EP // NW
DUMMY = N


def _sc_segsum_body(width, table, src, dst, zrows, out, acc,
                    src_idx, dst_idx, rows0, rows1,
                    gsem0, gsem1, ssem0, ssem1):
    c = lax.axis_index("c")
    s = lax.axis_index("s")
    wid = s * 2 + c

    rows = (rows0, rows1)
    gsem = (gsem0, gsem1)
    ssem = (ssem0, ssem1)

    chunks = [(0, 128), (128, 128), (256, 128), (384, 128), (512, 120)]

    row0 = s * ROWS_PER_TILE
    pltpu.sync_copy(zrows, rows0)
    for off_r, cnt in chunks:
        pltpu.sync_copy(rows0.at[pl.ds(0, cnt)],
                        acc.at[pl.ds(row0 + off_r, cnt)])
    plsc.subcore_barrier()

    base = wid * NCHUNK

    def macro(t, _):
        crow = base + t * MB
        pltpu.sync_copy(src.at[pl.ds(crow, MB)], src_idx)
        pltpu.sync_copy(dst.at[pl.ds(crow, MB)], dst_idx)
        cps = [pltpu.async_copy(table.at[src_idx.at[0]], rows0, gsem0), None]
        for m in range(MB):
            if m + 1 < MB:
                cps[(m + 1) % 2] = pltpu.async_copy(
                    table.at[src_idx.at[m + 1]], rows[(m + 1) % 2],
                    gsem[(m + 1) % 2])
            cps[m % 2].wait()
            pltpu.sync_copy(rows[m % 2], acc.at[dst_idx.at[m]], add=True)
        return 0

    lax.fori_loop(0, NMACRO, macro, 0)
    plsc.subcore_barrier()

    out_row = c * NP + row0
    for off_r, cnt in chunks:
        pltpu.sync_copy(acc.at[pl.ds(row0 + off_r, cnt)],
                        rows0.at[pl.ds(0, cnt)])
        pltpu.sync_copy(rows0.at[pl.ds(0, cnt)],
                        out.at[pl.ds(out_row + off_r, cnt)])


@functools.lru_cache(maxsize=None)
def _sc_segsum_cached(width):
    mesh = plsc.VectorSubcoreMesh(core_axis_name="c", subcore_axis_name="s")
    return pl.kernel(
        functools.partial(_sc_segsum_body, width),
        out_type=jax.ShapeDtypeStruct((2 * NP, width), jnp.float32),
        mesh=mesh,
        scratch_types=[
            pltpu.VMEM_SHARED((NP, width), jnp.float32),
            pltpu.VMEM((MB, CH), jnp.int32),
            pltpu.VMEM((MB, CH), jnp.int32),
            pltpu.VMEM((CH, width), jnp.float32),
            pltpu.VMEM((CH, width), jnp.float32),
            pltpu.SemaphoreType.DMA,
            pltpu.SemaphoreType.DMA,
            pltpu.SemaphoreType.DMA,
            pltpu.SemaphoreType.DMA,
        ],
        compiler_params=pltpu.CompilerParams(use_tc_tiling_on_sc=False),
    )


def _segsum(table, src, dst, zrows):
    return _sc_segsum_cached(table.shape[1])(table, src, dst, zrows)


BN = 2528
NBLK = NP // BN
_HI = lax.Precision.HIGHEST


def _dense0_body(x, wn, wr, b, y, r):
    xb = x[...]
    y0 = jnp.dot(xb, wn[...], preferred_element_type=jnp.float32, precision=_HI)
    y[...] = jnp.concatenate([y0, jnp.ones((BN, 16), jnp.float32)], axis=1)
    r[...] = jnp.dot(xb, wr[...], preferred_element_type=jnp.float32,
                     precision=_HI) + b[...]


def _dense0(x, wn, wr, b):
    return pl.pallas_call(
        _dense0_body,
        grid=(NBLK,),
        in_specs=[
            pl.BlockSpec((BN, D), lambda i: (i, 0)),
            pl.BlockSpec((D, D), lambda i: (0, 0)),
            pl.BlockSpec((D, D), lambda i: (0, 0)),
            pl.BlockSpec((1, D), lambda i: (0, 0)),
        ],
        out_specs=[
            pl.BlockSpec((BN, W0), lambda i: (i, 0)),
            pl.BlockSpec((BN, D), lambda i: (i, 0)),
        ],
        out_shape=[
            jax.ShapeDtypeStruct((NP, W0), jnp.float32),
            jax.ShapeDtypeStruct((NP, D), jnp.float32),
        ],
    )(x, wn, wr, b)


def _norm_layer(msg, dg, r, g, be):
    h = msg / dg + r[...]
    mu = jnp.mean(h, axis=-1, keepdims=True)
    var = jnp.mean((h - mu) * (h - mu), axis=-1, keepdims=True)
    hn = (h - mu) * lax.rsqrt(var + 1e-5) * g[...] + be[...]
    return jnp.maximum(hn, 0.0)


def _fuse_mid_body(aggA, aggB, r0, g0, be0, wn, wr, b, y1, r1, dg8):
    S = aggA[...] + aggB[...]
    dg = jnp.maximum(S[:, D:D + 1], 1.0)
    h1 = _norm_layer(S[:, :D], dg, r0, g0, be0)
    y1[...] = jnp.dot(h1, wn[...], preferred_element_type=jnp.float32,
                      precision=_HI)
    r1[...] = jnp.dot(h1, wr[...], preferred_element_type=jnp.float32,
                      precision=_HI) + b[...]
    dg8[...] = lax.broadcast_in_dim(dg, (BN, 8), (0, 1))


def _fuse_mid(agg2, r0, g0, be0, wn, wr, b):
    return pl.pallas_call(
        _fuse_mid_body,
        grid=(NBLK,),
        in_specs=[
            pl.BlockSpec((BN, W0), lambda i: (i, 0)),
            pl.BlockSpec((BN, W0), lambda i: (i + NBLK, 0)),
            pl.BlockSpec((BN, D), lambda i: (i, 0)),
            pl.BlockSpec((1, D), lambda i: (0, 0)),
            pl.BlockSpec((1, D), lambda i: (0, 0)),
            pl.BlockSpec((D, D), lambda i: (0, 0)),
            pl.BlockSpec((D, D), lambda i: (0, 0)),
            pl.BlockSpec((1, D), lambda i: (0, 0)),
        ],
        out_specs=[
            pl.BlockSpec((BN, D), lambda i: (i, 0)),
            pl.BlockSpec((BN, D), lambda i: (i, 0)),
            pl.BlockSpec((BN, 8), lambda i: (i, 0)),
        ],
        out_shape=[
            jax.ShapeDtypeStruct((NP, D), jnp.float32),
            jax.ShapeDtypeStruct((NP, D), jnp.float32),
            jax.ShapeDtypeStruct((NP, 8), jnp.float32),
        ],
    )(agg2, agg2, r0, g0, be0, wn, wr, b)


def _fuse_out_body(aggA, aggB, dg8, r1, g1, be1, batch, wc, bc, out,
                   p_acc, c_acc):
    i = pl.program_id(0)

    @pl.when(i == 0)
    def _():
        p_acc[...] = jnp.zeros_like(p_acc)
        c_acc[...] = jnp.zeros_like(c_acc)

    S = aggA[...] + aggB[...]
    h2 = _norm_layer(S, dg8[:, 0:1], r1, g1, be1)

    gids = lax.broadcasted_iota(jnp.int32, (BN, G), 1)
    m = (batch[...] == gids).astype(jnp.float32)
    p_acc[...] += lax.dot_general(m, h2, (((0,), (0,)), ((), ())),
                                  preferred_element_type=jnp.float32,
                                  precision=_HI)
    c_acc[...] += lax.dot_general(m, jnp.ones((BN, D), jnp.float32),
                                  (((0,), (0,)), ((), ())),
                                  preferred_element_type=jnp.float32,
                                  precision=_HI)

    @pl.when(i == NBLK - 1)
    def _():
        pooled = p_acc[...] / jnp.maximum(c_acc[...], 1.0)
        out[...] = jnp.dot(pooled, wc[...], preferred_element_type=jnp.float32,
                           precision=_HI) + bc[...]


def _fuse_out(agg2, dg8, r1, g1, be1, batch, wc, bc):
    return pl.pallas_call(
        _fuse_out_body,
        grid=(NBLK,),
        in_specs=[
            pl.BlockSpec((BN, D), lambda i: (i, 0)),
            pl.BlockSpec((BN, D), lambda i: (i + NBLK, 0)),
            pl.BlockSpec((BN, 8), lambda i: (i, 0)),
            pl.BlockSpec((BN, D), lambda i: (i, 0)),
            pl.BlockSpec((1, D), lambda i: (0, 0)),
            pl.BlockSpec((1, D), lambda i: (0, 0)),
            pl.BlockSpec((BN, 1), lambda i: (i, 0)),
            pl.BlockSpec((D, D), lambda i: (0, 0)),
            pl.BlockSpec((1, D), lambda i: (0, 0)),
        ],
        out_specs=pl.BlockSpec((G, D), lambda i: (0, 0)),
        out_shape=jax.ShapeDtypeStruct((G, D), jnp.float32),
        scratch_shapes=[
            pltpu.VMEM((G, D), jnp.float32),
            pltpu.VMEM((G, D), jnp.float32),
        ],
    )(agg2, agg2, dg8, r1, g1, be1, batch, wc, bc)


@jax.jit
def kernel(x, edge_index, batch, W_nbr0, W_root0, b0, g0, be0,
           W_nbr1, W_root1, b1, g1, be1, Wc, bc):
    f32 = jnp.float32
    x_pad = jnp.zeros((NP, D), f32).at[:N].set(x)
    pad_idx = DUMMY + jnp.arange(EP - E, dtype=jnp.int32) % (NP - N)
    src = jnp.concatenate([edge_index[0].astype(jnp.int32), pad_idx])
    src = src.reshape(EP // CH, CH)
    dst = jnp.concatenate([edge_index[1].astype(jnp.int32), pad_idx])
    dst = dst.reshape(EP // CH, CH)
    batch_pad = jnp.full((NP, 1), G, jnp.int32).at[:N, 0].set(batch)

    zrows0 = jnp.zeros((CH, W0), f32)
    zrows1 = jnp.zeros((CH, D), f32)

    b0r = b0.reshape(1, D)
    b1r = b1.reshape(1, D)
    g0r = g0.reshape(1, D)
    be0r = be0.reshape(1, D)
    g1r = g1.reshape(1, D)
    be1r = be1.reshape(1, D)
    bcr = bc.reshape(1, D)

    y0, r0 = _dense0(x_pad, W_nbr0, W_root0, b0r)
    agg0 = _segsum(y0, src, dst, zrows0)
    y1, r1, dg8 = _fuse_mid(agg0, r0, g0r, be0r, W_nbr1, W_root1, b1r)
    agg1 = _segsum(y1, src, dst, zrows1)
    out = _fuse_out(agg1, dg8, r1, g1r, be1r, batch_pad, Wc, bcr)
    return out

# --- scband reference (transcript-rebuilt; emitter-appended) ---
"""Pipeline reference for scband-homo-conv-90091234001075 (READ-ONLY COPY).

The authoritative reference and input builder live on the scoring server;
editing this copy changes nothing except your own understanding.
"""

import jax, jax.numpy as jnp
import numpy as np

N = 10000
E = 320000
D = 128
H = 128
O = 128
G = 32


def setup_inputs(seed: int = 0) -> dict:
    key = jax.random.key(seed)
    ks = jax.random.split(key, 16)
    x = jax.random.normal(ks[0], (N, D), dtype=jnp.float32)
    edge_index = jax.random.randint(ks[1], (2, E), 0, N, dtype=jnp.int32)
    batch = jnp.sort(jax.random.randint(ks[2], (N,), 0, G, dtype=jnp.int32))
    s = 0.05
    return {
        "x": x,
        "edge_index": edge_index,
        "batch": batch,
        "W_nbr0": jax.random.normal(ks[3], (D, H), dtype=jnp.float32) * s,
        "W_root0": jax.random.normal(ks[4], (D, H), dtype=jnp.float32) * s,
        "b0": jnp.zeros((H,), dtype=jnp.float32),
        "g0": jnp.ones((H,), dtype=jnp.float32),
        "be0": jnp.zeros((H,), dtype=jnp.float32),
        "W_nbr1": jax.random.normal(ks[5], (H, H), dtype=jnp.float32) * s,
        "W_root1": jax.random.normal(ks[6], (H, H), dtype=jnp.float32) * s,
        "b1": jnp.zeros((H,), dtype=jnp.float32),
        "g1": jnp.ones((H,), dtype=jnp.float32),
        "be1": jnp.zeros((H,), dtype=jnp.float32),
        "Wc": jax.random.normal(ks[7], (H, O), dtype=jnp.float32) * s,
        "bc": jnp.zeros((O,), dtype=jnp.float32),
    }


def _graph_conv_mean(x, edge_index, Wn, Wr, b):
    # PyG GraphConv: out_i = W_root x_i + W_nbr * mean_{j in N(i)} x_j + b
    src = edge_index[0]
    dst = edge_index[1]
    msg = jnp.take(x, src, axis=0)
    agg = jax.ops.segment_sum(msg, dst, num_segments=x.shape[0])
    deg = jax.ops.segment_sum(jnp.ones((edge_index.shape[1], 1), dtype=x.dtype), dst, num_segments=x.shape[0])
    agg = agg / jnp.clip(deg, 1.0, None)
    return agg @ Wn + x @ Wr + b


def _layer_norm(h, g, be):
    mu = jnp.mean(h, axis=-1, keepdims=True)
    var = jnp.var(h, axis=-1, keepdims=True)
    return (h - mu) / jnp.sqrt(var + 1e-5) * g + be


def reference(x, edge_index, batch, W_nbr0, W_root0, b0, g0, be0, W_nbr1, W_root1, b1, g1, be1, Wc, bc):
    h = _graph_conv_mean(x, edge_index, W_nbr0, W_root0, b0)
    h = _layer_norm(h, g0, be0)
    h = jax.nn.relu(h)
    # feat_dropout p=0.0 -> identity (eval mode)
    h = _graph_conv_mean(h, edge_index, W_nbr1, W_root1, b1)
    h = _layer_norm(h, g1, be1)
    h = jax.nn.relu(h)
    # global_mean_pool over batch ids
    summed = jax.ops.segment_sum(h, batch, num_segments=G)
    counts = jax.ops.segment_sum(jnp.ones((h.shape[0], 1), dtype=h.dtype), batch, num_segments=G)
    pooled = summed / jnp.clip(counts, 1.0, None)
    out = pooled @ Wc + bc
    return out

if __name__ == "__main__":
    import jax
    _d = setup_inputs()
    print(jax.jit(kernel)(*tuple(_d.values())))

</pallas_src>

<mosaic_0001>
#map = affine_map<(d0, d1) -> (0, 0)>
module attributes {stable_mosaic.version = 14 : i64} {
  func.func @_sc_segsum_body(%arg0: i32, %arg1: i32, %arg2: memref<10112x144xf32, #tpu.memory_space<hbm>>, %arg3: memref<2560x128xi32, #tpu.memory_space<hbm>>, %arg4: memref<2560x128xi32, #tpu.memory_space<hbm>>, %arg5: memref<128x144xf32, #tpu.memory_space<hbm>>, %arg6: memref<20224x144xf32, #tpu.memory_space<hbm>>, %arg7: memref<10112x144xf32, #tpu.memory_space<vmem_shared>>, %arg8: memref<8x128xi32, #tpu.memory_space<vmem>>, %arg9: memref<8x128xi32, #tpu.memory_space<vmem>>, %arg10: memref<128x144xf32, #tpu.memory_space<vmem>>, %arg11: memref<128x144xf32, #tpu.memory_space<vmem>>, %arg12: memref<!tpu.dma_semaphore, #tpu.memory_space<semaphore_mem>>, %arg13: memref<!tpu.dma_semaphore, #tpu.memory_space<semaphore_mem>>, %arg14: memref<!tpu.dma_semaphore, #tpu.memory_space<semaphore_mem>>, %arg15: memref<!tpu.dma_semaphore, #tpu.memory_space<semaphore_mem>>) attributes {dimension_semantics = [#tpu.dimension_semantics<core_parallel>, #tpu.dimension_semantics<subcore_parallel>], iteration_bounds = array<i64: 2, 16>, scalar_prefetch = 0 : i64, scratch_operands = 9 : i64, tpu.core_type = #tpu.core_type<sc_vector_subcore>, window_params = [{transform_indices = #map}, {transform_indices = #map}, {transform_indices = #map}, {transform_indices = #map}, {transform_indices = #map}]} {
    %mul3A = arith.constant 2 : i32
    %mul3A_0 = arith.muli %arg1, %mul3A : i32
    %add3A = arith.addi %mul3A_0, %arg0 : i32
    %mul3A_1 = arith.constant 632 : i32
    %mul3A_2 = arith.muli %arg1, %mul3A_1 : i32
    "tpu.region"() ({
      %run_scoped3A = tpu.sem_alloc : memref<!tpu.dma_semaphore, #tpu.memory_space<semaphore_mem>>
      tpu.enqueue_dma source(%arg5 : memref<128x144xf32, #tpu.memory_space<hbm>>) target(%arg10 : memref<128x144xf32, #tpu.memory_space<vmem>>) target_semaphore(%run_scoped3A : memref<!tpu.dma_semaphore, #tpu.memory_space<semaphore_mem>>)
      tpu.wait_dma2 semaphore(%run_scoped3A : memref<!tpu.dma_semaphore, #tpu.memory_space<semaphore_mem>>) src(%arg5 : memref<128x144xf32, #tpu.memory_space<hbm>>) dst(%arg10 : memref<128x144xf32, #tpu.memory_space<vmem>>)
      tpu.yield
    }) : () -> ()
    %add3A_3 = arith.constant 0 : i32
    %add3A_4 = arith.addi %mul3A_2, %add3A_3 : i32
    "tpu.region"() ({
      %run_scoped3A = tpu.sem_alloc : memref<!tpu.dma_semaphore, #tpu.memory_space<semaphore_mem>>
      %dma_start3A = arith.constant 0 : i32
      %dma_start3A_45 = arith.constant 0 : i32
      %dma_start3A_46 = tpu.memref_slice %arg10[%dma_start3A, %dma_start3A_45] : memref<128x144xf32, #tpu.memory_space<vmem>> -> memref<128x144xf32, #tpu.memory_space<vmem>>
      %dma_start3A_47 = arith.constant 0 : i32
      %dma_start3A_48 = tpu.memref_slice %arg7[%add3A_4, %dma_start3A_47] : memref<10112x144xf32, #tpu.memory_space<vmem_shared>> -> memref<128x144xf32, #tpu.memory_space<vmem_shared>>
      %dma_start3A_49 = arith.constant 0 : i32
      %dma_start3A_50 = tpu.memref_slice %arg7[%add3A_4, %dma_start3A_49] : memref<10112x144xf32, #tpu.memory_space<vmem_shared>> -> memref<128x144xf32, #tpu.memory_space<vmem_shared>>
      %dma_start3A_51 = arith.constant 0 : i32
      %dma_start3A_52 = arith.constant 0 : i32
      %dma_start3A_53 = tpu.memref_slice %arg10[%dma_start3A_51, %dma_start3A_52] : memref<128x144xf32, #tpu.memory_space<vmem>> -> memref<128x144xf32, #tpu.memory_space<vmem>>
      tpu.enqueue_dma source(%dma_start3A_53 : memref<128x144xf32, #tpu.memory_space<vmem>>) target(%dma_start3A_50 : memref<128x144xf32, #tpu.memory_space<vmem_shared>>) target_semaphore(%run_scoped3A : memref<!tpu.dma_semaphore, #tpu.memory_space<semaphore_mem>>)
      %dma_wait3A = arith.constant 0 : i32
      %dma_wait3A_54 = arith.constant 0 : i32
      %dma_wait3A_55 = tpu.memref_slice %arg10[%dma_wait3A, %dma_wait3A_54] : memref<128x144xf32, #tpu.memory_space<vmem>> -> memref<128x144xf32, #tpu.memory_space<vmem>>
      %dma_wait3A_56 = arith.constant 0 : i32
      %dma_wait3A_57 = tpu.memref_slice %arg7[%add3A_4, %dma_wait3A_56] : memref<10112x144xf32, #tpu.memory_space<vmem_shared>> -> memref<128x144xf32, #tpu.memory_space<vmem_shared>>
      %dma_wait3A_58 = arith.constant 0 : i32
      %dma_wait3A_59 = tpu.memref_slice %arg7[%add3A_4, %dma_wait3A_58] : memref<10112x144xf32, #tpu.memory_space<vmem_shared>> -> memref<128x144xf32, #tpu.memory_space<vmem_shared>>
      %dma_wait3A_60 = arith.constant 0 : i32
      %dma_wait3A_61 = arith.constant 0 : i32
      %dma_wait3A_62 = tpu.memref_slice %arg10[%dma_wait3A_60, %dma_wait3A_61] : memref<128x144xf32, #tpu.memory_space<vmem>> -> memref<128x144xf32, #tpu.memory_space<vmem>>
      tpu.wait_dma2 semaphore(%run_scoped3A : memref<!tpu.dma_semaphore, #tpu.memory_space<semaphore_mem>>) src(%dma_wait3A_62 : memref<128x144xf32, #tpu.memory_space<vmem>>) dst(%dma_wait3A_59 : memref<128x144xf32, #tpu.memory_space<vmem_shared>>)
      tpu.yield
    }) : () -> ()
    %add3A_5 = arith.constant 128 : i32
    %add3A_6 = arith.addi %mul3A_2, %add3A_5 : i32
    "tpu.region"() ({
      %run_scoped3A = tpu.sem_alloc : memref<!tpu.dma_semaphore, #tpu.memory_space<semaphore_mem>>
      %dma_start3A = arith.constant 0 : i32
      %dma_start3A_45 = arith.constant 0 : i32
      %dma_start3A_46 = tpu.memref_slice %arg10[%dma_start3A, %dma_start3A_45] : memref<128x144xf32, #tpu.memory_space<vmem>> -> memref<128x144xf32, #tpu.memory_space<vmem>>
      %dma_start3A_47 = arith.constant 0 : i32
      %dma_start3A_48 = tpu.memref_slice %arg7[%add3A_6, %dma_start3A_47] : memref<10112x144xf32, #tpu.memory_space<vmem_shared>> -> memref<128x144xf32, #tpu.memory_space<vmem_shared>>
      %dma_start3A_49 = arith.constant 0 : i32
      %dma_start3A_50 = tpu.memref_slice %arg7[%add3A_6, %dma_start3A_49] : memref<10112x144xf32, #tpu.memory_space<vmem_shared>> -> memref<128x144xf32, #tpu.memory_space<vmem_shared>>
      %dma_start3A_51 = arith.constant 0 : i32
      %dma_start3A_52 = arith.constant 0 : i32
      %dma_start3A_53 = tpu.memref_slice %arg10[%dma_start3A_51, %dma_start3A_52] : memref<128x144xf32, #tpu.memory_space<vmem>> -> memref<128x144xf32, #tpu.memory_space<vmem>>
      tpu.enqueue_dma source(%dma_start3A_53 : memref<128x144xf32, #tpu.memory_space<vmem>>) target(%dma_start3A_50 : memref<128x144xf32, #tpu.memory_space<vmem_shared>>) target_semaphore(%run_scoped3A : memref<!tpu.dma_semaphore, #tpu.memory_space<semaphore_mem>>)
      %dma_wait3A = arith.constant 0 : i32
      %dma_wait3A_54 = arith.constant 0 : i32
      %dma_wait3A_55 = tpu.memref_slice %arg10[%dma_wait3A, %dma_wait3A_54] : memref<128x144xf32, #tpu.memory_space<vmem>> -> memref<128x144xf32, #tpu.memory_space<vmem>>
      %dma_wait3A_56 = arith.constant 0 : i32
      %dma_wait3A_57 = tpu.memref_slice %arg7[%add3A_6, %dma_wait3A_56] : memref<10112x144xf32, #tpu.memory_space<vmem_shared>> -> memref<128x144xf32, #tpu.memory_space<vmem_shared>>
      %dma_wait3A_58 = arith.constant 0 : i32
      %dma_wait3A_59 = tpu.memref_slice %arg7[%add3A_6, %dma_wait3A_58] : memref<10112x144xf32, #tpu.memory_space<vmem_shared>> -> memref<128x144xf32, #tpu.memory_space<vmem_shared>>
      %dma_wait3A_60 = arith.constant 0 : i32
      %dma_wait3A_61 = arith.constant 0 : i32
      %dma_wait3A_62 = tpu.memref_slice %arg10[%dma_wait3A_60, %dma_wait3A_61] : memref<128x144xf32, #tpu.memory_space<vmem>> -> memref<128x144xf32, #tpu.memory_space<vmem>>
      tpu.wait_dma2 semaphore(%run_scoped3A : memref<!tpu.dma_semaphore, #tpu.memory_space<semaphore_mem>>) src(%dma_wait3A_62 : memref<128x144xf32, #tpu.memory_space<vmem>>) dst(%dma_wait3A_59 : memref<128x144xf32, #tpu.memory_space<vmem_shared>>)
      tpu.yield
    }) : () -> ()
    %add3A_7 = arith.constant 256 : i32
    %add3A_8 = arith.addi %mul3A_2, %add3A_7 : i32
    "tpu.region"() ({
      %run_scoped3A = tpu.sem_alloc : memref<!tpu.dma_semaphore, #tpu.memory_space<semaphore_mem>>
      %dma_start3A = arith.constant 0 : i32
      %dma_start3A_45 = arith.constant 0 : i32
      %dma_start3A_46 = tpu.memref_slice %arg10[%dma_start3A, %dma_start3A_45] : memref<128x144xf32, #tpu.memory_space<vmem>> -> memref<128x144xf32, #tpu.memory_space<vmem>>
      %dma_start3A_47 = arith.constant 0 : i32
      %dma_start3A_48 = tpu.memref_slice %arg7[%add3A_8, %dma_start3A_47] : memref<10112x144xf32, #tpu.memory_space<vmem_shared>> -> memref<128x144xf32, #tpu.memory_space<vmem_shared>>
      %dma_start3A_49 = arith.constant 0 : i32
      %dma_start3A_50 = tpu.memref_slice %arg7[%add3A_8, %dma_start3A_49] : memref<10112x144xf32, #tpu.memory_space<vmem_shared>> -> memref<128x144xf32, #tpu.memory_space<vmem_shared>>
      %dma_start3A_51 = arith.constant 0 : i32
      %dma_start3A_52 = arith.constant 0 : i32
      %dma_start3A_53 = tpu.memref_slice %arg10[%dma_start3A_51, %dma_start3A_52] : memref<128x144xf32, #tpu.memory_space<vmem>> -> memref<128x144xf32, #tpu.memory_space<vmem>>
      tpu.enqueue_dma source(%dma_start3A_53 : memref<128x144xf32, #tpu.memory_space<vmem>>) target(%dma_start3A_50 : memref<128x144xf32, #tpu.memory_space<vmem_shared>>) target_semaphore(%run_scoped3A : memref<!tpu.dma_semaphore, #tpu.memory_space<semaphore_mem>>)
      %dma_wait3A = arith.constant 0 : i32
      %dma_wait3A_54 = arith.constant 0 : i32
      %dma_wait3A_55 = tpu.memref_slice %arg10[%dma_wait3A, %dma_wait3A_54] : memref<128x144xf32, #tpu.memory_space<vmem>> -> memref<128x144xf32, #tpu.memory_space<vmem>>
      %dma_wait3A_56 = arith.constant 0 : i32
      %dma_wait3A_57 = tpu.memref_slice %arg7[%add3A_8, %dma_wait3A_56] : memref<10112x144xf32, #tpu.memory_space<vmem_shared>> -> memref<128x144xf32, #tpu.memory_space<vmem_shared>>
      %dma_wait3A_58 = arith.constant 0 : i32
      %dma_wait3A_59 = tpu.memref_slice %arg7[%add3A_8, %dma_wait3A_58] : memref<10112x144xf32, #tpu.memory_space<vmem_shared>> -> memref<128x144xf32, #tpu.memory_space<vmem_shared>>
      %dma_wait3A_60 = arith.constant 0 : i32
      %dma_wait3A_61 = arith.constant 0 : i32
      %dma_wait3A_62 = tpu.memref_slice %arg10[%dma_wait3A_60, %dma_wait3A_61] : memref<128x144xf32, #tpu.memory_space<vmem>> -> memref<128x144xf32, #tpu.memory_space<vmem>>
      tpu.wait_dma2 semaphore(%run_scoped3A : memref<!tpu.dma_semaphore, #tpu.memory_space<semaphore_mem>>) src(%dma_wait3A_62 : memref<128x144xf32, #tpu.memory_space<vmem>>) dst(%dma_wait3A_59 : memref<128x144xf32, #tpu.memory_space<vmem_shared>>)
      tpu.yield
    }) : () -> ()
    %add3A_9 = arith.constant 384 : i32
    %add3A_10 = arith.addi %mul3A_2, %add3A_9 : i32
    "tpu.region"() ({
      %run_scoped3A = tpu.sem_alloc : memref<!tpu.dma_semaphore, #tpu.memory_space<semaphore_mem>>
      %dma_start3A = arith.constant 0 : i32
      %dma_start3A_45 = arith.constant 0 : i32
      %dma_start3A_46 = tpu.memref_slice %arg10[%dma_start3A, %dma_start3A_45] : memref<128x144xf32, #tpu.memory_space<vmem>> -> memref<128x144xf32, #tpu.memory_space<vmem>>
      %dma_start3A_47 = arith.constant 0 : i32
      %dma_start3A_48 = tpu.memref_slice %arg7[%add3A_10, %dma_start3A_47] : memref<10112x144xf32, #tpu.memory_space<vmem_shared>> -> memref<128x144xf32, #tpu.memory_space<vmem_shared>>
      %dma_start3A_49 = arith.constant 0 : i32
      %dma_start3A_50 = tpu.memref_slice %arg7[%add3A_10, %dma_start3A_49] : memref<10112x144xf32, #tpu.memory_space<vmem_shared>> -> memref<128x144xf32, #tpu.memory_space<vmem_shared>>
      %dma_start3A_51 = arith.constant 0 : i32
      %dma_start3A_52 = arith.constant 0 : i32
      %dma_start3A_53 = tpu.memref_slice %arg10[%dma_start3A_51, %dma_start3A_52] : memref<128x144xf32, #tpu.memory_space<vmem>> -> memref<128x144xf32, #tpu.memory_space<vmem>>
      tpu.enqueue_dma source(%dma_start3A_53 : memref<128x144xf32, #tpu.memory_space<vmem>>) target(%dma_start3A_50 : memref<128x144xf32, #tpu.memory_space<vmem_shared>>) target_semaphore(%run_scoped3A : memref<!tpu.dma_semaphore, #tpu.memory_space<semaphore_mem>>)
      %dma_wait3A = arith.constant 0 : i32
      %dma_wait3A_54 = arith.constant 0 : i32
      %dma_wait3A_55 = tpu.memref_slice %arg10[%dma_wait3A, %dma_wait3A_54] : memref<128x144xf32, #tpu.memory_space<vmem>> -> memref<128x144xf32, #tpu.memory_space<vmem>>
      %dma_wait3A_56 = arith.constant 0 : i32
      %dma_wait3A_57 = tpu.memref_slice %arg7[%add3A_10, %dma_wait3A_56] : memref<10112x144xf32, #tpu.memory_space<vmem_shared>> -> memref<128x144xf32, #tpu.memory_space<vmem_shared>>
      %dma_wait3A_58 = arith.constant 0 : i32
      %dma_wait3A_59 = tpu.memref_slice %arg7[%add3A_10, %dma_wait3A_58] : memref<10112x144xf32, #tpu.memory_space<vmem_shared>> -> memref<128x144xf32, #tpu.memory_space<vmem_shared>>
      %dma_wait3A_60 = arith.constant 0 : i32
      %dma_wait3A_61 = arith.constant 0 : i32
      %dma_wait3A_62 = tpu.memref_slice %arg10[%dma_wait3A_60, %dma_wait3A_61] : memref<128x144xf32, #tpu.memory_space<vmem>> -> memref<128x144xf32, #tpu.memory_space<vmem>>
      tpu.wait_dma2 semaphore(%run_scoped3A : memref<!tpu.dma_semaphore, #tpu.memory_space<semaphore_mem>>) src(%dma_wait3A_62 : memref<128x144xf32, #tpu.memory_space<vmem>>) dst(%dma_wait3A_59 : memref<128x144xf32, #tpu.memory_space<vmem_shared>>)
      tpu.yield
    }) : () -> ()
    %add3A_11 = arith.constant 512 : i32
    %add3A_12 = arith.addi %mul3A_2, %add3A_11 : i32
    "tpu.region"() ({
      %run_scoped3A = tpu.sem_alloc : memref<!tpu.dma_semaphore, #tpu.memory_space<semaphore_mem>>
      %dma_start3A = arith.constant 0 : i32
      %dma_start3A_45 = arith.constant 0 : i32
      %dma_start3A_46 = tpu.memref_slice %arg10[%dma_start3A, %dma_start3A_45] : memref<128x144xf32, #tpu.memory_space<vmem>> -> memref<120x144xf32, #tpu.memory_space<vmem>>
      %dma_start3A_47 = arith.constant 0 : i32
      %dma_start3A_48 = tpu.memref_slice %arg7[%add3A_12, %dma_start3A_47] : memref<10112x144xf32, #tpu.memory_space<vmem_shared>> -> memref<120x144xf32, #tpu.memory_space<vmem_shared>>
      %dma_start3A_49 = arith.constant 0 : i32
      %dma_start3A_50 = tpu.memref_slice %arg7[%add3A_12, %dma_start3A_49] : memref<10112x144xf32, #tpu.memory_space<vmem_shared>> -> memref<120x144xf32, #tpu.memory_space<vmem_shared>>
      %dma_start3A_51 = arith.constant 0 : i32
      %dma_start3A_52 = arith.constant 0 : i32
      %dma_start3A_53 = tpu.memref_slice %arg10[%dma_start3A_51, %dma_start3A_52] : memref<128x144xf32, #tpu.memory_space<vmem>> -> memref<120x144xf32, #tpu.memory_space<vmem>>
      tpu.enqueue_dma source(%dma_start3A_53 : memref<120x144xf32, #tpu.memory_space<vmem>>) target(%dma_start3A_50 : memref<120x144xf32, #tpu.memory_space<vmem_shared>>) target_semaphore(%run_scoped3A : memref<!tpu.dma_semaphore, #tpu.memory_space<semaphore_mem>>)
      %dma_wait3A = arith.constant 0 : i32
      %dma_wait3A_54 = arith.constant 0 : i32
      %dma_wait3A_55 = tpu.memref_slice %arg10[%dma_wait3A, %dma_wait3A_54] : memref<128x144xf32, #tpu.memory_space<vmem>> -> memref<120x144xf32, #tpu.memory_space<vmem>>
      %dma_wait3A_56 = arith.constant 0 : i32
      %dma_wait3A_57 = tpu.memref_slice %arg7[%add3A_12, %dma_wait3A_56] : memref<10112x144xf32, #tpu.memory_space<vmem_shared>> -> memref<120x144xf32, #tpu.memory_space<vmem_shared>>
      %dma_wait3A_58 = arith.constant 0 : i32
      %dma_wait3A_59 = tpu.memref_slice %arg7[%add3A_12, %dma_wait3A_58] : memref<10112x144xf32, #tpu.memory_space<vmem_shared>> -> memref<120x144xf32, #tpu.memory_space<vmem_shared>>
      %dma_wait3A_60 = arith.constant 0 : i32
      %dma_wait3A_61 = arith.constant 0 : i32
      %dma_wait3A_62 = tpu.memref_slice %arg10[%dma_wait3A_60, %dma_wait3A_61] : memref<128x144xf32, #tpu.memory_space<vmem>> -> memref<120x144xf32, #tpu.memory_space<vmem>>
      tpu.wait_dma2 semaphore(%run_scoped3A : memref<!tpu.dma_semaphore, #tpu.memory_space<semaphore_mem>>) src(%dma_wait3A_62 : memref<120x144xf32, #tpu.memory_space<vmem>>) dst(%dma_wait3A_59 : memref<120x144xf32, #tpu.memory_space<vmem_shared>>)
      tpu.yield
    }) : () -> ()
    %barrier3A = arith.constant 0 : index
    tpu.barrier barrier_id(%barrier3A)
    %mul3A_13 = arith.constant 80 : i32
    %mul3A_14 = arith.muli %add3A, %mul3A_13 : i32
    %scan3A = arith.constant 0 : i32
    %scan3A_15 = arith.constant 0 : i32
    %scan3A_16 = arith.constant 10 : i32
    %scan3A_17 = arith.addi %scan3A_15, %scan3A_16 : i32
    %scan3A_18 = arith.constant 1 : i32
    %scan3A_19 = scf.for %scan3A_45 = %scan3A_15 to %scan3A_17 step %scan3A_18 iter_args(%scan3A_46 = %scan3A) -> (i32)  : i32 {
      %mul3A_47 = arith.constant 8 : i32
      %mul3A_48 = arith.muli %scan3A_45, %mul3A_47 : i32
      %add3A_49 = arith.addi %mul3A_14, %mul3A_48 : i32
      "tpu.region"() ({
        %run_scoped3A_168 = tpu.sem_alloc : memref<!tpu.dma_semaphore, #tpu.memory_space<semaphore_mem>>
        %dma_start3A_169 = arith.constant 0 : i32
        %dma_start3A_170 = tpu.memref_slice %arg3[%add3A_49, %dma_start3A_169] : memref<2560x128xi32, #tpu.memory_space<hbm>> -> memref<8x128xi32, #tpu.memory_space<hbm>>
        %dma_start3A_171 = arith.constant 0 : i32
        %dma_start3A_172 = tpu.memref_slice %arg3[%add3A_49, %dma_start3A_171] : memref<2560x128xi32, #tpu.memory_space<hbm>> -> memref<8x128xi32, #tpu.memory_space<hbm>>
        tpu.enqueue_dma source(%dma_start3A_172 : memref<8x128xi32, #tpu.memory_space<hbm>>) target(%arg8 : memref<8x128xi32, #tpu.memory_space<vmem>>) target_semaphore(%run_scoped3A_168 : memref<!tpu.dma_semaphore, #tpu.memory_space<semaphore_mem>>)
        %dma_wait3A_173 = arith.constant 0 : i32
        %dma_wait3A_174 = tpu.memref_slice %arg3[%add3A_49, %dma_wait3A_173] : memref<2560x128xi32, #tpu.memory_space<hbm>> -> memref<8x128xi32, #tpu.memory_space<hbm>>
        %dma_wait3A_175 = arith.constant 0 : i32
        %dma_wait3A_176 = tpu.memref_slice %arg3[%add3A_49, %dma_wait3A_175] : memref<2560x128xi32, #tpu.memory_space<hbm>> -> memref<8x128xi32, #tpu.memory_space<hbm>>
        tpu.wait_dma2 semaphore(%run_scoped3A_168 : memref<!tpu.dma_semaphore, #tpu.memory_space<semaphore_mem>>) src(%dma_wait3A_176 : memref<8x128xi32, #tpu.memory_space<hbm>>) dst(%arg8 : memref<8x128xi32, #tpu.memory_space<vmem>>)
        tpu.yield
      }) : () -> ()
      "tpu.region"() ({
        %run_scoped3A_168 = tpu.sem_alloc : memref<!tpu.dma_semaphore, #tpu.memory_space<semaphore_mem>>
        %dma_start3A_169 = arith.constant 0 : i32
        %dma_start3A_170 = tpu.memref_slice %arg4[%add3A_49, %dma_start3A_169] : memref<2560x128xi32, #tpu.memory_space<hbm>> -> memref<8x128xi32, #tpu.memory_space<hbm>>
        %dma_start3A_171 = arith.constant 0 : i32
        %dma_start3A_172 = tpu.memref_slice %arg4[%add3A_49, %dma_start3A_171] : memref<2560x128xi32, #tpu.memory_space<hbm>> -> memref<8x128xi32, #tpu.memory_space<hbm>>
        tpu.enqueue_dma source(%dma_start3A_172 : memref<8x128xi32, #tpu.memory_space<hbm>>) target(%arg9 : memref<8x128xi32, #tpu.memory_space<vmem>>) target_semaphore(%run_scoped3A_168 : memref<!tpu.dma_semaphore, #tpu.memory_space<semaphore_mem>>)
        %dma_wait3A_173 = arith.constant 0 : i32
        %dma_wait3A_174 = tpu.memref_slice %arg4[%add3A_49, %dma_wait3A_173] : memref<2560x128xi32, #tpu.memory_space<hbm>> -> memref<8x128xi32, #tpu.memory_space<hbm>>
        %dma_wait3A_175 = arith.constant 0 : i32
        %dma_wait3A_176 = tpu.memref_slice %arg4[%add3A_49, %dma_wait3A_175] : memref<2560x128xi32, #tpu.memory_space<hbm>> -> memref<8x128xi32, #tpu.memory_space<hbm>>
        tpu.wait_dma2 semaphore(%run_scoped3A_168 : memref<!tpu.dma_semaphore, #tpu.memory_space<semaphore_mem>>) src(%dma_wait3A_176 : memref<8x128xi32, #tpu.memory_space<hbm>>) dst(%arg9 : memref<8x128xi32, #tpu.memory_space<vmem>>)
        tpu.yield
      }) : () -> ()
      %dma_start3A = arith.constant 0 : i32
      %dma_start3A_50 = arith.constant 0 : i32
      %dma_start3A_51 = tpu.memref_slice %arg8[%dma_start3A, %dma_start3A_50] : memref<8x128xi32, #tpu.memory_space<vmem>> -> memref<1x128xi32, #tpu.memory_space<vmem>>
      %dma_start3A_52 = tpu.memref_squeeze %dma_start3A_51 : memref<1x128xi32, #tpu.memory_space<vmem>> -> memref<128xi32, #tpu.memory_space<vmem>>
      %dma_start3A_53 = arith.constant 0 : i32
      %dma_start3A_54 = arith.constant 0 : i32
      %dma_start3A_55 = tpu.memref_slice %arg2[%dma_start3A_53, %dma_start3A_54] : memref<10112x144xf32, #tpu.memory_space<hbm>> -> memref<10112x144xf32, #tpu.memory_space<hbm>>
      tpu.enqueue_indirect_dma source(%dma_start3A_55 : memref<10112x144xf32, #tpu.memory_space<hbm>>) target(%arg10 : memref<128x144xf32, #tpu.memory_space<vmem>>) offsets(%dma_start3A_52 : memref<128xi32, #tpu.memory_space<vmem>>) semaphore(%arg12 : memref<!tpu.dma_semaphore, #tpu.memory_space<semaphore_mem>>)
      %dma_start3A_56 = arith.constant 1 : i32
      %dma_start3A_57 = arith.constant 0 : i32
      %dma_start3A_58 = tpu.memref_slice %arg8[%dma_start3A_56, %dma_start3A_57] : memref<8x128xi32, #tpu.memory_space<vmem>> -> memref<1x128xi32, #tpu.memory_space<vmem>>
      %dma_start3A_59 = tpu.memref_squeeze %dma_start3A_58 : memref<1x128xi32, #tpu.memory_space<vmem>> -> memref<128xi32, #tpu.memory_space<vmem>>
      %dma_start3A_60 = arith.constant 0 : i32
      %dma_start3A_61 = arith.constant 0 : i32
      %dma_start3A_62 = tpu.memref_slice %arg2[%dma_start3A_60, %dma_start3A_61] : memref<10112x144xf32, #tpu.memory_space<hbm>> -> memref<10112x144xf32, #tpu.memory_space<hbm>>
      tpu.enqueue_indirect_dma source(%dma_start3A_62 : memref<10112x144xf32, #tpu.memory_space<hbm>>) target(%arg11 : memref<128x144xf32, #tpu.memory_space<vmem>>) offsets(%dma_start3A_59 : memref<128xi32, #tpu.memory_space<vmem>>) semaphore(%arg13 : memref<!tpu.dma_semaphore, #tpu.memory_space<semaphore_mem>>)
      %dma_wait3A = arith.constant 0 : i32
      %dma_wait3A_63 = arith.constant 0 : i32
      %dma_wait3A_64 = tpu.memref_slice %arg8[%dma_wait3A, %dma_wait3A_63] : memref<8x128xi32, #tpu.memory_space<vmem>> -> memref<1x128xi32, #tpu.memory_space<vmem>>
      %dma_wait3A_65 = tpu.memref_squeeze %dma_wait3A_64 : memref<1x128xi32, #tpu.memory_space<vmem>> -> memref<128xi32, #tpu.memory_space<vmem>>
      %dma_wait3A_66 = arith.constant 0 : i32
      %dma_wait3A_67 = arith.constant 0 : i32
      %dma_wait3A_68 = tpu.memref_slice %arg2[%dma_wait3A_66, %dma_wait3A_67] : memref<10112x144xf32, #tpu.memory_space<hbm>> -> memref<10112x144xf32, #tpu.memory_space<hbm>>
      tpu.wait_indirect_dma semaphore(%arg12 : memref<!tpu.dma_semaphore, #tpu.memory_space<semaphore_mem>>) src(%dma_wait3A_68 : memref<10112x144xf32, #tpu.memory_space<hbm>>) dst(%arg10 : memref<128x144xf32, #tpu.memory_space<vmem>>)
      %run_scoped3A = arith.constant 0 : i32
      "tpu.region"() ({
        %run_scoped3A_168 = tpu.sem_alloc : memref<!tpu.dma_semaphore, #tpu.memory_space<semaphore_mem>>
        %dma_start3A_169 = arith.constant 0 : i32
        %dma_start3A_170 = tpu.memref_slice %arg9[%run_scoped3A, %dma_start3A_169] : memref<8x128xi32, #tpu.memory_space<vmem>> -> memref<1x128xi32, #tpu.memory_space<vmem>>
        %dma_start3A_171 = tpu.memref_squeeze %dma_start3A_170 : memref<1x128xi32, #tpu.memory_space<vmem>> -> memref<128xi32, #tpu.memory_space<vmem>>
        %dma_start3A_172 = arith.constant 0 : i32
        %dma_start3A_173 = arith.constant 0 : i32
        %dma_start3A_174 = tpu.memref_slice %arg7[%dma_start3A_172, %dma_start3A_173] : memref<10112x144xf32, #tpu.memory_space<vmem_shared>> -> memref<10112x144xf32, #tpu.memory_space<vmem_shared>>
        tpu.enqueue_indirect_dma source(%arg10 : memref<128x144xf32, #tpu.memory_space<vmem>>) target(%dma_start3A_174 : memref<10112x144xf32, #tpu.memory_space<vmem_shared>>) offsets(%dma_start3A_171 : memref<128xi32, #tpu.memory_space<vmem>>) semaphore(%run_scoped3A_168 : memref<!tpu.dma_semaphore, #tpu.memory_space<semaphore_mem>>) {add = true}
        %dma_wait3A_175 = arith.constant 0 : i32
        %dma_wait3A_176 = tpu.memref_slice %arg9[%run_scoped3A, %dma_wait3A_175] : memref<8x128xi32, #tpu.memory_space<vmem>> -> memref<1x128xi32, #tpu.memory_space<vmem>>
        %dma_wait3A_177 = tpu.memref_squeeze %dma_wait3A_176 : memref<1x128xi32, #tpu.memory_space<vmem>> -> memref<128xi32, #tpu.memory_space<vmem>>
        %dma_wait3A_178 = arith.constant 0 : i32
        %dma_wait3A_179 = arith.constant 0 : i32
        %dma_wait3A_180 = tpu.memref_slice %arg7[%dma_wait3A_178, %dma_wait3A_179] : memref<10112x144xf32, #tpu.memory_space<vmem_shared>> -> memref<10112x144xf32, #tpu.memory_space<vmem_shared>>
        tpu.wait_indirect_dma semaphore(%run_scoped3A_168 : memref<!tpu.dma_semaphore, #tpu.memory_space<semaphore_mem>>) src(%arg10 : memref<128x144xf32, #tpu.memory_space<vmem>>) dst(%dma_wait3A_180 : memref<10112x144xf32, #tpu.memory_space<vmem_shared>>)
        tpu.yield
      }) : () -> ()
      %dma_start3A_69 = arith.constant 2 : i32
      %dma_start3A_70 = arith.constant 0 : i32
      %dma_start3A_71 = tpu.memref_slice %arg8[%dma_start3A_69, %dma_start3A_70] : memref<8x128xi32, #tpu.memory_space<vmem>> -> memref<1x128xi32, #tpu.memory_space<vmem>>
      %dma_start3A_72 = tpu.memref_squeeze %dma_start3A_71 : memref<1x128xi32, #tpu.memory_space<vmem>> -> memref<128xi32, #tpu.memory_space<vmem>>
      %dma_start3A_73 = arith.constant 0 : i32
      %dma_start3A_74 = arith.constant 0 : i32
      %dma_start3A_75 = tpu.memref_slice %arg2[%dma_start3A_73, %dma_start3A_74] : memref<10112x144xf32, #tpu.memory_space<hbm>> -> memref<10112x144xf32, #tpu.memory_space<hbm>>
      tpu.enqueue_indirect_dma source(%dma_start3A_75 : memref<10112x144xf32, #tpu.memory_space<hbm>>) target(%arg10 : memref<128x144xf32, #tpu.memory_space<vmem>>) offsets(%dma_start3A_72 : memref<128xi32, #tpu.memory_space<vmem>>) semaphore(%arg12 : memref<!tpu.dma_semaphore, #tpu.memory_space<semaphore_mem>>)
      %dma_wait3A_76 = arith.constant 1 : i32
      %dma_wait3A_77 = arith.constant 0 : i32
      %dma_wait3A_78 = tpu.memref_slice %arg8[%dma_wait3A_76, %dma_wait3A_77] : memref<8x128xi32, #tpu.memory_space<vmem>> -> memref<1x128xi32, #tpu.memory_space<vmem>>
      %dma_wait3A_79 = tpu.memref_squeeze %dma_wait3A_78 : memref<1x128xi32, #tpu.memory_space<vmem>> -> memref<128xi32, #tpu.memory_space<vmem>>
      %dma_wait3A_80 = arith.constant 0 : i32
      %dma_wait3A_81 = arith.constant 0 : i32
      %dma_wait3A_82 = tpu.memref_slice %arg2[%dma_wait3A_80, %dma_wait3A_81] : memref<10112x144xf32, #tpu.memory_space<hbm>> -> memref<10112x144xf32, #tpu.memory_space<hbm>>
      tpu.wait_indirect_dma semaphore(%arg13 : memref<!tpu.dma_semaphore, #tpu.memory_space<semaphore_mem>>) src(%dma_wait3A_82 : memref<10112x144xf32, #tpu.memory_space<hbm>>) dst(%arg11 : memref<128x144xf32, #tpu.memory_space<vmem>>)
      %run_scoped3A_83 = arith.constant 1 : i32
      "tpu.region"() ({
        %run_scoped3A_168 = tpu.sem_alloc : memref<!tpu.dma_semaphore, #tpu.memory_space<semaphore_mem>>
        %dma_start3A_169 = arith.constant 0 : i32
        %dma_start3A_170 = tpu.memref_slice %arg9[%run_scoped3A_83, %dma_start3A_169] : memref<8x128xi32, #tpu.memory_space<vmem>> -> memref<1x128xi32, #tpu.memory_space<vmem>>
        %dma_start3A_171 = tpu.memref_squeeze %dma_start3A_170 : memref<1x128xi32, #tpu.memory_space<vmem>> -> memref<128xi32, #tpu.memory_space<vmem>>
        %dma_start3A_172 = arith.constant 0 : i32
        %dma_start3A_173 = arith.constant 0 : i32
        %dma_start3A_174 = tpu.memref_slice %arg7[%dma_start3A_172, %dma_start3A_173] : memref<10112x144xf32, #tpu.memory_space<vmem_shared>> -> memref<10112x144xf32, #tpu.memory_space<vmem_shared>>
        tpu.enqueue_indirect_dma source(%arg11 : memref<128x144xf32, #tpu.memory_space<vmem>>) target(%dma_start3A_174 : memref<10112x144xf32, #tpu.memory_space<vmem_shared>>) offsets(%dma_start3A_171 : memref<128xi32, #tpu.memory_space<vmem>>) semaphore(%run_scoped3A_168 : memref<!tpu.dma_semaphore, #tpu.memory_space<semaphore_mem>>) {add = true}
        %dma_wait3A_175 = arith.constant 0 : i32
        %dma_wait3A_176 = tpu.memref_slice %arg9[%run_scoped3A_83, %dma_wait3A_175] : memref<8x128xi32, #tpu.memory_space<vmem>> -> memref<1x128xi32, #tpu.memory_space<vmem>>
        %dma_wait3A_177 = tpu.memref_squeeze %dma_wait3A_176 : memref<1x128xi32, #tpu.memory_space<vmem>> -> memref<128xi32, #tpu.memory_space<vmem>>
        %dma_wait3A_178 = arith.constant 0 : i32
        %dma_wait3A_179 = arith.constant 0 : i32
        %dma_wait3A_180 = tpu.memref_slice %arg7[%dma_wait3A_178, %dma_wait3A_179] : memref<10112x144xf32, #tpu.memory_space<vmem_shared>> -> memref<10112x144xf32, #tpu.memory_space<vmem_shared>>
        tpu.wait_indirect_dma semaphore(%run_scoped3A_168 : memref<!tpu.dma_semaphore, #tpu.memory_space<semaphore_mem>>) src(%arg11 : memref<128x144xf32, #tpu.memory_space<vmem>>) dst(%dma_wait3A_180 : memref<10112x144xf32, #tpu.memory_space<vmem_shared>>)
        tpu.yield
      }) : () -> ()
      %dma_start3A_84 = arith.constant 3 : i32
      %dma_start3A_85 = arith.constant 0 : i32
      %dma_start3A_86 = tpu.memref_slice %arg8[%dma_start3A_84, %dma_start3A_85] : memref<8x128xi32, #tpu.memory_space<vmem>> -> memref<1x128xi32, #tpu.memory_space<vmem>>
      %dma_start3A_87 = tpu.memref_squeeze %dma_start3A_86 : memref<1x128xi32, #tpu.memory_space<vmem>> -> memref<128xi32, #tpu.memory_space<vmem>>
      %dma_start3A_88 = arith.constant 0 : i32
      %dma_start3A_89 = arith.constant 0 : i32
      %dma_start3A_90 = tpu.memref_slice %arg2[%dma_start3A_88, %dma_start3A_89] : memref<10112x144xf32, #tpu.memory_space<hbm>> -> memref<10112x144xf32, #tpu.memory_space<hbm>>
      tpu.enqueue_indirect_dma source(%dma_start3A_90 : memref<10112x144xf32, #tpu.memory_space<hbm>>) target(%arg11 : memref<128x144xf32, #tpu.memory_space<vmem>>) offsets(%dma_start3A_87 : memref<128xi32, #tpu.memory_space<vmem>>) semaphore(%arg13 : memref<!tpu.dma_semaphore, #tpu.memory_space<semaphore_mem>>)
      %dma_wait3A_91 = arith.constant 2 : i32
      %dma_wait3A_92 = arith.constant 0 : i32
      %dma_wait3A_93 = tpu.memref_slice %arg8[%dma_wait3A_91, %dma_wait3A_92] : memref<8x128xi32, #tpu.memory_space<vmem>> -> memref<1x128xi32, #tpu.memory_space<vmem>>
      %dma_wait3A_94 = tpu.memref_squeeze %dma_wait3A_93 : memref<1x128xi32, #tpu.memory_space<vmem>> -> memref<128xi32, #tpu.memory_space<vmem>>
      %dma_wait3A_95 = arith.constant 0 : i32
      %dma_wait3A_96 = arith.constant 0 : i32
      %dma_wait3A_97 = tpu.memref_slice %arg2[%dma_wait3A_95, %dma_wait3A_96] : memref<10112x144xf32, #tpu.memory_space<hbm>> -> memref<10112x144xf32, #tpu.memory_space<hbm>>
      tpu.wait_indirect_dma semaphore(%arg12 : memref<!tpu.dma_semaphore, #tpu.memory_space<semaphore_mem>>) src(%dma_wait3A_97 : memref<10112x144xf32, #tpu.memory_space<hbm>>) dst(%arg10 : memref<128x144xf32, #tpu.memory_space<vmem>>)
      %run_scoped3A_98 = arith.constant 2 : i32
      "tpu.region"() ({
        %run_scoped3A_168 = tpu.sem_alloc : memref<!tpu.dma_semaphore, #tpu.memory_space<semaphore_mem>>
        %dma_start3A_169 = arith.constant 0 : i32
        %dma_start3A_170 = tpu.memref_slice %arg9[%run_scoped3A_98, %dma_start3A_169] : memref<8x128xi32, #tpu.memory_space<vmem>> -> memref<1x128xi32, #tpu.memory_space<vmem>>
        %dma_start3A_171 = tpu.memref_squeeze %dma_start3A_170 : memref<1x128xi32, #tpu.memory_space<vmem>> -> memref<128xi32, #tpu.memory_space<vmem>>
        %dma_start3A_172 = arith.constant 0 : i32
        %dma_start3A_173 = arith.constant 0 : i32
        %dma_start3A_174 = tpu.memref_slice %arg7[%dma_start3A_172, %dma_start3A_173] : memref<10112x144xf32, #tpu.memory_space<vmem_shared>> -> memref<10112x144xf32, #tpu.memory_space<vmem_shared>>
        tpu.enqueue_indirect_dma source(%arg10 : memref<128x144xf32, #tpu.memory_space<vmem>>) target(%dma_start3A_174 : memref<10112x144xf32, #tpu.memory_space<vmem_shared>>) offsets(%dma_start3A_171 : memref<128xi32, #tpu.memory_space<vmem>>) semaphore(%run_scoped3A_168 : memref<!tpu.dma_semaphore, #tpu.memory_space<semaphore_mem>>) {add = true}
        %dma_wait3A_175 = arith.constant 0 : i32
        %dma_wait3A_176 = tpu.memref_slice %arg9[%run_scoped3A_98, %dma_wait3A_175] : memref<8x128xi32, #tpu.memory_space<vmem>> -> memref<1x128xi32, #tpu.memory_space<vmem>>
        %dma_wait3A_177 = tpu.memref_squeeze %dma_wait3A_176 : memref<1x128xi32, #tpu.memory_space<vmem>> -> memref<128xi32, #tpu.memory_space<vmem>>
        %dma_wait3A_178 = arith.constant 0 : i32
        %dma_wait3A_179 = arith.constant 0 : i32
        %dma_wait3A_180 = tpu.memref_slice %arg7[%dma_wait3A_178, %dma_wait3A_179] : memref<10112x144xf32, #tpu.memory_space<vmem_shared>> -> memref<10112x144xf32, #tpu.memory_space<vmem_shared>>
        tpu.wait_indirect_dma semaphore(%run_scoped3A_168 : memref<!tpu.dma_semaphore, #tpu.memory_space<semaphore_mem>>) src(%arg10 : memref<128x144xf32, #tpu.memory_space<vmem>>) dst(%dma_wait3A_180 : memref<10112x144xf32, #tpu.memory_space<vmem_shared>>)
        tpu.yield
      }) : () -> ()
      %dma_start3A_99 = arith.constant 4 : i32
      %dma_start3A_100 = arith.constant 0 : i32
      %dma_start3A_101 = tpu.memref_slice %arg8[%dma_start3A_99, %dma_start3A_100] : memref<8x128xi32, #tpu.memory_space<vmem>> -> memref<1x128xi32, #tpu.memory_space<vmem>>
      %dma_start3A_102 = tpu.memref_squeeze %dma_start3A_101 : memref<1x128xi32, #tpu.memory_space<vmem>> -> memref<128xi32, #tpu.memory_space<vmem>>
      %dma_start3A_103 = arith.constant 0 : i32
      %dma_start3A_104 = arith.constant 0 : i32
      %dma_start3A_105 = tpu.memref_slice %arg2[%dma_start3A_103, %dma_start3A_104] : memref<10112x144xf32, #tpu.memory_space<hbm>> -> memref<10112x144xf32, #tpu.memory_space<hbm>>
      tpu.enqueue_indirect_dma source(%dma_start3A_105 : memref<10112x144xf32, #tpu.memory_space<hbm>>) target(%arg10 : memref<128x144xf32, #tpu.memory_space<vmem>>) offsets(%dma_start3A_102 : memref<128xi32, #tpu.memory_space<vmem>>) semaphore(%arg12 : memref<!tpu.dma_semaphore, #tpu.memory_space<semaphore_mem>>)
      %dma_wait3A_106 = arith.constant 3 : i32
      %dma_wait3A_107 = arith.constant 0 : i32
      %dma_wait3A_108 = tpu.memref_slice %arg8[%dma_wait3A_106, %dma_wait3A_107] : memref<8x128xi32, #tpu.memory_space<vmem>> -> memref<1x128xi32, #tpu.memory_space<vmem>>
      %dma_wait3A_109 = tpu.memref_squeeze %dma_wait3A_108 : memref<1x128xi32, #tpu.memory_space<vmem>> -> memref<128xi32, #tpu.memory_space<vmem>>
      %dma_wait3A_110 = arith.constant 0 : i32
      %dma_wait3A_111 = arith.constant 0 : i32
      %dma_wait3A_112 = tpu.memref_slice %arg2[%dma_wait3A_110, %dma_wait3A_111] : memref<10112x144xf32, #tpu.memory_space<hbm>> -> memref<10112x144xf32, #tpu.memory_space<hbm>>
      tpu.wait_indirect_dma semaphore(%arg13 : memref<!tpu.dma_semaphore, #tpu.memory_space<semaphore_mem>>) src(%dma_wait3A_112 : memref<10112x144xf32, #tpu.memory_space<hbm>>) dst(%arg11 : memref<128x144xf32, #tpu.memory_space<vmem>>)
      %run_scoped3A_113 = arith.constant 3 : i32
      "tpu.region"() ({
        %run_scoped3A_168 = tpu.sem_alloc : memref<!tpu.dma_semaphore, #tpu.memory_space<semaphore_mem>>
        %dma_start3A_169 = arith.constant 0 : i32
        %dma_start3A_170 = tpu.memref_slice %arg9[%run_scoped3A_113, %dma_start3A_169] : memref<8x128xi32, #tpu.memory_space<vmem>> -> memref<1x128xi32, #tpu.memory_space<vmem>>
        %dma_start3A_171 = tpu.memref_squeeze %dma_start3A_170 : memref<1x128xi32, #tpu.memory_space<vmem>> -> memref<128xi32, #tpu.memory_space<vmem>>
        %dma_start3A_172 = arith.constant 0 : i32
        %dma_start3A_173 = arith.constant 0 : i32
        %dma_start3A_174 = tpu.memref_slice %arg7[%dma_start3A_172, %dma_start3A_173] : memref<10112x144xf32, #tpu.memory_space<vmem_shared>> -> memref<10112x144xf32, #tpu.memory_space<vmem_shared>>
        tpu.enqueue_indirect_dma source(%arg11 : memref<128x144xf32, #tpu.memory_space<vmem>>) target(%dma_start3A_174 : memref<10112x144xf32, #tpu.memory_space<vmem_shared>>) offsets(%dma_start3A_171 : memref<128xi32, #tpu.memory_space<vmem>>) semaphore(%run_scoped3A_168 : memref<!tpu.dma_semaphore, #tpu.memory_space<semaphore_mem>>) {add = true}
        %dma_wait3A_175 = arith.constant 0 : i32
        %dma_wait3A_176 = tpu.memref_slice %arg9[%run_scoped3A_113, %dma_wait3A_175] : memref<8x128xi32, #tpu.memory_space<vmem>> -> memref<1x128xi32, #tpu.memory_space<vmem>>
        %dma_wait3A_177 = tpu.memref_squeeze %dma_wait3A_176 : memref<1x128xi32, #tpu.memory_space<vmem>> -> memref<128xi32, #tpu.memory_space<vmem>>
        %dma_wait3A_178 = arith.constant 0 : i32
        %dma_wait3A_179 = arith.constant 0 : i32
        %dma_wait3A_180 = tpu.memref_slice %arg7[%dma_wait3A_178, %dma_wait3A_179] : memref<10112x144xf32, #tpu.memory_space<vmem_shared>> -> memref<10112x144xf32, #tpu.memory_space<vmem_shared>>
        tpu.wait_indirect_dma semaphore(%run_scoped3A_168 : memref<!tpu.dma_semaphore, #tpu.memory_space<semaphore_mem>>) src(%arg11 : memref<128x144xf32, #tpu.memory_space<vmem>>) dst(%dma_wait3A_180 : memref<10112x144xf32, #tpu.memory_space<vmem_shared>>)
        tpu.yield
      }) : () -> ()
      %dma_start3A_114 = arith.constant 5 : i32
      %dma_start3A_115 = arith.constant 0 : i32
      %dma_start3A_116 = tpu.memref_slice %arg8[%dma_start3A_114, %dma_start3A_115] : memref<8x128xi32, #tpu.memory_space<vmem>> -> memref<1x128xi32, #tpu.memory_space<vmem>>
      %dma_start3A_117 = tpu.memref_squeeze %dma_start3A_116 : memref<1x128xi32, #tpu.memory_space<vmem>> -> memref<128xi32, #tpu.memory_space<vmem>>
      %dma_start3A_118 = arith.constant 0 : i32
      %dma_start3A_119 = arith.constant 0 : i32
      %dma_start3A_120 = tpu.memref_slice %arg2[%dma_start3A_118, %dma_start3A_119] : memref<10112x144xf32, #tpu.memory_space<hbm>> -> memref<10112x144xf32, #tpu.memory_space<hbm>>
      tpu.enqueue_indirect_dma source(%dma_start3A_120 : memref<10112x144xf32, #tpu.memory_space<hbm>>) target(%arg11 : memref<128x144xf32, #tpu.memory_space<vmem>>) offsets(%dma_start3A_117 : memref<128xi32, #tpu.memory_space<vmem>>) semaphore(%arg13 : memref<!tpu.dma_semaphore, #tpu.memory_space<semaphore_mem>>)
      %dma_wait3A_121 = arith.constant 4 : i32
      %dma_wait3A_122 = arith.constant 0 : i32
      %dma_wait3A_123 = tpu.memref_slice %arg8[%dma_wait3A_121, %dma_wait3A_122] : memref<8x128xi32, #tpu.memory_space<vmem>> -> memref<1x128xi32, #tpu.memory_space<vmem>>
      %dma_wait3A_124 = tpu.memref_squeeze %dma_wait3A_123 : memref<1x128xi32, #tpu.memory_space<vmem>> -> memref<128xi32, #tpu.memory_space<vmem>>
      %dma_wait3A_125 = arith.constant 0 : i32
      %dma_wait3A_126 = arith.constant 0 : i32
      %dma_wait3A_127 = tpu.memref_slice %arg2[%dma_wait3A_125, %dma_wait3A_126] : memref<10112x144xf32, #tpu.memory_space<hbm>> -> memref<10112x144xf32, #tpu.memory_space<hbm>>
      tpu.wait_indirect_dma semaphore(%arg12 : memref<!tpu.dma_semaphore, #tpu.memory_space<semaphore_mem>>) src(%dma_wait3A_127 : memref<10112x144xf32, #tpu.memory_space<hbm>>) dst(%arg10 : memref<128x144xf32, #tpu.memory_space<vmem>>)
      %run_scoped3A_128 = arith.constant 4 : i32
      "tpu.region"() ({
        %run_scoped3A_168 = tpu.sem_alloc : memref<!tpu.dma_semaphore, #tpu.memory_space<semaphore_mem>>
        %dma_start3A_169 = arith.constant 0 : i32
        %dma_start3A_170 = tpu.memref_slice %arg9[%run_scoped3A_128, %dma_start3A_169] : memref<8x128xi32, #tpu.memory_space<vmem>> -> memref<1x128xi32, #tpu.memory_space<vmem>>
        %dma_start3A_171 = tpu.memref_squeeze %dma_start3A_170 : memref<1x128xi32, #tpu.memory_space<vmem>> -> memref<128xi32, #tpu.memory_space<vmem>>
        %dma_start3A_172 = arith.constant 0 : i32
        %dma_start3A_173 = arith.constant 0 : i32
        %dma_start3A_174 = tpu.memref_slice %arg7[%dma_start3A_172, %dma_start3A_173] : memref<10112x144xf32, #tpu.memory_space<vmem_shared>> -> memref<10112x144xf32, #tpu.memory_space<vmem_shared>>
        tpu.enqueue_indirect_dma source(%arg10 : memref<128x144xf32, #tpu.memory_space<vmem>>) target(%dma_start3A_174 : memref<10112x144xf32, #tpu.memory_space<vmem_shared>>) offsets(%dma_start3A_171 : memref<128xi32, #tpu.memory_space<vmem>>) semaphore(%run_scoped3A_168 : memref<!tpu.dma_semaphore, #tpu.memory_space<semaphore_mem>>) {add = true}
        %dma_wait3A_175 = arith.constant 0 : i32
        %dma_wait3A_176 = tpu.memref_slice %arg9[%run_scoped3A_128, %dma_wait3A_175] : memref<8x128xi32, #tpu.memory_space<vmem>> -> memref<1x128xi32, #tpu.memory_space<vmem>>
        %dma_wait3A_177 = tpu.memref_squeeze %dma_wait3A_176 : memref<1x128xi32, #tpu.memory_space<vmem>> -> memref<128xi32, #tpu.memory_space<vmem>>
        %dma_wait3A_178 = arith.constant 0 : i32
        %dma_wait3A_179 = arith.constant 0 : i32
        %dma_wait3A_180 = tpu.memref_slice %arg7[%dma_wait3A_178, %dma_wait3A_179] : memref<10112x144xf32, #tpu.memory_space<vmem_shared>> -> memref<10112x144xf32, #tpu.memory_space<vmem_shared>>
        tpu.wait_indirect_dma semaphore(%run_scoped3A_168 : memref<!tpu.dma_semaphore, #tpu.memory_space<semaphore_mem>>) src(%arg10 : memref<128x144xf32, #tpu.memory_space<vmem>>) dst(%dma_wait3A_180 : memref<10112x144xf32, #tpu.memory_space<vmem_shared>>)
        tpu.yield
      }) : () -> ()
      %dma_start3A_129 = arith.constant 6 : i32
      %dma_start3A_130 = arith.constant 0 : i32
      %dma_start3A_131 = tpu.memref_slice %arg8[%dma_start3A_129, %dma_start3A_130] : memref<8x128xi32, #tpu.memory_space<vmem>> -> memref<1x128xi32, #tpu.memory_space<vmem>>
      %dma_start3A_132 = tpu.memref_squeeze %dma_start3A_131 : memref<1x128xi32, #tpu.memory_space<vmem>> -> memref<128xi32, #tpu.memory_space<vmem>>
      %dma_start3A_133 = arith.constant 0 : i32
      %dma_start3A_134 = arith.constant 0 : i32
      %dma_start3A_135 = tpu.memref_slice %arg2[%dma_start3A_133, %dma_start3A_134] : memref<10112x144xf32, #tpu.memory_space<hbm>> -> memref<10112x144xf32, #tpu.memory_space<hbm>>
      tpu.enqueue_indirect_dma source(%dma_start3A_135 : memref<10112x144xf32, #tpu.memory_space<hbm>>) target(%arg10 : memref<128x144xf32, #tpu.memory_space<vmem>>) offsets(%dma_start3A_132 : memref<128xi32, #tpu.memory_space<vmem>>) semaphore(%arg12 : memref<!tpu.dma_semaphore, #tpu.memory_space<semaphore_mem>>)
      %dma_wait3A_136 = arith.constant 5 : i32
      %dma_wait3A_137 = arith.constant 0 : i32
      %dma_wait3A_138 = tpu.memref_slice %arg8[%dma_wait3A_136, %dma_wait3A_137] : memref<8x128xi32, #tpu.memory_space<vmem>> -> memref<1x128xi32, #tpu.memory_space<vmem>>
      %dma_wait3A_139 = tpu.memref_squeeze %dma_wait3A_138 : memref<1x128xi32, #tpu.memory_space<vmem>> -> memref<128xi32, #tpu.memory_space<vmem>>
      %dma_wait3A_140 = arith.constant 0 : i32
      %dma_wait3A_141 = arith.constant 0 : i32
      %dma_wait3A_142 = tpu.memref_slice %arg2[%dma_wait3A_140, %dma_wait3A_141] : memref<10112x144xf32, #tpu.memory_space<hbm>> -> memref<10112x144xf32, #tpu.memory_space<hbm>>
      tpu.wait_indirect_dma semaphore(%arg13 : memref<!tpu.dma_semaphore, #tpu.memory_space<semaphore_mem>>) src(%dma_wait3A_142 : memref<10112x144xf32, #tpu.memory_space<hbm>>) dst(%arg11 : memref<128x144xf32, #tpu.memory_space<vmem>>)
      %run_scoped3A_143 = arith.constant 5 : i32
      "tpu.region"() ({
        %run_scoped3A_168 = tpu.sem_alloc : memref<!tpu.dma_semaphore, #tpu.memory_space<semaphore_mem>>
        %dma_start3A_169 = arith.constant 0 : i32
        %dma_start3A_170 = tpu.memref_slice %arg9[%run_scoped3A_143, %dma_start3A_169] : memref<8x128xi32, #tpu.memory_space<vmem>> -> memref<1x128xi32, #tpu.memory_space<vmem>>
        %dma_start3A_171 = tpu.memref_squeeze %dma_start3A_170 : memref<1x128xi32, #tpu.memory_space<vmem>> -> memref<128xi32, #tpu.memory_space<vmem>>
        %dma_start3A_172 = arith.constant 0 : i32
        %dma_start3A_173 = arith.constant 0 : i32
        %dma_start3A_174 = tpu.memref_slice %arg7[%dma_start3A_172, %dma_start3A_173] : memref<10112x144xf32, #tpu.memory_space<vmem_shared>> -> memref<10112x144xf32, #tpu.memory_space<vmem_shared>>
        tpu.enqueue_indirect_dma source(%arg11 : memref<128x144xf32, #tpu.memory_space<vmem>>) target(%dma_start3A_174 : memref<10112x144xf32, #tpu.memory_space<vmem_shared>>) offsets(%dma_start3A_171 : memref<128xi32, #tpu.memory_space<vmem>>) semaphore(%run_scoped3A_168 : memref<!tpu.dma_semaphore, #tpu.memory_space<semaphore_mem>>) {add = true}
        %dma_wait3A_175 = arith.constant 0 : i32
        %dma_wait3A_176 = tpu.memref_slice %arg9[%run_scoped3A_143, %dma_wait3A_175] : memref<8x128xi32, #tpu.memory_space<vmem>> -> memref<1x128xi32, #tpu.memory_space<vmem>>
        %dma_wait3A_177 = tpu.memref_squeeze %dma_wait3A_176 : memref<1x128xi32, #tpu.memory_space<vmem>> -> memref<128xi32, #tpu.memory_space<vmem>>
        %dma_wait3A_178 = arith.constant 0 : i32
        %dma_wait3A_179 = arith.constant 0 : i32
        %dma_wait3A_180 = tpu.memref_slice %arg7[%dma_wait3A_178, %dma_wait3A_179] : memref<10112x144xf32, #tpu.memory_space<vmem_shared>> -> memref<10112x144xf32, #tpu.memory_space<vmem_shared>>
        tpu.wait_indirect_dma semaphore(%run_scoped3A_168 : memref<!tpu.dma_semaphore, #tpu.memory_space<semaphore_mem>>) src(%arg11 : memref<128x144xf32, #tpu.memory_space<vmem>>) dst(%dma_wait3A_180 : memref<10112x144xf32, #tpu.memory_space<vmem_shared>>)
        tpu.yield
      }) : () -> ()
      %dma_start3A_144 = arith.constant 7 : i32
      %dma_start3A_145 = arith.constant 0 : i32
      %dma_start3A_146 = tpu.memref_slice %arg8[%dma_start3A_144, %dma_start3A_145] : memref<8x128xi32, #tpu.memory_space<vmem>> -> memref<1x128xi32, #tpu.memory_space<vmem>>
      %dma_start3A_147 = tpu.memref_squeeze %dma_start3A_146 : memref<1x128xi32, #tpu.memory_space<vmem>> -> memref<128xi32, #tpu.memory_space<vmem>>
      %dma_start3A_148 = arith.constant 0 : i32
      %dma_start3A_149 = arith.constant 0 : i32
      %dma_start3A_150 = tpu.memref_slice %arg2[%dma_start3A_148, %dma_start3A_149] : memref<10112x144xf32, #tpu.memory_space<hbm>> -> memref<10112x144xf32, #tpu.memory_space<hbm>>
      tpu.enqueue_indirect_dma source(%dma_start3A_150 : memref<10112x144xf32, #tpu.memory_space<hbm>>) target(%arg11 : memref<128x144xf32, #tpu.memory_space<vmem>>) offsets(%dma_start3A_147 : memref<128xi32, #tpu.memory_space<vmem>>) semaphore(%arg13 : memref<!tpu.dma_semaphore, #tpu.memory_space<semaphore_mem>>)
      %dma_wait3A_151 = arith.constant 6 : i32
      %dma_wait3A_152 = arith.constant 0 : i32
      %dma_wait3A_153 = tpu.memref_slice %arg8[%dma_wait3A_151, %dma_wait3A_152] : memref<8x128xi32, #tpu.memory_space<vmem>> -> memref<1x128xi32, #tpu.memory_space<vmem>>
      %dma_wait3A_154 = tpu.memref_squeeze %dma_wait3A_153 : memref<1x128xi32, #tpu.memory_space<vmem>> -> memref<128xi32, #tpu.memory_space<vmem>>
      %dma_wait3A_155 = arith.constant 0 : i32
      %dma_wait3A_156 = arith.constant 0 : i32
      %dma_wait3A_157 = tpu.memref_slice %arg2[%dma_wait3A_155, %dma_wait3A_156] : memref<10112x144xf32, #tpu.memory_space<hbm>> -> memref<10112x144xf32, #tpu.memory_space<hbm>>
      tpu.wait_indirect_dma semaphore(%arg12 : memref<!tpu.dma_semaphore, #tpu.memory_space<semaphore_mem>>) src(%dma_wait3A_157 : memref<10112x144xf32, #tpu.memory_space<hbm>>) dst(%arg10 : memref<128x144xf32, #tpu.memory_space<vmem>>)
      %run_scoped3A_158 = arith.constant 6 : i32
      "tpu.region"() ({
        %run_scoped3A_168 = tpu.sem_alloc : memref<!tpu.dma_semaphore, #tpu.memory_space<semaphore_mem>>
        %dma_start3A_169 = arith.constant 0 : i32
        %dma_start3A_170 = tpu.memref_slice %arg9[%run_scoped3A_158, %dma_start3A_169] : memref<8x128xi32, #tpu.memory_space<vmem>> -> memref<1x128xi32, #tpu.memory_space<vmem>>
        %dma_start3A_171 = tpu.memref_squeeze %dma_start3A_170 : memref<1x128xi32, #tpu.memory_space<vmem>> -> memref<128xi32, #tpu.memory_space<vmem>>
        %dma_start3A_172 = arith.constant 0 : i32
        %dma_start3A_173 = arith.constant 0 : i32
        %dma_start3A_174 = tpu.memref_slice %arg7[%dma_start3A_172, %dma_start3A_173] : memref<10112x144xf32, #tpu.memory_space<vmem_shared>> -> memref<10112x144xf32, #tpu.memory_space<vmem_shared>>
        tpu.enqueue_indirect_dma source(%arg10 : memref<128x144xf32, #tpu.memory_space<vmem>>) target(%dma_start3A_174 : memref<10112x144xf32, #tpu.memory_space<vmem_shared>>) offsets(%dma_start3A_171 : memref<128xi32, #tpu.memory_space<vmem>>) semaphore(%run_scoped3A_168 : memref<!tpu.dma_semaphore, #tpu.memory_space<semaphore_mem>>) {add = true}
        %dma_wait3A_175 = arith.constant 0 : i32
        %dma_wait3A_176 = tpu.memref_slice %arg9[%run_scoped3A_158, %dma_wait3A_175] : memref<8x128xi32, #tpu.memory_space<vmem>> -> memref<1x128xi32, #tpu.memory_space<vmem>>
        %dma_wait3A_177 = tpu.memref_squeeze %dma_wait3A_176 : memref<1x128xi32, #tpu.memory_space<vmem>> -> memref<128xi32, #tpu.memory_space<vmem>>
        %dma_wait3A_178 = arith.constant 0 : i32
        %dma_wait3A_179 = arith.constant 0 : i32
        %dma_wait3A_180 = tpu.memref_slice %arg7[%dma_wait3A_178, %dma_wait3A_179] : memref<10112x144xf32, #tpu.memory_space<vmem_shared>> -> memref<10112x144xf32, #tpu.memory_space<vmem_shared>>
        tpu.wait_indirect_dma semaphore(%run_scoped3A_168 : memref<!tpu.dma_semaphore, #tpu.memory_space<semaphore_mem>>) src(%arg10 : memref<128x144xf32, #tpu.memory_space<vmem>>) dst(%dma_wait3A_180 : memref<10112x144xf32, #tpu.memory_space<vmem_shared>>)
        tpu.yield
      }) : () -> ()
      %dma_wait3A_159 = arith.constant 7 : i32
      %dma_wait3A_160 = arith.constant 0 : i32
      %dma_wait3A_161 = tpu.memref_slice %arg8[%dma_wait3A_159, %dma_wait3A_160] : memref<8x128xi32, #tpu.memory_space<vmem>> -> memref<1x128xi32, #tpu.memory_space<vmem>>
      %dma_wait3A_162 = tpu.memref_squeeze %dma_wait3A_161 : memref<1x128xi32, #tpu.memory_space<vmem>> -> memref<128xi32, #tpu.memory_space<vmem>>
      %dma_wait3A_163 = arith.constant 0 : i32
      %dma_wait3A_164 = arith.constant 0 : i32
      %dma_wait3A_165 = tpu.memref_slice %arg2[%dma_wait3A_163, %dma_wait3A_164] : memref<10112x144xf32, #tpu.memory_space<hbm>> -> memref<10112x144xf32, #tpu.memory_space<hbm>>
      tpu.wait_indirect_dma semaphore(%arg13 : memref<!tpu.dma_semaphore, #tpu.memory_space<semaphore_mem>>) src(%dma_wait3A_165 : memref<10112x144xf32, #tpu.memory_space<hbm>>) dst(%arg11 : memref<128x144xf32, #tpu.memory_space<vmem>>)
      %run_scoped3A_166 = arith.constant 7 : i32
      "tpu.region"() ({
        %run_scoped3A_168 = tpu.sem_alloc : memref<!tpu.dma_semaphore, #tpu.memory_space<semaphore_mem>>
        %dma_start3A_169 = arith.constant 0 : i32
        %dma_start3A_170 = tpu.memref_slice %arg9[%run_scoped3A_166, %dma_start3A_169] : memref<8x128xi32, #tpu.memory_space<vmem>> -> memref<1x128xi32, #tpu.memory_space<vmem>>
        %dma_start3A_171 = tpu.memref_squeeze %dma_start3A_170 : memref<1x128xi32, #tpu.memory_space<vmem>> -> memref<128xi32, #tpu.memory_space<vmem>>
        %dma_start3A_172 = arith.constant 0 : i32
        %dma_start3A_173 = arith.constant 0 : i32
        %dma_start3A_174 = tpu.memref_slice %arg7[%dma_start3A_172, %dma_start3A_173] : memref<10112x144xf32, #tpu.memory_space<vmem_shared>> -> memref<10112x144xf32, #tpu.memory_space<vmem_shared>>
        tpu.enqueue_indirect_dma source(%arg11 : memref<128x144xf32, #tpu.memory_space<vmem>>) target(%dma_start3A_174 : memref<10112x144xf32, #tpu.memory_space<vmem_shared>>) offsets(%dma_start3A_171 : memref<128xi32, #tpu.memory_space<vmem>>) semaphore(%run_scoped3A_168 : memref<!tpu.dma_semaphore, #tpu.memory_space<semaphore_mem>>) {add = true}
        %dma_wait3A_175 = arith.constant 0 : i32
        %dma_wait3A_176 = tpu.memref_slice %arg9[%run_scoped3A_166, %dma_wait3A_175] : memref<8x128xi32, #tpu.memory_space<vmem>> -> memref<1x128xi32, #tpu.memory_space<vmem>>
        %dma_wait3A_177 = tpu.memref_squeeze %dma_wait3A_176 : memref<1x128xi32, #tpu.memory_space<vmem>> -> memref<128xi32, #tpu.memory_space<vmem>>
        %dma_wait3A_178 = arith.constant 0 : i32
        %dma_wait3A_179 = arith.constant 0 : i32
        %dma_wait3A_180 = tpu.memref_slice %arg7[%dma_wait3A_178, %dma_wait3A_179] : memref<10112x144xf32, #tpu.memory_space<vmem_shared>> -> memref<10112x144xf32, #tpu.memory_space<vmem_shared>>
        tpu.wait_indirect_dma semaphore(%run_scoped3A_168 : memref<!tpu.dma_semaphore, #tpu.memory_space<semaphore_mem>>) src(%arg11 : memref<128x144xf32, #tpu.memory_space<vmem>>) dst(%dma_wait3A_180 : memref<10112x144xf32, #tpu.memory_space<vmem_shared>>)
        tpu.yield
      }) : () -> ()
      %scan3A_167 = arith.constant 0 : i32
      scf.yield %scan3A_167 : i32
    }
    %scan3A_20 = arith.constant 10 : i32
    %barrier3A_21 = arith.constant 0 : index
    tpu.barrier barrier_id(%barrier3A_21)
    %mul3A_22 = arith.constant 10112 : i32
    %mul3A_23 = arith.muli %arg0, %mul3A_22 : i32
    %add3A_24 = arith.addi %mul3A_23, %mul3A_2 : i32
    %add3A_25 = arith.constant 0 : i32
    %add3A_26 = arith.addi %mul3A_2, %add3A_25 : i32
    "tpu.region"() ({
      %run_scoped3A = tpu.sem_alloc : memref<!tpu.dma_semaphore, #tpu.memory_space<semaphore_mem>>
      %dma_start3A = arith.constant 0 : i32
      %dma_start3A_45 = arith.constant 0 : i32
      %dma_start3A_46 = tpu.memref_slice %arg10[%dma_start3A, %dma_start3A_45] : memref<128x144xf32, #tpu.memory_space<vmem>> -> memref<128x144xf32, #tpu.memory_space<vmem>>
      %dma_start3A_47 = arith.constant 0 : i32
      %dma_start3A_48 = tpu.memref_slice %arg7[%add3A_26, %dma_start3A_47] : memref<10112x144xf32, #tpu.memory_space<vmem_shared>> -> memref<128x144xf32, #tpu.memory_space<vmem_shared>>
      %dma_start3A_49 = arith.constant 0 : i32
      %dma_start3A_50 = arith.constant 0 : i32
      %dma_start3A_51 = tpu.memref_slice %arg10[%dma_start3A_49, %dma_start3A_50] : memref<128x144xf32, #tpu.memory_space<vmem>> -> memref<128x144xf32, #tpu.memory_space<vmem>>
      %dma_start3A_52 = arith.constant 0 : i32
      %dma_start3A_53 = tpu.memref_slice %arg7[%add3A_26, %dma_start3A_52] : memref<10112x144xf32, #tpu.memory_space<vmem_shared>> -> memref<128x144xf32, #tpu.memory_space<vmem_shared>>
      tpu.enqueue_dma source(%dma_start3A_53 : memref<128x144xf32, #tpu.memory_space<vmem_shared>>) target(%dma_start3A_51 : memref<128x144xf32, #tpu.memory_space<vmem>>) target_semaphore(%run_scoped3A : memref<!tpu.dma_semaphore, #tpu.memory_space<semaphore_mem>>)
      %dma_wait3A = arith.constant 0 : i32
      %dma_wait3A_54 = arith.constant 0 : i32
      %dma_wait3A_55 = tpu.memref_slice %arg10[%dma_wait3A, %dma_wait3A_54] : memref<128x144xf32, #tpu.memory_space<vmem>> -> memref<128x144xf32, #tpu.memory_space<vmem>>
      %dma_wait3A_56 = arith.constant 0 : i32
      %dma_wait3A_57 = tpu.memref_slice %arg7[%add3A_26, %dma_wait3A_56] : memref<10112x144xf32, #tpu.memory_space<vmem_shared>> -> memref<128x144xf32, #tpu.memory_space<vmem_shared>>
      %dma_wait3A_58 = arith.constant 0 : i32
      %dma_wait3A_59 = arith.constant 0 : i32
      %dma_wait3A_60 = tpu.memref_slice %arg10[%dma_wait3A_58, %dma_wait3A_59] : memref<128x144xf32, #tpu.memory_space<vmem>> -> memref<128x144xf32, #tpu.memory_space<vmem>>
      %dma_wait3A_61 = arith.constant 0 : i32
      %dma_wait3A_62 = tpu.memref_slice %arg7[%add3A_26, %dma_wait3A_61] : memref<10112x144xf32, #tpu.memory_space<vmem_shared>> -> memref<128x144xf32, #tpu.memory_space<vmem_shared>>
      tpu.wait_dma2 semaphore(%run_scoped3A : memref<!tpu.dma_semaphore, #tpu.memory_space<semaphore_mem>>) src(%dma_wait3A_62 : memref<128x144xf32, #tpu.memory_space<vmem_shared>>) dst(%dma_wait3A_60 : memref<128x144xf32, #tpu.memory_space<vmem>>)
      tpu.yield
    }) : () -> ()
    %add3A_27 = arith.constant 0 : i32
    %add3A_28 = arith.addi %add3A_24, %add3A_27 : i32
    "tpu.region"() ({
      %run_scoped3A = tpu.sem_alloc : memref<!tpu.dma_semaphore, #tpu.memory_space<semaphore_mem>>
      %dma_start3A = arith.constant 0 : i32
      %dma_start3A_45 = arith.constant 0 : i32
      %dma_start3A_46 = tpu.memref_slice %arg10[%dma_start3A, %dma_start3A_45] : memref<128x144xf32, #tpu.memory_space<vmem>> -> memref<128x144xf32, #tpu.memory_space<vmem>>
      %dma_start3A_47 = arith.constant 0 : i32
      %dma_start3A_48 = tpu.memref_slice %arg6[%add3A_28, %dma_start3A_47] : memref<20224x144xf32, #tpu.memory_space<hbm>> -> memref<128x144xf32, #tpu.memory_space<hbm>>
      %dma_start3A_49 = arith.constant 0 : i32
      %dma_start3A_50 = tpu.memref_slice %arg6[%add3A_28, %dma_start3A_49] : memref<20224x144xf32, #tpu.memory_space<hbm>> -> memref<128x144xf32, #tpu.memory_space<hbm>>
      %dma_start3A_51 = arith.constant 0 : i32
      %dma_start3A_52 = arith.constant 0 : i32
      %dma_start3A_53 = tpu.memref_slice %arg10[%dma_start3A_51, %dma_start3A_52] : memref<128x144xf32, #tpu.memory_space<vmem>> -> memref<128x144xf32, #tpu.memory_space<vmem>>
      tpu.enqueue_dma source(%dma_start3A_53 : memref<128x144xf32, #tpu.memory_space<vmem>>) target(%dma_start3A_50 : memref<128x144xf32, #tpu.memory_space<hbm>>) target_semaphore(%run_scoped3A : memref<!tpu.dma_semaphore, #tpu.memory_space<semaphore_mem>>)
      %dma_wait3A = arith.constant 0 : i32
      %dma_wait3A_54 = arith.constant 0 : i32
      %dma_wait3A_55 = tpu.memref_slice %arg10[%dma_wait3A, %dma_wait3A_54] : memref<128x144xf32, #tpu.memory_space<vmem>> -> memref<128x144xf32, #tpu.memory_space<vmem>>
      %dma_wait3A_56 = arith.constant 0 : i32
      %dma_wait3A_57 = tpu.memref_slice %arg6[%add3A_28, %dma_wait3A_56] : memref<20224x144xf32, #tpu.memory_space<hbm>> -> memref<128x144xf32, #tpu.memory_space<hbm>>
      %dma_wait3A_58 = arith.constant 0 : i32
      %dma_wait3A_59 = tpu.memref_slice %arg6[%add3A_28, %dma_wait3A_58] : memref<20224x144xf32, #tpu.memory_space<hbm>> -> memref<128x144xf32, #tpu.memory_space<hbm>>
      %dma_wait3A_60 = arith.constant 0 : i32
      %dma_wait3A_61 = arith.constant 0 : i32
      %dma_wait3A_62 = tpu.memref_slice %arg10[%dma_wait3A_60, %dma_wait3A_61] : memref<128x144xf32, #tpu.memory_space<vmem>> -> memref<128x144xf32, #tpu.memory_space<vmem>>
      tpu.wait_dma2 semaphore(%run_scoped3A : memref<!tpu.dma_semaphore, #tpu.memory_space<semaphore_mem>>) src(%dma_wait3A_62 : memref<128x144xf32, #tpu.memory_space<vmem>>) dst(%dma_wait3A_59 : memref<128x144xf32, #tpu.memory_space<hbm>>)
      tpu.yield
    }) : () -> ()
    %add3A_29 = arith.constant 128 : i32
    %add3A_30 = arith.addi %mul3A_2, %add3A_29 : i32
    "tpu.region"() ({
      %run_scoped3A = tpu.sem_alloc : memref<!tpu.dma_semaphore, #tpu.memory_space<semaphore_mem>>
      %dma_start3A = arith.constant 0 : i32
      %dma_start3A_45 = arith.constant 0 : i32
      %dma_start3A_46 = tpu.memref_slice %arg10[%dma_start3A, %dma_start3A_45] : memref<128x144xf32, #tpu.memory_space<vmem>> -> memref<128x144xf32, #tpu.memory_space<vmem>>
      %dma_start3A_47 = arith.constant 0 : i32
      %dma_start3A_48 = tpu.memref_slice %arg7[%add3A_30, %dma_start3A_47] : memref<10112x144xf32, #tpu.memory_space<vmem_shared>> -> memref<128x144xf32, #tpu.memory_space<vmem_shared>>
      %dma_start3A_49 = arith.constant 0 : i32
      %dma_start3A_50 = arith.constant 0 : i32
      %dma_start3A_51 = tpu.memref_slice %arg10[%dma_start3A_49, %dma_start3A_50] : memref<128x144xf32, #tpu.memory_space<vmem>> -> memref<128x144xf32, #tpu.memory_space<vmem>>
      %dma_start3A_52 = arith.constant 0 : i32
      %dma_start3A_53 = tpu.memref_slice %arg7[%add3A_30, %dma_start3A_52] : memref<10112x144xf32, #tpu.memory_space<vmem_shared>> -> memref<128x144xf32, #tpu.memory_space<vmem_shared>>
      tpu.enqueue_dma source(%dma_start3A_53 : memref<128x144xf32, #tpu.memory_space<vmem_shared>>) target(%dma_start3A_51 : memref<128x144xf32, #tpu.memory_space<vmem>>) target_semaphore(%run_scoped3A : memref<!tpu.dma_semaphore, #tpu.memory_space<semaphore_mem>>)
      %dma_wait3A = arith.constant 0 : i32
      %dma_wait3A_54 = arith.constant 0 : i32
      %dma_wait3A_55 = tpu.memref_slice %arg10[%dma_wait3A, %dma_wait3A_54] : memref<128x144xf32, #tpu.memory_space<vmem>> -> memref<128x144xf32, #tpu.memory_space<vmem>>
      %dma_wait3A_56 = arith.constant 0 : i32
      %dma_wait3A_57 = tpu.memref_slice %arg7[%add3A_30, %dma_wait3A_56] : memref<10112x144xf32, #tpu.memory_space<vmem_shared>> -> memref<128x144xf32, #tpu.memory_space<vmem_shared>>
      %dma_wait3A_58 = arith.constant 0 : i32
      %dma_wait3A_59 = arith.constant 0 : i32
      %dma_wait3A_60 = tpu.memref_slice %arg10[%dma_wait3A_58, %dma_wait3A_59] : memref<128x144xf32, #tpu.memory_space<vmem>> -> memref<128x144xf32, #tpu.memory_space<vmem>>
      %dma_wait3A_61 = arith.constant 0 : i32
      %dma_wait3A_62 = tpu.memref_slice %arg7[%add3A_30, %dma_wait3A_61] : memref<10112x144xf32, #tpu.memory_space<vmem_shared>> -> memref<128x144xf32, #tpu.memory_space<vmem_shared>>
      tpu.wait_dma2 semaphore(%run_scoped3A : memref<!tpu.dma_semaphore, #tpu.memory_space<semaphore_mem>>) src(%dma_wait3A_62 : memref<128x144xf32, #tpu.memory_space<vmem_shared>>) dst(%dma_wait3A_60 : memref<128x144xf32, #tpu.memory_space<vmem>>)
      tpu.yield
    }) : () -> ()
    %add3A_31 = arith.constant 128 : i32
    %add3A_32 = arith.addi %add3A_24, %add3A_31 : i32
    "tpu.region"() ({
      %run_scoped3A = tpu.sem_alloc : memref<!tpu.dma_semaphore, #tpu.memory_space<semaphore_mem>>
      %dma_start3A = arith.constant 0 : i32
      %dma_start3A_45 = arith.constant 0 : i32
      %dma_start3A_46 = tpu.memref_slice %arg10[%dma_start3A, %dma_start3A_45] : memref<128x144xf32, #tpu.memory_space<vmem>> -> memref<128x144xf32, #tpu.memory_space<vmem>>
      %dma_start3A_47 = arith.constant 0 : i32
      %dma_start3A_48 = tpu.memref_slice %arg6[%add3A_32, %dma_start3A_47] : memref<20224x144xf32, #tpu.memory_space<hbm>> -> memref<128x144xf32, #tpu.memory_space<hbm>>
      %dma_start3A_49 = arith.constant 0 : i32
      %dma_start3A_50 = tpu.memref_slice %arg6[%add3A_32, %dma_start3A_49] : memref<20224x144xf32, #tpu.memory_space<hbm>> -> memref<128x144xf32, #tpu.memory_space<hbm>>
      %dma_start3A_51 = arith.constant 0 : i32
      %dma_start3A_52 = arith.constant 0 : i32
      %dma_start3A_53 = tpu.memref_slice %arg10[%dma_start3A_51, %dma_start3A_52] : memref<128x144xf32, #tpu.memory_space<vmem>> -> memref<128x144xf32, #tpu.memory_space<vmem>>
      tpu.enqueue_dma source(%dma_start3A_53 : memref<128x144xf32, #tpu.memory_space<vmem>>) target(%dma_start3A_50 : memref<128x144xf32, #tpu.memory_space<hbm>>) target_semaphore(%run_scoped3A : memref<!tpu.dma_semaphore, #tpu.memory_space<semaphore_mem>>)
      %dma_wait3A = arith.constant 0 : i32
      %dma_wait3A_54 = arith.constant 0 : i32
      %dma_wait3A_55 = tpu.memref_slice %arg10[%dma_wait3A, %dma_wait3A_54] : memref<128x144xf32, #tpu.memory_space<vmem>> -> memref<128x144xf32, #tpu.memory_space<vmem>>
      %dma_wait3A_56 = arith.constant 0 : i32
      %dma_wait3A_57 = tpu.memref_slice %arg6[%add3A_32, %dma_wait3A_56] : memref<20224x144xf32, #tpu.memory_space<hbm>> -> memref<128x144xf32, #tpu.memory_space<hbm>>
      %dma_wait3A_58 = arith.constant 0 : i32
      %dma_wait3A_59 = tpu.memref_slice %arg6[%add3A_32, %dma_wait3A_58] : memref<20224x144xf32, #tpu.memory_space<hbm>> -> memref<128x144xf32, #tpu.memory_space<hbm>>
      %dma_wait3A_60 = arith.constant 0 : i32
      %dma_wait3A_61 = arith.constant 0 : i32
      %dma_wait3A_62 = tpu.memref_slice %arg10[%dma_wait3A_60, %dma_wait3A_61] : memref<128x144xf32, #tpu.memory_space<vmem>> -> memref<128x144xf32, #tpu.memory_space<vmem>>
      tpu.wait_dma2 semaphore(%run_scoped3A : memref<!tpu.dma_semaphore, #tpu.memory_space<semaphore_mem>>) src(%dma_wait3A_62 : memref<128x144xf32, #tpu.memory_space<vmem>>) dst(%dma_wait3A_59 : memref<128x144xf32, #tpu.memory_space<hbm>>)
      tpu.yield
    }) : () -> ()
    %add3A_33 = arith.constant 256 : i32
    %add3A_34 = arith.addi %mul3A_2, %add3A_33 : i32
    "tpu.region"() ({
      %run_scoped3A = tpu.sem_alloc : memref<!tpu.dma_semaphore, #tpu.memory_space<semaphore_mem>>
      %dma_start3A = arith.constant 0 : i32
      %dma_start3A_45 = arith.constant 0 : i32
      %dma_start3A_46 = tpu.memref_slice %arg10[%dma_start3A, %dma_start3A_45] : memref<128x144xf32, #tpu.memory_space<vmem>> -> memref<128x144xf32, #tpu.memory_space<vmem>>
      %dma_start3A_47 = arith.constant 0 : i32
      %dma_start3A_48 = tpu.memref_slice %arg7[%add3A_34, %dma_start3A_47] : memref<10112x144xf32, #tpu.memory_space<vmem_shared>> -> memref<128x144xf32, #tpu.memory_space<vmem_shared>>
      %dma_start3A_49 = arith.constant 0 : i32
      %dma_start3A_50 = arith.constant 0 : i32
      %dma_start3A_51 = tpu.memref_slice %arg10[%dma_start3A_49, %dma_start3A_50] : memref<128x144xf32, #tpu.memory_space<vmem>> -> memref<128x144xf32, #tpu.memory_space<vmem>>
      %dma_start3A_52 = arith.constant 0 : i32
      %dma_start3A_53 = tpu.memref_slice %arg7[%add3A_34, %dma_start3A_52] : memref<10112x144xf32, #tpu.memory_space<vmem_shared>> -> memref<128x144xf32, #tpu.memory_space<vmem_shared>>
      tpu.enqueue_dma source(%dma_start3A_53 : memref<128x144xf32, #tpu.memory_space<vmem_shared>>) target(%dma_start3A_51 : memref<128x144xf32, #tpu.memory_space<vmem>>) target_semaphore(%run_scoped3A : memref<!tpu.dma_semaphore, #tpu.memory_space<semaphore_mem>>)
      %dma_wait3A = arith.constant 0 : i32
      %dma_wait3A_54 = arith.constant 0 : i32
      %dma_wait3A_55 = tpu.memref_slice %arg10[%dma_wait3A, %dma_wait3A_54] : memref<128x144xf32, #tpu.memory_space<vmem>> -> memref<128x144xf32, #tpu.memory_space<vmem>>
      %dma_wait3A_56 = arith.constant 0 : i32
      %dma_wait3A_57 = tpu.memref_slice %arg7[%add3A_34, %dma_wait3A_56] : memref<10112x144xf32, #tpu.memory_space<vmem_shared>> -> memref<128x144xf32, #tpu.memory_space<vmem_shared>>
      %dma_wait3A_58 = arith.constant 0 : i32
      %dma_wait3A_59 = arith.constant 0 : i32
      %dma_wait3A_60 = tpu.memref_slice %arg10[%dma_wait3A_58, %dma_wait3A_59] : memref<128x144xf32, #tpu.memory_space<vmem>> -> memref<128x144xf32, #tpu.memory_space<vmem>>
      %dma_wait3A_61 = arith.constant 0 : i32
      %dma_wait3A_62 = tpu.memref_slice %arg7[%add3A_34, %dma_wait3A_61] : memref<10112x144xf32, #tpu.memory_space<vmem_shared>> -> memref<128x144xf32, #tpu.memory_space<vmem_shared>>
      tpu.wait_dma2 semaphore(%run_scoped3A : memref<!tpu.dma_semaphore, #tpu.memory_space<semaphore_mem>>) src(%dma_wait3A_62 : memref<128x144xf32, #tpu.memory_space<vmem_shared>>) dst(%dma_wait3A_60 : memref<128x144xf32, #tpu.memory_space<vmem>>)
      tpu.yield
    }) : () -> ()
    %add3A_35 = arith.constant 256 : i32
    %add3A_36 = arith.addi %add3A_24, %add3A_35 : i32
    "tpu.region"() ({
      %run_scoped3A = tpu.sem_alloc : memref<!tpu.dma_semaphore, #tpu.memory_space<semaphore_mem>>
      %dma_start3A = arith.constant 0 : i32
      %dma_start3A_45 = arith.constant 0 : i32
      %dma_start3A_46 = tpu.memref_slice %arg10[%dma_start3A, %dma_start3A_45] : memref<128x144xf32, #tpu.memory_space<vmem>> -> memref<128x144xf32, #tpu.memory_space<vmem>>
      %dma_start3A_47 = arith.constant 0 : i32
      %dma_start3A_48 = tpu.memref_slice %arg6[%add3A_36, %dma_start3A_47] : memref<20224x144xf32, #tpu.memory_space<hbm>> -> memref<128x144xf32, #tpu.memory_space<hbm>>
      %dma_start3A_49 = arith.constant 0 : i32
      %dma_start3A_50 = tpu.memref_slice %arg6[%add3A_36, %dma_start3A_49] : memref<20224x144xf32, #tpu.memory_space<hbm>> -> memref<128x144xf32, #tpu.memory_space<hbm>>
      %dma_start3A_51 = arith.constant 0 : i32
      %dma_start3A_52 = arith.constant 0 : i32
      %dma_start3A_53 = tpu.memref_slice %arg10[%dma_start3A_51, %dma_start3A_52] : memref<128x144xf32, #tpu.memory_space<vmem>> -> memref<128x144xf32, #tpu.memory_space<vmem>>
      tpu.enqueue_dma source(%dma_start3A_53 : memref<128x144xf32, #tpu.memory_space<vmem>>) target(%dma_start3A_50 : memref<128x144xf32, #tpu.memory_space<hbm>>) target_semaphore(%run_scoped3A : memref<!tpu.dma_semaphore, #tpu.memory_space<semaphore_mem>>)
      %dma_wait3A = arith.constant 0 : i32
      %dma_wait3A_54 = arith.constant 0 : i32
      %dma_wait3A_55 = tpu.memref_slice %arg10[%dma_wait3A, %dma_wait3A_54] : memref<128x144xf32, #tpu.memory_space<vmem>> -> memref<128x144xf32, #tpu.memory_space<vmem>>
      %dma_wait3A_56 = arith.constant 0 : i32
      %dma_wait3A_57 = tpu.memref_slice %arg6[%add3A_36, %dma_wait3A_56] : memref<20224x144xf32, #tpu.memory_space<hbm>> -> memref<128x144xf32, #tpu.memory_space<hbm>>
      %dma_wait3A_58 = arith.constant 0 : i32
      %dma_wait3A_59 = tpu.memref_slice %arg6[%add3A_36, %dma_wait3A_58] : memref<20224x144xf32, #tpu.memory_space<hbm>> -> memref<128x144xf32, #tpu.memory_space<hbm>>
      %dma_wait3A_60 = arith.constant 0 : i32
      %dma_wait3A_61 = arith.constant 0 : i32
      %dma_wait3A_62 = tpu.memref_slice %arg10[%dma_wait3A_60, %dma_wait3A_61] : memref<128x144xf32, #tpu.memory_space<vmem>> -> memref<128x144xf32, #tpu.memory_space<vmem>>
      tpu.wait_dma2 semaphore(%run_scoped3A : memref<!tpu.dma_semaphore, #tpu.memory_space<semaphore_mem>>) src(%dma_wait3A_62 : memref<128x144xf32, #tpu.memory_space<vmem>>) dst(%dma_wait3A_59 : memref<128x144xf32, #tpu.memory_space<hbm>>)
      tpu.yield
    }) : () -> ()
    %add3A_37 = arith.constant 384 : i32
    %add3A_38 = arith.addi %mul3A_2, %add3A_37 : i32
    "tpu.region"() ({
      %run_scoped3A = tpu.sem_alloc : memref<!tpu.dma_semaphore, #tpu.memory_space<semaphore_mem>>
      %dma_start3A = arith.constant 0 : i32
      %dma_start3A_45 = arith.constant 0 : i32
      %dma_start3A_46 = tpu.memref_slice %arg10[%dma_start3A, %dma_start3A_45] : memref<128x144xf32, #tpu.memory_space<vmem>> -> memref<128x144xf32, #tpu.memory_space<vmem>>
      %dma_start3A_47 = arith.constant 0 : i32
      %dma_start3A_48 = tpu.memref_slice %arg7[%add3A_38, %dma_start3A_47] : memref<10112x144xf32, #tpu.memory_space<vmem_shared>> -> memref<128x144xf32, #tpu.memory_space<vmem_shared>>
      %dma_start3A_49 = arith.constant 0 : i32
      %dma_start3A_50 = arith.constant 0 : i32
      %dma_start3A_51 = tpu.memref_slice %arg10[%dma_start3A_49, %dma_start3A_50] : memref<128x144xf32, #tpu.memory_space<vmem>> -> memref<128x144xf32, #tpu.memory_space<vmem>>
      %dma_start3A_52 = arith.constant 0 : i32
      %dma_start3A_53 = tpu.memref_slice %arg7[%add3A_38, %dma_start3A_52] : memref<10112x144xf32, #tpu.memory_space<vmem_shared>> -> memref<128x144xf32, #tpu.memory_space<vmem_shared>>
      tpu.enqueue_dma source(%dma_start3A_53 : memref<128x144xf32, #tpu.memory_space<vmem_shared>>) target(%dma_start3A_51 : memref<128x144xf32, #tpu.memory_space<vmem>>) target_semaphore(%run_scoped3A : memref<!tpu.dma_semaphore, #tpu.memory_space<semaphore_mem>>)
      %dma_wait3A = arith.constant 0 : i32
      %dma_wait3A_54 = arith.constant 0 : i32
      %dma_wait3A_55 = tpu.memref_slice %arg10[%dma_wait3A, %dma_wait3A_54] : memref<128x144xf32, #tpu.memory_space<vmem>> -> memref<128x144xf32, #tpu.memory_space<vmem>>
      %dma_wait3A_56 = arith.constant 0 : i32
      %dma_wait3A_57 = tpu.memref_slice %arg7[%add3A_38, %dma_wait3A_56] : memref<10112x144xf32, #tpu.memory_space<vmem_shared>> -> memref<128x144xf32, #tpu.memory_space<vmem_shared>>
      %dma_wait3A_58 = arith.constant 0 : i32
      %dma_wait3A_59 = arith.constant 0 : i32
      %dma_wait3A_60 = tpu.memref_slice %arg10[%dma_wait3A_58, %dma_wait3A_59] : memref<128x144xf32, #tpu.memory_space<vmem>> -> memref<128x144xf32, #tpu.memory_space<vmem>>
      %dma_wait3A_61 = arith.constant 0 : i32
      %dma_wait3A_62 = tpu.memref_slice %arg7[%add3A_38, %dma_wait3A_61] : memref<10112x144xf32, #tpu.memory_space<vmem_shared>> -> memref<128x144xf32, #tpu.memory_space<vmem_shared>>
      tpu.wait_dma2 semaphore(%run_scoped3A : memref<!tpu.dma_semaphore, #tpu.memory_space<semaphore_mem>>) src(%dma_wait3A_62 : memref<128x144xf32, #tpu.memory_space<vmem_shared>>) dst(%dma_wait3A_60 : memref<128x144xf32, #tpu.memory_space<vmem>>)
      tpu.yield
    }) : () -> ()
    %add3A_39 = arith.constant 384 : i32
    %add3A_40 = arith.addi %add3A_24, %add3A_39 : i32
    "tpu.region"() ({
      %run_scoped3A = tpu.sem_alloc : memref<!tpu.dma_semaphore, #tpu.memory_space<semaphore_mem>>
      %dma_start3A = arith.constant 0 : i32
      %dma_start3A_45 = arith.constant 0 : i32
      %dma_start3A_46 = tpu.memref_slice %arg10[%dma_start3A, %dma_start3A_45] : memref<128x144xf32, #tpu.memory_space<vmem>> -> memref<128x144xf32, #tpu.memory_space<vmem>>
      %dma_start3A_47 = arith.constant 0 : i32
      %dma_start3A_48 = tpu.memref_slice %arg6[%add3A_40, %dma_start3A_47] : memref<20224x144xf32, #tpu.memory_space<hbm>> -> memref<128x144xf32, #tpu.memory_space<hbm>>
      %dma_start3A_49 = arith.constant 0 : i32
      %dma_start3A_50 = tpu.memref_slice %arg6[%add3A_40, %dma_start3A_49] : memref<20224x144xf32, #tpu.memory_space<hbm>> -> memref<128x144xf32, #tpu.memory_space<hbm>>
      %dma_start3A_51 = arith.constant 0 : i32
      %dma_start3A_52 = arith.constant 0 : i32
      %dma_start3A_53 = tpu.memref_slice %arg10[%dma_start3A_51, %dma_start3A_52] : memref<128x144xf32, #tpu.memory_space<vmem>> -> memref<128x144xf32, #tpu.memory_space<vmem>>
      tpu.enqueue_dma source(%dma_start3A_53 : memref<128x144xf32, #tpu.memory_space<vmem>>) target(%dma_start3A_50 : memref<128x144xf32, #tpu.memory_space<hbm>>) target_semaphore(%run_scoped3A : memref<!tpu.dma_semaphore, #tpu.memory_space<semaphore_mem>>)
      %dma_wait3A = arith.constant 0 : i32
      %dma_wait3A_54 = arith.constant 0 : i32
      %dma_wait3A_55 = tpu.memref_slice %arg10[%dma_wait3A, %dma_wait3A_54] : memref<128x144xf32, #tpu.memory_space<vmem>> -> memref<128x144xf32, #tpu.memory_space<vmem>>
      %dma_wait3A_56 = arith.constant 0 : i32
      %dma_wait3A_57 = tpu.memref_slice %arg6[%add3A_40, %dma_wait3A_56] : memref<20224x144xf32, #tpu.memory_space<hbm>> -> memref<128x144xf32, #tpu.memory_space<hbm>>
      %dma_wait3A_58 = arith.constant 0 : i32
      %dma_wait3A_59 = tpu.memref_slice %arg6[%add3A_40, %dma_wait3A_58] : memref<20224x144xf32, #tpu.memory_space<hbm>> -> memref<128x144xf32, #tpu.memory_space<hbm>>
      %dma_wait3A_60 = arith.constant 0 : i32
      %dma_wait3A_61 = arith.constant 0 : i32
      %dma_wait3A_62 = tpu.memref_slice %arg10[%dma_wait3A_60, %dma_wait3A_61] : memref<128x144xf32, #tpu.memory_space<vmem>> -> memref<128x144xf32, #tpu.memory_space<vmem>>
      tpu.wait_dma2 semaphore(%run_scoped3A : memref<!tpu.dma_semaphore, #tpu.memory_space<semaphore_mem>>) src(%dma_wait3A_62 : memref<128x144xf32, #tpu.memory_space<vmem>>) dst(%dma_wait3A_59 : memref<128x144xf32, #tpu.memory_space<hbm>>)
      tpu.yield
    }) : () -> ()
    %add3A_41 = arith.constant 512 : i32
    %add3A_42 = arith.addi %mul3A_2, %add3A_41 : i32
    "tpu.region"() ({
      %run_scoped3A = tpu.sem_alloc : memref<!tpu.dma_semaphore, #tpu.memory_space<semaphore_mem>>
      %dma_start3A = arith.constant 0 : i32
      %dma_start3A_45 = arith.constant 0 : i32
      %dma_start3A_46 = tpu.memref_slice %arg10[%dma_start3A, %dma_start3A_45] : memref<128x144xf32, #tpu.memory_space<vmem>> -> memref<120x144xf32, #tpu.memory_space<vmem>>
      %dma_start3A_47 = arith.constant 0 : i32
      %dma_start3A_48 = tpu.memref_slice %arg7[%add3A_42, %dma_start3A_47] : memref<10112x144xf32, #tpu.memory_space<vmem_shared>> -> memref<120x144xf32, #tpu.memory_space<vmem_shared>>
      %dma_start3A_49 = arith.constant 0 : i32
      %dma_start3A_50 = arith.constant 0 : i32
      %dma_start3A_51 = tpu.memref_slice %arg10[%dma_start3A_49, %dma_start3A_50] : memref<128x144xf32, #tpu.memory_space<vmem>> -> memref<120x144xf32, #tpu.memory_space<vmem>>
      %dma_start3A_52 = arith.constant 0 : i32
      %dma_start3A_53 = tpu.memref_slice %arg7[%add3A_42, %dma_start3A_52] : memref<10112x144xf32, #tpu.memory_space<vmem_shared>> -> memref<120x144xf32, #tpu.memory_space<vmem_shared>>
      tpu.enqueue_dma source(%dma_start3A_53 : memref<120x144xf32, #tpu.memory_space<vmem_shared>>) target(%dma_start3A_51 : memref<120x144xf32, #tpu.memory_space<vmem>>) target_semaphore(%run_scoped3A : memref<!tpu.dma_semaphore, #tpu.memory_space<semaphore_mem>>)
      %dma_wait3A = arith.constant 0 : i32
      %dma_wait3A_54 = arith.constant 0 : i32
      %dma_wait3A_55 = tpu.memref_slice %arg10[%dma_wait3A, %dma_wait3A_54] : memref<128x144xf32, #tpu.memory_space<vmem>> -> memref<120x144xf32, #tpu.memory_space<vmem>>
      %dma_wait3A_56 = arith.constant 0 : i32
      %dma_wait3A_57 = tpu.memref_slice %arg7[%add3A_42, %dma_wait3A_56] : memref<10112x144xf32, #tpu.memory_space<vmem_shared>> -> memref<120x144xf32, #tpu.memory_space<vmem_shared>>
      %dma_wait3A_58 = arith.constant 0 : i32
      %dma_wait3A_59 = arith.constant 0 : i32
      %dma_wait3A_60 = tpu.memref_slice %arg10[%dma_wait3A_58, %dma_wait3A_59] : memref<128x144xf32, #tpu.memory_space<vmem>> -> memref<120x144xf32, #tpu.memory_space<vmem>>
      %dma_wait3A_61 = arith.constant 0 : i32
      %dma_wait3A_62 = tpu.memref_slice %arg7[%add3A_42, %dma_wait3A_61] : memref<10112x144xf32, #tpu.memory_space<vmem_shared>> -> memref<120x144xf32, #tpu.memory_space<vmem_shared>>
      tpu.wait_dma2 semaphore(%run_scoped3A : memref<!tpu.dma_semaphore, #tpu.memory_space<semaphore_mem>>) src(%dma_wait3A_62 : memref<120x144xf32, #tpu.memory_space<vmem_shared>>) dst(%dma_wait3A_60 : memref<120x144xf32, #tpu.memory_space<vmem>>)
      tpu.yield
    }) : () -> ()
    %add3A_43 = arith.constant 512 : i32
    %add3A_44 = arith.addi %add3A_24, %add3A_43 : i32
    "tpu.region"() ({
      %run_scoped3A = tpu.sem_alloc : memref<!tpu.dma_semaphore, #tpu.memory_space<semaphore_mem>>
      %dma_start3A = arith.constant 0 : i32
      %dma_start3A_45 = arith.constant 0 : i32
      %dma_start3A_46 = tpu.memref_slice %arg10[%dma_start3A, %dma_start3A_45] : memref<128x144xf32, #tpu.memory_space<vmem>> -> memref<120x144xf32, #tpu.memory_space<vmem>>
      %dma_start3A_47 = arith.constant 0 : i32
      %dma_start3A_48 = tpu.memref_slice %arg6[%add3A_44, %dma_start3A_47] : memref<20224x144xf32, #tpu.memory_space<hbm>> -> memref<120x144xf32, #tpu.memory_space<hbm>>
      %dma_start3A_49 = arith.constant 0 : i32
      %dma_start3A_50 = tpu.memref_slice %arg6[%add3A_44, %dma_start3A_49] : memref<20224x144xf32, #tpu.memory_space<hbm>> -> memref<120x144xf32, #tpu.memory_space<hbm>>
      %dma_start3A_51 = arith.constant 0 : i32
      %dma_start3A_52 = arith.constant 0 : i32
      %dma_start3A_53 = tpu.memref_slice %arg10[%dma_start3A_51, %dma_start3A_52] : memref<128x144xf32, #tpu.memory_space<vmem>> -> memref<120x144xf32, #tpu.memory_space<vmem>>
      tpu.enqueue_dma source(%dma_start3A_53 : memref<120x144xf32, #tpu.memory_space<vmem>>) target(%dma_start3A_50 : memref<120x144xf32, #tpu.memory_space<hbm>>) target_semaphore(%run_scoped3A : memref<!tpu.dma_semaphore, #tpu.memory_space<semaphore_mem>>)
      %dma_wait3A = arith.constant 0 : i32
      %dma_wait3A_54 = arith.constant 0 : i32
      %dma_wait3A_55 = tpu.memref_slice %arg10[%dma_wait3A, %dma_wait3A_54] : memref<128x144xf32, #tpu.memory_space<vmem>> -> memref<120x144xf32, #tpu.memory_space<vmem>>
      %dma_wait3A_56 = arith.constant 0 : i32
      %dma_wait3A_57 = tpu.memref_slice %arg6[%add3A_44, %dma_wait3A_56] : memref<20224x144xf32, #tpu.memory_space<hbm>> -> memref<120x144xf32, #tpu.memory_space<hbm>>
      %dma_wait3A_58 = arith.constant 0 : i32
      %dma_wait3A_59 = tpu.memref_slice %arg6[%add3A_44, %dma_wait3A_58] : memref<20224x144xf32, #tpu.memory_space<hbm>> -> memref<120x144xf32, #tpu.memory_space<hbm>>
      %dma_wait3A_60 = arith.constant 0 : i32
      %dma_wait3A_61 = arith.constant 0 : i32
      %dma_wait3A_62 = tpu.memref_slice %arg10[%dma_wait3A_60, %dma_wait3A_61] : memref<128x144xf32, #tpu.memory_space<vmem>> -> memref<120x144xf32, #tpu.memory_space<vmem>>
      tpu.wait_dma2 semaphore(%run_scoped3A : memref<!tpu.dma_semaphore, #tpu.memory_space<semaphore_mem>>) src(%dma_wait3A_62 : memref<120x144xf32, #tpu.memory_space<vmem>>) dst(%dma_wait3A_59 : memref<120x144xf32, #tpu.memory_space<hbm>>)
      tpu.yield
    }) : () -> ()
    return
  }
}

#map = affine_map<(d0, d1) -> (0, 0)>
module attributes {stable_mosaic.version = 14 : i64} {
  func.func @_sc_segsum_body(%arg0: i32, %arg1: i32, %arg2: memref<10112x128xf32, #tpu.memory_space<hbm>>, %arg3: memref<2560x128xi32, #tpu.memory_space<hbm>>, %arg4: memref<2560x128xi32, #tpu.memory_space<hbm>>, %arg5: memref<128x128xf32, #tpu.memory_space<hbm>>, %arg6: memref<20224x128xf32, #tpu.memory_space<hbm>>, %arg7: memref<10112x128xf32, #tpu.memory_space<vmem_shared>>, %arg8: memref<8x128xi32, #tpu.memory_space<vmem>>, %arg9: memref<8x128xi32, #tpu.memory_space<vmem>>, %arg10: memref<128x128xf32, #tpu.memory_space<vmem>>, %arg11: memref<128x128xf32, #tpu.memory_space<vmem>>, %arg12: memref<!tpu.dma_semaphore, #tpu.memory_space<semaphore_mem>>, %arg13: memref<!tpu.dma_semaphore, #tpu.memory_space<semaphore_mem>>, %arg14: memref<!tpu.dma_semaphore, #tpu.memory_space<semaphore_mem>>, %arg15: memref<!tpu.dma_semaphore, #tpu.memory_space<semaphore_mem>>) attributes {dimension_semantics = [#tpu.dimension_semantics<core_parallel>, #tpu.dimension_semantics<subcore_parallel>], iteration_bounds = array<i64: 2, 16>, scalar_prefetch = 0 : i64, scratch_operands = 9 : i64, tpu.core_type = #tpu.core_type<sc_vector_subcore>, window_params = [{transform_indices = #map}, {transform_indices = #map}, {transform_indices = #map}, {transform_indices = #map}, {transform_indices = #map}]} {
    %mul3A = arith.constant 2 : i32
    %mul3A_0 = arith.muli %arg1, %mul3A : i32
    %add3A = arith.addi %mul3A_0, %arg0 : i32
    %mul3A_1 = arith.constant 632 : i32
    %mul3A_2 = arith.muli %arg1, %mul3A_1 : i32
    "tpu.region"() ({
      %run_scoped3A = tpu.sem_alloc : memref<!tpu.dma_semaphore, #tpu.memory_space<semaphore_mem>>
      tpu.enqueue_dma source(%arg5 : memref<128x128xf32, #tpu.memory_space<hbm>>) target(%arg10 : memref<128x128xf32, #tpu.memory_space<vmem>>) target_semaphore(%run_scoped3A : memref<!tpu.dma_semaphore, #tpu.memory_space<semaphore_mem>>)
      tpu.wait_dma2 semaphore(%run_scoped3A : memref<!tpu.dma_semaphore, #tpu.memory_space<semaphore_mem>>) src(%arg5 : memref<128x128xf32, #tpu.memory_space<hbm>>) dst(%arg10 : memref<128x128xf32, #tpu.memory_space<vmem>>)
      tpu.yield
    }) : () -> ()
    %add3A_3 = arith.constant 0 : i32
    %add3A_4 = arith.addi %mul3A_2, %add3A_3 : i32
    "tpu.region"() ({
      %run_scoped3A = tpu.sem_alloc : memref<!tpu.dma_semaphore, #tpu.memory_space<semaphore_mem>>
      %dma_start3A = arith.constant 0 : i32
      %dma_start3A_45 = arith.constant 0 : i32
      %dma_start3A_46 = tpu.memref_slice %arg10[%dma_start3A, %dma_start3A_45] : memref<128x128xf32, #tpu.memory_space<vmem>> -> memref<128x128xf32, #tpu.memory_space<vmem>>
      %dma_start3A_47 = arith.constant 0 : i32
      %dma_start3A_48 = tpu.memref_slice %arg7[%add3A_4, %dma_start3A_47] : memref<10112x128xf32, #tpu.memory_space<vmem_shared>> -> memref<128x128xf32, #tpu.memory_space<vmem_shared>>
      %dma_start3A_49 = arith.constant 0 : i32
      %dma_start3A_50 = tpu.memref_slice %arg7[%add3A_4, %dma_start3A_49] : memref<10112x128xf32, #tpu.memory_space<vmem_shared>> -> memref<128x128xf32, #tpu.memory_space<vmem_shared>>
      %dma_start3A_51 = arith.constant 0 : i32
      %dma_start3A_52 = arith.constant 0 : i32
      %dma_start3A_53 = tpu.memref_slice %arg10[%dma_start3A_51, %dma_start3A_52] : memref<128x128xf32, #tpu.memory_space<vmem>> -> memref<128x128xf32, #tpu.memory_space<vmem>>
      tpu.enqueue_dma source(%dma_start3A_53 : memref<128x128xf32, #tpu.memory_space<vmem>>) target(%dma_start3A_50 : memref<128x128xf32, #tpu.memory_space<vmem_shared>>) target_semaphore(%run_scoped3A : memref<!tpu.dma_semaphore, #tpu.memory_space<semaphore_mem>>)
      %dma_wait3A = arith.constant 0 : i32
      %dma_wait3A_54 = arith.constant 0 : i32
      %dma_wait3A_55 = tpu.memref_slice %arg10[%dma_wait3A, %dma_wait3A_54] : memref<128x128xf32, #tpu.memory_space<vmem>> -> memref<128x128xf32, #tpu.memory_space<vmem>>
      %dma_wait3A_56 = arith.constant 0 : i32
      %dma_wait3A_57 = tpu.memref_slice %arg7[%add3A_4, %dma_wait3A_56] : memref<10112x128xf32, #tpu.memory_space<vmem_shared>> -> memref<128x128xf32, #tpu.memory_space<vmem_shared>>
      %dma_wait3A_58 = arith.constant 0 : i32
      %dma_wait3A_59 = tpu.memref_slice %arg7[%add3A_4, %dma_wait3A_58] : memref<10112x128xf32, #tpu.memory_space<vmem_shared>> -> memref<128x128xf32, #tpu.memory_space<vmem_shared>>
      %dma_wait3A_60 = arith.constant 0 : i32
      %dma_wait3A_61 = arith.constant 0 : i32
      %dma_wait3A_62 = tpu.memref_slice %arg10[%dma_wait3A_60, %dma_wait3A_61] : memref<128x128xf32, #tpu.memory_space<vmem>> -> memref<128x128xf32, #tpu.memory_space<vmem>>
      tpu.wait_dma2 semaphore(%run_scoped3A : memref<!tpu.dma_semaphore, #tpu.memory_space<semaphore_mem>>) src(%dma_wait3A_62 : memref<128x128xf32, #tpu.memory_space<vmem>>) dst(%dma_wait3A_59 : memref<128x128xf32, #tpu.memory_space<vmem_shared>>)
      tpu.yield
    }) : () -> ()
    %add3A_5 = arith.constant 128 : i32
    %add3A_6 = arith.addi %mul3A_2, %add3A_5 : i32
    "tpu.region"() ({
      %run_scoped3A = tpu.sem_alloc : memref<!tpu.dma_semaphore, #tpu.memory_space<semaphore_mem>>
      %dma_start3A = arith.constant 0 : i32
      %dma_start3A_45 = arith.constant 0 : i32
      %dma_start3A_46 = tpu.memref_slice %arg10[%dma_start3A, %dma_start3A_45] : memref<128x128xf32, #tpu.memory_space<vmem>> -> memref<128x128xf32, #tpu.memory_space<vmem>>
      %dma_start3A_47 = arith.constant 0 : i32
      %dma_start3A_48 = tpu.memref_slice %arg7[%add3A_6, %dma_start3A_47] : memref<10112x128xf32, #tpu.memory_space<vmem_shared>> -> memref<128x128xf32, #tpu.memory_space<vmem_shared>>
      %dma_start3A_49 = arith.constant 0 : i32
      %dma_start3A_50 = tpu.memref_slice %arg7[%add3A_6, %dma_start3A_49] : memref<10112x128xf32, #tpu.memory_space<vmem_shared>> -> memref<128x128xf32, #tpu.memory_space<vmem_shared>>
      %dma_start3A_51 = arith.constant 0 : i32
      %dma_start3A_52 = arith.constant 0 : i32
      %dma_start3A_53 = tpu.memref_slice %arg10[%dma_start3A_51, %dma_start3A_52] : memref<128x128xf32, #tpu.memory_space<vmem>> -> memref<128x128xf32, #tpu.memory_space<vmem>>
      tpu.enqueue_dma source(%dma_start3A_53 : memref<128x128xf32, #tpu.memory_space<vmem>>) target(%dma_start3A_50 : memref<128x128xf32, #tpu.memory_space<vmem_shared>>) target_semaphore(%run_scoped3A : memref<!tpu.dma_semaphore, #tpu.memory_space<semaphore_mem>>)
      %dma_wait3A = arith.constant 0 : i32
      %dma_wait3A_54 = arith.constant 0 : i32
      %dma_wait3A_55 = tpu.memref_slice %arg10[%dma_wait3A, %dma_wait3A_54] : memref<128x128xf32, #tpu.memory_space<vmem>> -> memref<128x128xf32, #tpu.memory_space<vmem>>
      %dma_wait3A_56 = arith.constant 0 : i32
      %dma_wait3A_57 = tpu.memref_slice %arg7[%add3A_6, %dma_wait3A_56] : memref<10112x128xf32, #tpu.memory_space<vmem_shared>> -> memref<128x128xf32, #tpu.memory_space<vmem_shared>>
      %dma_wait3A_58 = arith.constant 0 : i32
      %dma_wait3A_59 = tpu.memref_slice %arg7[%add3A_6, %dma_wait3A_58] : memref<10112x128xf32, #tpu.memory_space<vmem_shared>> -> memref<128x128xf32, #tpu.memory_space<vmem_shared>>
      %dma_wait3A_60 = arith.constant 0 : i32
      %dma_wait3A_61 = arith.constant 0 : i32
      %dma_wait3A_62 = tpu.memref_slice %arg10[%dma_wait3A_60, %dma_wait3A_61] : memref<128x128xf32, #tpu.memory_space<vmem>> -> memref<128x128xf32, #tpu.memory_space<vmem>>
      tpu.wait_dma2 semaphore(%run_scoped3A : memref<!tpu.dma_semaphore, #tpu.memory_space<semaphore_mem>>) src(%dma_wait3A_62 : memref<128x128xf32, #tpu.memory_space<vmem>>) dst(%dma_wait3A_59 : memref<128x128xf32, #tpu.memory_space<vmem_shared>>)
      tpu.yield
    }) : () -> ()
    %add3A_7 = arith.constant 256 : i32
    %add3A_8 = arith.addi %mul3A_2, %add3A_7 : i32
    "tpu.region"() ({
      %run_scoped3A = tpu.sem_alloc : memref<!tpu.dma_semaphore, #tpu.memory_space<semaphore_mem>>
      %dma_start3A = arith.constant 0 : i32
      %dma_start3A_45 = arith.constant 0 : i32
      %dma_start3A_46 = tpu.memref_slice %arg10[%dma_start3A, %dma_start3A_45] : memref<128x128xf32, #tpu.memory_space<vmem>> -> memref<128x128xf32, #tpu.memory_space<vmem>>
      %dma_start3A_47 = arith.constant 0 : i32
      %dma_start3A_48 = tpu.memref_slice %arg7[%add3A_8, %dma_start3A_47] : memref<10112x128xf32, #tpu.memory_space<vmem_shared>> -> memref<128x128xf32, #tpu.memory_space<vmem_shared>>
      %dma_start3A_49 = arith.constant 0 : i32
      %dma_start3A_50 = tpu.memref_slice %arg7[%add3A_8, %dma_start3A_49] : memref<10112x128xf32, #tpu.memory_space<vmem_shared>> -> memref<128x128xf32, #tpu.memory_space<vmem_shared>>
      %dma_start3A_51 = arith.constant 0 : i32
      %dma_start3A_52 = arith.constant 0 : i32
      %dma_start3A_53 = tpu.memref_slice %arg10[%dma_start3A_51, %dma_start3A_52] : memref<128x128xf32, #tpu.memory_space<vmem>> -> memref<128x128xf32, #tpu.memory_space<vmem>>
      tpu.enqueue_dma source(%dma_start3A_53 : memref<128x128xf32, #tpu.memory_space<vmem>>) target(%dma_start3A_50 : memref<128x128xf32, #tpu.memory_space<vmem_shared>>) target_semaphore(%run_scoped3A : memref<!tpu.dma_semaphore, #tpu.memory_space<semaphore_mem>>)
      %dma_wait3A = arith.constant 0 : i32
      %dma_wait3A_54 = arith.constant 0 : i32
      %dma_wait3A_55 = tpu.memref_slice %arg10[%dma_wait3A, %dma_wait3A_54] : memref<128x128xf32, #tpu.memory_space<vmem>> -> memref<128x128xf32, #tpu.memory_space<vmem>>
      %dma_wait3A_56 = arith.constant 0 : i32
      %dma_wait3A_57 = tpu.memref_slice %arg7[%add3A_8, %dma_wait3A_56] : memref<10112x128xf32, #tpu.memory_space<vmem_shared>> -> memref<128x128xf32, #tpu.memory_space<vmem_shared>>
      %dma_wait3A_58 = arith.constant 0 : i32
      %dma_wait3A_59 = tpu.memref_slice %arg7[%add3A_8, %dma_wait3A_58] : memref<10112x128xf32, #tpu.memory_space<vmem_shared>> -> memref<128x128xf32, #tpu.memory_space<vmem_shared>>
      %dma_wait3A_60 = arith.constant 0 : i32
      %dma_wait3A_61 = arith.constant 0 : i32
      %dma_wait3A_62 = tpu.memref_slice %arg10[%dma_wait3A_60, %dma_wait3A_61] : memref<128x128xf32, #tpu.memory_space<vmem>> -> memref<128x128xf32, #tpu.memory_space<vmem>>
      tpu.wait_dma2 semaphore(%run_scoped3A : memref<!tpu.dma_semaphore, #tpu.memory_space<semaphore_mem>>) src(%dma_wait3A_62 : memref<128x128xf32, #tpu.memory_space<vmem>>) dst(%dma_wait3A_59 : memref<128x128xf32, #tpu.memory_space<vmem_shared>>)
      tpu.yield
    }) : () -> ()
    %add3A_9 = arith.constant 384 : i32
    %add3A_10 = arith.addi %mul3A_2, %add3A_9 : i32
    "tpu.region"() ({
      %run_scoped3A = tpu.sem_alloc : memref<!tpu.dma_semaphore, #tpu.memory_space<semaphore_mem>>
      %dma_start3A = arith.constant 0 : i32
      %dma_start3A_45 = arith.constant 0 : i32
      %dma_start3A_46 = tpu.memref_slice %arg10[%dma_start3A, %dma_start3A_45] : memref<128x128xf32, #tpu.memory_space<vmem>> -> memref<128x128xf32, #tpu.memory_space<vmem>>
      %dma_start3A_47 = arith.constant 0 : i32
      %dma_start3A_48 = tpu.memref_slice %arg7[%add3A_10, %dma_start3A_47] : memref<10112x128xf32, #tpu.memory_space<vmem_shared>> -> memref<128x128xf32, #tpu.memory_space<vmem_shared>>
      %dma_start3A_49 = arith.constant 0 : i32
      %dma_start3A_50 = tpu.memref_slice %arg7[%add3A_10, %dma_start3A_49] : memref<10112x128xf32, #tpu.memory_space<vmem_shared>> -> memref<128x128xf32, #tpu.memory_space<vmem_shared>>
      %dma_start3A_51 = arith.constant 0 : i32
      %dma_start3A_52 = arith.constant 0 : i32
      %dma_start3A_53 = tpu.memref_slice %arg10[%dma_start3A_51, %dma_start3A_52] : memref<128x128xf32, #tpu.memory_space<vmem>> -> memref<128x128xf32, #tpu.memory_space<vmem>>
      tpu.enqueue_dma source(%dma_start3A_53 : memref<128x128xf32, #tpu.memory_space<vmem>>) target(%dma_start3A_50 : memref<128x128xf32, #tpu.memory_space<vmem_shared>>) target_semaphore(%run_scoped3A : memref<!tpu.dma_semaphore, #tpu.memory_space<semaphore_mem>>)
      %dma_wait3A = arith.constant 0 : i32
      %dma_wait3A_54 = arith.constant 0 : i32
      %dma_wait3A_55 = tpu.memref_slice %arg10[%dma_wait3A, %dma_wait3A_54] : memref<128x128xf32, #tpu.memory_space<vmem>> -> memref<128x128xf32, #tpu.memory_space<vmem>>
      %dma_wait3A_56 = arith.constant 0 : i32
      %dma_wait3A_57 = tpu.memref_slice %arg7[%add3A_10, %dma_wait3A_56] : memref<10112x128xf32, #tpu.memory_space<vmem_shared>> -> memref<128x128xf32, #tpu.memory_space<vmem_shared>>
      %dma_wait3A_58 = arith.constant 0 : i32
      %dma_wait3A_59 = tpu.memref_slice %arg7[%add3A_10, %dma_wait3A_58] : memref<10112x128xf32, #tpu.memory_space<vmem_shared>> -> memref<128x128xf32, #tpu.memory_space<vmem_shared>>
      %dma_wait3A_60 = arith.constant 0 : i32
      %dma_wait3A_61 = arith.constant 0 : i32
      %dma_wait3A_62 = tpu.memref_slice %arg10[%dma_wait3A_60, %dma_wait3A_61] : memref<128x128xf32, #tpu.memory_space<vmem>> -> memref<128x128xf32, #tpu.memory_space<vmem>>
      tpu.wait_dma2 semaphore(%run_scoped3A : memref<!tpu.dma_semaphore, #tpu.memory_space<semaphore_mem>>) src(%dma_wait3A_62 : memref<128x128xf32, #tpu.memory_space<vmem>>) dst(%dma_wait3A_59 : memref<128x128xf32, #tpu.memory_space<vmem_shared>>)
      tpu.yield
    }) : () -> ()
    %add3A_11 = arith.constant 512 : i32
    %add3A_12 = arith.addi %mul3A_2, %add3A_11 : i32
    "tpu.region"() ({
      %run_scoped3A = tpu.sem_alloc : memref<!tpu.dma_semaphore, #tpu.memory_space<semaphore_mem>>
      %dma_start3A = arith.constant 0 : i32
      %dma_start3A_45 = arith.constant 0 : i32
      %dma_start3A_46 = tpu.memref_slice %arg10[%dma_start3A, %dma_start3A_45] : memref<128x128xf32, #tpu.memory_space<vmem>> -> memref<120x128xf32, #tpu.memory_space<vmem>>
      %dma_start3A_47 = arith.constant 0 : i32
      %dma_start3A_48 = tpu.memref_slice %arg7[%add3A_12, %dma_start3A_47] : memref<10112x128xf32, #tpu.memory_space<vmem_shared>> -> memref<120x128xf32, #tpu.memory_space<vmem_shared>>
      %dma_start3A_49 = arith.constant 0 : i32
      %dma_start3A_50 = tpu.memref_slice %arg7[%add3A_12, %dma_start3A_49] : memref<10112x128xf32, #tpu.memory_space<vmem_shared>> -> memref<120x128xf32, #tpu.memory_space<vmem_shared>>
      %dma_start3A_51 = arith.constant 0 : i32
      %dma_start3A_52 = arith.constant 0 : i32
      %dma_start3A_53 = tpu.memref_slice %arg10[%dma_start3A_51, %dma_start3A_52] : memref<128x128xf32, #tpu.memory_space<vmem>> -> memref<120x128xf32, #tpu.memory_space<vmem>>
      tpu.enqueue_dma source(%dma_start3A_53 : memref<120x128xf32, #tpu.memory_space<vmem>>) target(%dma_start3A_50 : memref<120x128xf32, #tpu.memory_space<vmem_shared>>) target_semaphore(%run_scoped3A : memref<!tpu.dma_semaphore, #tpu.memory_space<semaphore_mem>>)
      %dma_wait3A = arith.constant 0 : i32
      %dma_wait3A_54 = arith.constant 0 : i32
      %dma_wait3A_55 = tpu.memref_slice %arg10[%dma_wait3A, %dma_wait3A_54] : memref<128x128xf32, #tpu.memory_space<vmem>> -> memref<120x128xf32, #tpu.memory_space<vmem>>
      %dma_wait3A_56 = arith.constant 0 : i32
      %dma_wait3A_57 = tpu.memref_slice %arg7[%add3A_12, %dma_wait3A_56] : memref<10112x128xf32, #tpu.memory_space<vmem_shared>> -> memref<120x128xf32, #tpu.memory_space<vmem_shared>>
      %dma_wait3A_58 = arith.constant 0 : i32
      %dma_wait3A_59 = tpu.memref_slice %arg7[%add3A_12, %dma_wait3A_58] : memref<10112x128xf32, #tpu.memory_space<vmem_shared>> -> memref<120x128xf32, #tpu.memory_space<vmem_shared>>
      %dma_wait3A_60 = arith.constant 0 : i32
      %dma_wait3A_61 = arith.constant 0 : i32
      %dma_wait3A_62 = tpu.memref_slice %arg10[%dma_wait3A_60, %dma_wait3A_61] : memref<128x128xf32, #tpu.memory_space<vmem>> -> memref<120x128xf32, #tpu.memory_space<vmem>>
      tpu.wait_dma2 semaphore(%run_scoped3A : memref<!tpu.dma_semaphore, #tpu.memory_space<semaphore_mem>>) src(%dma_wait3A_62 : memref<120x128xf32, #tpu.memory_space<vmem>>) dst(%dma_wait3A_59 : memref<120x128xf32, #tpu.memory_space<vmem_shared>>)
      tpu.yield
    }) : () -> ()
    %barrier3A = arith.constant 0 : index
    tpu.barrier barrier_id(%barrier3A)
    %mul3A_13 = arith.constant 80 : i32
    %mul3A_14 = arith.muli %add3A, %mul3A_13 : i32
    %scan3A = arith.constant 0 : i32
    %scan3A_15 = arith.constant 0 : i32
    %scan3A_16 = arith.constant 10 : i32
    %scan3A_17 = arith.addi %scan3A_15, %scan3A_16 : i32
    %scan3A_18 = arith.constant 1 : i32
    %scan3A_19 = scf.for %scan3A_45 = %scan3A_15 to %scan3A_17 step %scan3A_18 iter_args(%scan3A_46 = %scan3A) -> (i32)  : i32 {
      %mul3A_47 = arith.constant 8 : i32
      %mul3A_48 = arith.muli %scan3A_45, %mul3A_47 : i32
      %add3A_49 = arith.addi %mul3A_14, %mul3A_48 : i32
      "tpu.region"() ({
        %run_scoped3A_168 = tpu.sem_alloc : memref<!tpu.dma_semaphore, #tpu.memory_space<semaphore_mem>>
        %dma_start3A_169 = arith.constant 0 : i32
        %dma_start3A_170 = tpu.memref_slice %arg3[%add3A_49, %dma_start3A_169] : memref<2560x128xi32, #tpu.memory_space<hbm>> -> memref<8x128xi32, #tpu.memory_space<hbm>>
        %dma_start3A_171 = arith.constant 0 : i32
        %dma_start3A_172 = tpu.memref_slice %arg3[%add3A_49, %dma_start3A_171] : memref<2560x128xi32, #tpu.memory_space<hbm>> -> memref<8x128xi32, #tpu.memory_space<hbm>>
        tpu.enqueue_dma source(%dma_start3A_172 : memref<8x128xi32, #tpu.memory_space<hbm>>) target(%arg8 : memref<8x128xi32, #tpu.memory_space<vmem>>) target_semaphore(%run_scoped3A_168 : memref<!tpu.dma_semaphore, #tpu.memory_space<semaphore_mem>>)
        %dma_wait3A_173 = arith.constant 0 : i32
        %dma_wait3A_174 = tpu.memref_slice %arg3[%add3A_49, %dma_wait3A_173] : memref<2560x128xi32, #tpu.memory_space<hbm>> -> memref<8x128xi32, #tpu.memory_space<hbm>>
        %dma_wait3A_175 = arith.constant 0 : i32
        %dma_wait3A_176 = tpu.memref_slice %arg3[%add3A_49, %dma_wait3A_175] : memref<2560x128xi32, #tpu.memory_space<hbm>> -> memref<8x128xi32, #tpu.memory_space<hbm>>
        tpu.wait_dma2 semaphore(%run_scoped3A_168 : memref<!tpu.dma_semaphore, #tpu.memory_space<semaphore_mem>>) src(%dma_wait3A_176 : memref<8x128xi32, #tpu.memory_space<hbm>>) dst(%arg8 : memref<8x128xi32, #tpu.memory_space<vmem>>)
        tpu.yield
      }) : () -> ()
      "tpu.region"() ({
        %run_scoped3A_168 = tpu.sem_alloc : memref<!tpu.dma_semaphore, #tpu.memory_space<semaphore_mem>>
        %dma_start3A_169 = arith.constant 0 : i32
        %dma_start3A_170 = tpu.memref_slice %arg4[%add3A_49, %dma_start3A_169] : memref<2560x128xi32, #tpu.memory_space<hbm>> -> memref<8x128xi32, #tpu.memory_space<hbm>>
        %dma_start3A_171 = arith.constant 0 : i32
        %dma_start3A_172 = tpu.memref_slice %arg4[%add3A_49, %dma_start3A_171] : memref<2560x128xi32, #tpu.memory_space<hbm>> -> memref<8x128xi32, #tpu.memory_space<hbm>>
        tpu.enqueue_dma source(%dma_start3A_172 : memref<8x128xi32, #tpu.memory_space<hbm>>) target(%arg9 : memref<8x128xi32, #tpu.memory_space<vmem>>) target_semaphore(%run_scoped3A_168 : memref<!tpu.dma_semaphore, #tpu.memory_space<semaphore_mem>>)
        %dma_wait3A_173 = arith.constant 0 : i32
        %dma_wait3A_174 = tpu.memref_slice %arg4[%add3A_49, %dma_wait3A_173] : memref<2560x128xi32, #tpu.memory_space<hbm>> -> memref<8x128xi32, #tpu.memory_space<hbm>>
        %dma_wait3A_175 = arith.constant 0 : i32
        %dma_wait3A_176 = tpu.memref_slice %arg4[%add3A_49, %dma_wait3A_175] : memref<2560x128xi32, #tpu.memory_space<hbm>> -> memref<8x128xi32, #tpu.memory_space<hbm>>
        tpu.wait_dma2 semaphore(%run_scoped3A_168 : memref<!tpu.dma_semaphore, #tpu.memory_space<semaphore_mem>>) src(%dma_wait3A_176 : memref<8x128xi32, #tpu.memory_space<hbm>>) dst(%arg9 : memref<8x128xi32, #tpu.memory_space<vmem>>)
        tpu.yield
      }) : () -> ()
      %dma_start3A = arith.constant 0 : i32
      %dma_start3A_50 = arith.constant 0 : i32
      %dma_start3A_51 = tpu.memref_slice %arg8[%dma_start3A, %dma_start3A_50] : memref<8x128xi32, #tpu.memory_space<vmem>> -> memref<1x128xi32, #tpu.memory_space<vmem>>
      %dma_start3A_52 = tpu.memref_squeeze %dma_start3A_51 : memref<1x128xi32, #tpu.memory_space<vmem>> -> memref<128xi32, #tpu.memory_space<vmem>>
      %dma_start3A_53 = arith.constant 0 : i32
      %dma_start3A_54 = arith.constant 0 : i32
      %dma_start3A_55 = tpu.memref_slice %arg2[%dma_start3A_53, %dma_start3A_54] : memref<10112x128xf32, #tpu.memory_space<hbm>> -> memref<10112x128xf32, #tpu.memory_space<hbm>>
      tpu.enqueue_indirect_dma source(%dma_start3A_55 : memref<10112x128xf32, #tpu.memory_space<hbm>>) target(%arg10 : memref<128x128xf32, #tpu.memory_space<vmem>>) offsets(%dma_start3A_52 : memref<128xi32, #tpu.memory_space<vmem>>) semaphore(%arg12 : memref<!tpu.dma_semaphore, #tpu.memory_space<semaphore_mem>>)
      %dma_start3A_56 = arith.constant 1 : i32
      %dma_start3A_57 = arith.constant 0 : i32
      %dma_start3A_58 = tpu.memref_slice %arg8[%dma_start3A_56, %dma_start3A_57] : memref<8x128xi32, #tpu.memory_space<vmem>> -> memref<1x128xi32, #tpu.memory_space<vmem>>
      %dma_start3A_59 = tpu.memref_squeeze %dma_start3A_58 : memref<1x128xi32, #tpu.memory_space<vmem>> -> memref<128xi32, #tpu.memory_space<vmem>>
      %dma_start3A_60 = arith.constant 0 : i32
      %dma_start3A_61 = arith.constant 0 : i32
      %dma_start3A_62 = tpu.memref_slice %arg2[%dma_start3A_60, %dma_start3A_61] : memref<10112x128xf32, #tpu.memory_space<hbm>> -> memref<10112x128xf32, #tpu.memory_space<hbm>>
      tpu.enqueue_indirect_dma source(%dma_start3A_62 : memref<10112x128xf32, #tpu.memory_space<hbm>>) target(%arg11 : memref<128x128xf32, #tpu.memory_space<vmem>>) offsets(%dma_start3A_59 : memref<128xi32, #tpu.memory_space<vmem>>) semaphore(%arg13 : memref<!tpu.dma_semaphore, #tpu.memory_space<semaphore_mem>>)
      %dma_wait3A = arith.constant 0 : i32
      %dma_wait3A_63 = arith.constant 0 : i32
      %dma_wait3A_64 = tpu.memref_slice %arg8[%dma_wait3A, %dma_wait3A_63] : memref<8x128xi32, #tpu.memory_space<vmem>> -> memref<1x128xi32, #tpu.memory_space<vmem>>
      %dma_wait3A_65 = tpu.memref_squeeze %dma_wait3A_64 : memref<1x128xi32, #tpu.memory_space<vmem>> -> memref<128xi32, #tpu.memory_space<vmem>>
      %dma_wait3A_66 = arith.constant 0 : i32
      %dma_wait3A_67 = arith.constant 0 : i32
      %dma_wait3A_68 = tpu.memref_slice %arg2[%dma_wait3A_66, %dma_wait3A_67] : memref<10112x128xf32, #tpu.memory_space<hbm>> -> memref<10112x128xf32, #tpu.memory_space<hbm>>
      tpu.wait_indirect_dma semaphore(%arg12 : memref<!tpu.dma_semaphore, #tpu.memory_space<semaphore_mem>>) src(%dma_wait3A_68 : memref<10112x128xf32, #tpu.memory_space<hbm>>) dst(%arg10 : memref<128x128xf32, #tpu.memory_space<vmem>>)
      %run_scoped3A = arith.constant 0 : i32
      "tpu.region"() ({
        %run_scoped3A_168 = tpu.sem_alloc : memref<!tpu.dma_semaphore, #tpu.memory_space<semaphore_mem>>
        %dma_start3A_169 = arith.constant 0 : i32
        %dma_start3A_170 = tpu.memref_slice %arg9[%run_scoped3A, %dma_start3A_169] : memref<8x128xi32, #tpu.memory_space<vmem>> -> memref<1x128xi32, #tpu.memory_space<vmem>>
        %dma_start3A_171 = tpu.memref_squeeze %dma_start3A_170 : memref<1x128xi32, #tpu.memory_space<vmem>> -> memref<128xi32, #tpu.memory_space<vmem>>
        %dma_start3A_172 = arith.constant 0 : i32
        %dma_start3A_173 = arith.constant 0 : i32
        %dma_start3A_174 = tpu.memref_slice %arg7[%dma_start3A_172, %dma_start3A_173] : memref<10112x128xf32, #tpu.memory_space<vmem_shared>> -> memref<10112x128xf32, #tpu.memory_space<vmem_shared>>
        tpu.enqueue_indirect_dma source(%arg10 : memref<128x128xf32, #tpu.memory_space<vmem>>) target(%dma_start3A_174 : memref<10112x128xf32, #tpu.memory_space<vmem_shared>>) offsets(%dma_start3A_171 : memref<128xi32, #tpu.memory_space<vmem>>) semaphore(%run_scoped3A_168 : memref<!tpu.dma_semaphore, #tpu.memory_space<semaphore_mem>>) {add = true}
        %dma_wait3A_175 = arith.constant 0 : i32
        %dma_wait3A_176 = tpu.memref_slice %arg9[%run_scoped3A, %dma_wait3A_175] : memref<8x128xi32, #tpu.memory_space<vmem>> -> memref<1x128xi32, #tpu.memory_space<vmem>>
        %dma_wait3A_177 = tpu.memref_squeeze %dma_wait3A_176 : memref<1x128xi32, #tpu.memory_space<vmem>> -> memref<128xi32, #tpu.memory_space<vmem>>
        %dma_wait3A_178 = arith.constant 0 : i32
        %dma_wait3A_179 = arith.constant 0 : i32
        %dma_wait3A_180 = tpu.memref_slice %arg7[%dma_wait3A_178, %dma_wait3A_179] : memref<10112x128xf32, #tpu.memory_space<vmem_shared>> -> memref<10112x128xf32, #tpu.memory_space<vmem_shared>>
        tpu.wait_indirect_dma semaphore(%run_scoped3A_168 : memref<!tpu.dma_semaphore, #tpu.memory_space<semaphore_mem>>) src(%arg10 : memref<128x128xf32, #tpu.memory_space<vmem>>) dst(%dma_wait3A_180 : memref<10112x128xf32, #tpu.memory_space<vmem_shared>>)
        tpu.yield
      }) : () -> ()
      %dma_start3A_69 = arith.constant 2 : i32
      %dma_start3A_70 = arith.constant 0 : i32
      %dma_start3A_71 = tpu.memref_slice %arg8[%dma_start3A_69, %dma_start3A_70] : memref<8x128xi32, #tpu.memory_space<vmem>> -> memref<1x128xi32, #tpu.memory_space<vmem>>
      %dma_start3A_72 = tpu.memref_squeeze %dma_start3A_71 : memref<1x128xi32, #tpu.memory_space<vmem>> -> memref<128xi32, #tpu.memory_space<vmem>>
      %dma_start3A_73 = arith.constant 0 : i32
      %dma_start3A_74 = arith.constant 0 : i32
      %dma_start3A_75 = tpu.memref_slice %arg2[%dma_start3A_73, %dma_start3A_74] : memref<10112x128xf32, #tpu.memory_space<hbm>> -> memref<10112x128xf32, #tpu.memory_space<hbm>>
      tpu.enqueue_indirect_dma source(%dma_start3A_75 : memref<10112x128xf32, #tpu.memory_space<hbm>>) target(%arg10 : memref<128x128xf32, #tpu.memory_space<vmem>>) offsets(%dma_start3A_72 : memref<128xi32, #tpu.memory_space<vmem>>) semaphore(%arg12 : memref<!tpu.dma_semaphore, #tpu.memory_space<semaphore_mem>>)
      %dma_wait3A_76 = arith.constant 1 : i32
      %dma_wait3A_77 = arith.constant 0 : i32
      %dma_wait3A_78 = tpu.memref_slice %arg8[%dma_wait3A_76, %dma_wait3A_77] : memref<8x128xi32, #tpu.memory_space<vmem>> -> memref<1x128xi32, #tpu.memory_space<vmem>>
      %dma_wait3A_79 = tpu.memref_squeeze %dma_wait3A_78 : memref<1x128xi32, #tpu.memory_space<vmem>> -> memref<128xi32, #tpu.memory_space<vmem>>
      %dma_wait3A_80 = arith.constant 0 : i32
      %dma_wait3A_81 = arith.constant 0 : i32
      %dma_wait3A_82 = tpu.memref_slice %arg2[%dma_wait3A_80, %dma_wait3A_81] : memref<10112x128xf32, #tpu.memory_space<hbm>> -> memref<10112x128xf32, #tpu.memory_space<hbm>>
      tpu.wait_indirect_dma semaphore(%arg13 : memref<!tpu.dma_semaphore, #tpu.memory_space<semaphore_mem>>) src(%dma_wait3A_82 : memref<10112x128xf32, #tpu.memory_space<hbm>>) dst(%arg11 : memref<128x128xf32, #tpu.memory_space<vmem>>)
      %run_scoped3A_83 = arith.constant 1 : i32
      "tpu.region"() ({
        %run_scoped3A_168 = tpu.sem_alloc : memref<!tpu.dma_semaphore, #tpu.memory_space<semaphore_mem>>
        %dma_start3A_169 = arith.constant 0 : i32
        %dma_start3A_170 = tpu.memref_slice %arg9[%run_scoped3A_83, %dma_start3A_169] : memref<8x128xi32, #tpu.memory_space<vmem>> -> memref<1x128xi32, #tpu.memory_space<vmem>>
        %dma_start3A_171 = tpu.memref_squeeze %dma_start3A_170 : memref<1x128xi32, #tpu.memory_space<vmem>> -> memref<128xi32, #tpu.memory_space<vmem>>
        %dma_start3A_172 = arith.constant 0 : i32
        %dma_start3A_173 = arith.constant 0 : i32
        %dma_start3A_174 = tpu.memref_slice %arg7[%dma_start3A_172, %dma_start3A_173] : memref<10112x128xf32, #tpu.memory_space<vmem_shared>> -> memref<10112x128xf32, #tpu.memory_space<vmem_shared>>
        tpu.enqueue_indirect_dma source(%arg11 : memref<128x128xf32, #tpu.memory_space<vmem>>) target(%dma_start3A_174 : memref<10112x128xf32, #tpu.memory_space<vmem_shared>>) offsets(%dma_start3A_171 : memref<128xi32, #tpu.memory_space<vmem>>) semaphore(%run_scoped3A_168 : memref<!tpu.dma_semaphore, #tpu.memory_space<semaphore_mem>>) {add = true}
        %dma_wait3A_175 = arith.constant 0 : i32
        %dma_wait3A_176 = tpu.memref_slice %arg9[%run_scoped3A_83, %dma_wait3A_175] : memref<8x128xi32, #tpu.memory_space<vmem>> -> memref<1x128xi32, #tpu.memory_space<vmem>>
        %dma_wait3A_177 = tpu.memref_squeeze %dma_wait3A_176 : memref<1x128xi32, #tpu.memory_space<vmem>> -> memref<128xi32, #tpu.memory_space<vmem>>
        %dma_wait3A_178 = arith.constant 0 : i32
        %dma_wait3A_179 = arith.constant 0 : i32
        %dma_wait3A_180 = tpu.memref_slice %arg7[%dma_wait3A_178, %dma_wait3A_179] : memref<10112x128xf32, #tpu.memory_space<vmem_shared>> -> memref<10112x128xf32, #tpu.memory_space<vmem_shared>>
        tpu.wait_indirect_dma semaphore(%run_scoped3A_168 : memref<!tpu.dma_semaphore, #tpu.memory_space<semaphore_mem>>) src(%arg11 : memref<128x128xf32, #tpu.memory_space<vmem>>) dst(%dma_wait3A_180 : memref<10112x128xf32, #tpu.memory_space<vmem_shared>>)
        tpu.yield
      }) : () -> ()
      %dma_start3A_84 = arith.constant 3 : i32
      %dma_start3A_85 = arith.constant 0 : i32
      %dma_start3A_86 = tpu.memref_slice %arg8[%dma_start3A_84, %dma_start3A_85] : memref<8x128xi32, #tpu.memory_space<vmem>> -> memref<1x128xi32, #tpu.memory_space<vmem>>
      %dma_start3A_87 = tpu.memref_squeeze %dma_start3A_86 : memref<1x128xi32, #tpu.memory_space<vmem>> -> memref<128xi32, #tpu.memory_space<vmem>>
      %dma_start3A_88 = arith.constant 0 : i32
      %dma_start3A_89 = arith.constant 0 : i32
      %dma_start3A_90 = tpu.memref_slice %arg2[%dma_start3A_88, %dma_start3A_89] : memref<10112x128xf32, #tpu.memory_space<hbm>> -> memref<10112x128xf32, #tpu.memory_space<hbm>>
      tpu.enqueue_indirect_dma source(%dma_start3A_90 : memref<10112x128xf32, #tpu.memory_space<hbm>>) target(%arg11 : memref<128x128xf32, #tpu.memory_space<vmem>>) offsets(%dma_start3A_87 : memref<128xi32, #tpu.memory_space<vmem>>) semaphore(%arg13 : memref<!tpu.dma_semaphore, #tpu.memory_space<semaphore_mem>>)
      %dma_wait3A_91 = arith.constant 2 : i32
      %dma_wait3A_92 = arith.constant 0 : i32
      %dma_wait3A_93 = tpu.memref_slice %arg8[%dma_wait3A_91, %dma_wait3A_92] : memref<8x128xi32, #tpu.memory_space<vmem>> -> memref<1x128xi32, #tpu.memory_space<vmem>>
      %dma_wait3A_94 = tpu.memref_squeeze %dma_wait3A_93 : memref<1x128xi32, #tpu.memory_space<vmem>> -> memref<128xi32, #tpu.memory_space<vmem>>
      %dma_wait3A_95 = arith.constant 0 : i32
      %dma_wait3A_96 = arith.constant 0 : i32
      %dma_wait3A_97 = tpu.memref_slice %arg2[%dma_wait3A_95, %dma_wait3A_96] : memref<10112x128xf32, #tpu.memory_space<hbm>> -> memref<10112x128xf32, #tpu.memory_space<hbm>>
      tpu.wait_indirect_dma semaphore(%arg12 : memref<!tpu.dma_semaphore, #tpu.memory_space<semaphore_mem>>) src(%dma_wait3A_97 : memref<10112x128xf32, #tpu.memory_space<hbm>>) dst(%arg10 : memref<128x128xf32, #tpu.memory_space<vmem>>)
      %run_scoped3A_98 = arith.constant 2 : i32
      "tpu.region"() ({
        %run_scoped3A_168 = tpu.sem_alloc : memref<!tpu.dma_semaphore, #tpu.memory_space<semaphore_mem>>
        %dma_start3A_169 = arith.constant 0 : i32
        %dma_start3A_170 = tpu.memref_slice %arg9[%run_scoped3A_98, %dma_start3A_169] : memref<8x128xi32, #tpu.memory_space<vmem>> -> memref<1x128xi32, #tpu.memory_space<vmem>>
        %dma_start3A_171 = tpu.memref_squeeze %dma_start3A_170 : memref<1x128xi32, #tpu.memory_space<vmem>> -> memref<128xi32, #tpu.memory_space<vmem>>
        %dma_start3A_172 = arith.constant 0 : i32
        %dma_start3A_173 = arith.constant 0 : i32
        %dma_start3A_174 = tpu.memref_slice %arg7[%dma_start3A_172, %dma_start3A_173] : memref<10112x128xf32, #tpu.memory_space<vmem_shared>> -> memref<10112x128xf32, #tpu.memory_space<vmem_shared>>
        tpu.enqueue_indirect_dma source(%arg10 : memref<128x128xf32, #tpu.memory_space<vmem>>) target(%dma_start3A_174 : memref<10112x128xf32, #tpu.memory_space<vmem_shared>>) offsets(%dma_start3A_171 : memref<128xi32, #tpu.memory_space<vmem>>) semaphore(%run_scoped3A_168 : memref<!tpu.dma_semaphore, #tpu.memory_space<semaphore_mem>>) {add = true}
        %dma_wait3A_175 = arith.constant 0 : i32
        %dma_wait3A_176 = tpu.memref_slice %arg9[%run_scoped3A_98, %dma_wait3A_175] : memref<8x128xi32, #tpu.memory_space<vmem>> -> memref<1x128xi32, #tpu.memory_space<vmem>>
        %dma_wait3A_177 = tpu.memref_squeeze %dma_wait3A_176 : memref<1x128xi32, #tpu.memory_space<vmem>> -> memref<128xi32, #tpu.memory_space<vmem>>
        %dma_wait3A_178 = arith.constant 0 : i32
        %dma_wait3A_179 = arith.constant 0 : i32
        %dma_wait3A_180 = tpu.memref_slice %arg7[%dma_wait3A_178, %dma_wait3A_179] : memref<10112x128xf32, #tpu.memory_space<vmem_shared>> -> memref<10112x128xf32, #tpu.memory_space<vmem_shared>>
        tpu.wait_indirect_dma semaphore(%run_scoped3A_168 : memref<!tpu.dma_semaphore, #tpu.memory_space<semaphore_mem>>) src(%arg10 : memref<128x128xf32, #tpu.memory_space<vmem>>) dst(%dma_wait3A_180 : memref<10112x128xf32, #tpu.memory_space<vmem_shared>>)
        tpu.yield
      }) : () -> ()
      %dma_start3A_99 = arith.constant 4 : i32
      %dma_start3A_100 = arith.constant 0 : i32
      %dma_start3A_101 = tpu.memref_slice %arg8[%dma_start3A_99, %dma_start3A_100] : memref<8x128xi32, #tpu.memory_space<vmem>> -> memref<1x128xi32, #tpu.memory_space<vmem>>
      %dma_start3A_102 = tpu.memref_squeeze %dma_start3A_101 : memref<1x128xi32, #tpu.memory_space<vmem>> -> memref<128xi32, #tpu.memory_space<vmem>>
      %dma_start3A_103 = arith.constant 0 : i32
      %dma_start3A_104 = arith.constant 0 : i32
      %dma_start3A_105 = tpu.memref_slice %arg2[%dma_start3A_103, %dma_start3A_104] : memref<10112x128xf32, #tpu.memory_space<hbm>> -> memref<10112x128xf32, #tpu.memory_space<hbm>>
      tpu.enqueue_indirect_dma source(%dma_start3A_105 : memref<10112x128xf32, #tpu.memory_space<hbm>>) target(%arg10 : memref<128x128xf32, #tpu.memory_space<vmem>>) offsets(%dma_start3A_102 : memref<128xi32, #tpu.memory_space<vmem>>) semaphore(%arg12 : memref<!tpu.dma_semaphore, #tpu.memory_space<semaphore_mem>>)
      %dma_wait3A_106 = arith.constant 3 : i32
      %dma_wait3A_107 = arith.constant 0 : i32
      %dma_wait3A_108 = tpu.memref_slice %arg8[%dma_wait3A_106, %dma_wait3A_107] : memref<8x128xi32, #tpu.memory_space<vmem>> -> memref<1x128xi32, #tpu.memory_space<vmem>>
      %dma_wait3A_109 = tpu.memref_squeeze %dma_wait3A_108 : memref<1x128xi32, #tpu.memory_space<vmem>> -> memref<128xi32, #tpu.memory_space<vmem>>
      %dma_wait3A_110 = arith.constant 0 : i32
      %dma_wait3A_111 = arith.constant 0 : i32
      %dma_wait3A_112 = tpu.memref_slice %arg2[%dma_wait3A_110, %dma_wait3A_111] : memref<10112x128xf32, #tpu.memory_space<hbm>> -> memref<10112x128xf32, #tpu.memory_space<hbm>>
      tpu.wait_indirect_dma semaphore(%arg13 : memref<!tpu.dma_semaphore, #tpu.memory_space<semaphore_mem>>) src(%dma_wait3A_112 : memref<10112x128xf32, #tpu.memory_space<hbm>>) dst(%arg11 : memref<128x128xf32, #tpu.memory_space<vmem>>)
      %run_scoped3A_113 = arith.constant 3 : i32
      "tpu.region"() ({
        %run_scoped3A_168 = tpu.sem_alloc : memref<!tpu.dma_semaphore, #tpu.memory_space<semaphore_mem>>
        %dma_start3A_169 = arith.constant 0 : i32
        %dma_start3A_170 = tpu.memref_slice %arg9[%run_scoped3A_113, %dma_start3A_169] : memref<8x128xi32, #tpu.memory_space<vmem>> -> memref<1x128xi32, #tpu.memory_space<vmem>>
        %dma_start3A_171 = tpu.memref_squeeze %dma_start3A_170 : memref<1x128xi32, #tpu.memory_space<vmem>> -> memref<128xi32, #tpu.memory_space<vmem>>
        %dma_start3A_172 = arith.constant 0 : i32
        %dma_start3A_173 = arith.constant 0 : i32
        %dma_start3A_174 = tpu.memref_slice %arg7[%dma_start3A_172, %dma_start3A_173] : memref<10112x128xf32, #tpu.memory_space<vmem_shared>> -> memref<10112x128xf32, #tpu.memory_space<vmem_shared>>
        tpu.enqueue_indirect_dma source(%arg11 : memref<128x128xf32, #tpu.memory_space<vmem>>) target(%dma_start3A_174 : memref<10112x128xf32, #tpu.memory_space<vmem_shared>>) offsets(%dma_start3A_171 : memref<128xi32, #tpu.memory_space<vmem>>) semaphore(%run_scoped3A_168 : memref<!tpu.dma_semaphore, #tpu.memory_space<semaphore_mem>>) {add = true}
        %dma_wait3A_175 = arith.constant 0 : i32
        %dma_wait3A_176 = tpu.memref_slice %arg9[%run_scoped3A_113, %dma_wait3A_175] : memref<8x128xi32, #tpu.memory_space<vmem>> -> memref<1x128xi32, #tpu.memory_space<vmem>>
        %dma_wait3A_177 = tpu.memref_squeeze %dma_wait3A_176 : memref<1x128xi32, #tpu.memory_space<vmem>> -> memref<128xi32, #tpu.memory_space<vmem>>
        %dma_wait3A_178 = arith.constant 0 : i32
        %dma_wait3A_179 = arith.constant 0 : i32
        %dma_wait3A_180 = tpu.memref_slice %arg7[%dma_wait3A_178, %dma_wait3A_179] : memref<10112x128xf32, #tpu.memory_space<vmem_shared>> -> memref<10112x128xf32, #tpu.memory_space<vmem_shared>>
        tpu.wait_indirect_dma semaphore(%run_scoped3A_168 : memref<!tpu.dma_semaphore, #tpu.memory_space<semaphore_mem>>) src(%arg11 : memref<128x128xf32, #tpu.memory_space<vmem>>) dst(%dma_wait3A_180 : memref<10112x128xf32, #tpu.memory_space<vmem_shared>>)
        tpu.yield
      }) : () -> ()
      %dma_start3A_114 = arith.constant 5 : i32
      %dma_start3A_115 = arith.constant 0 : i32
      %dma_start3A_116 = tpu.memref_slice %arg8[%dma_start3A_114, %dma_start3A_115] : memref<8x128xi32, #tpu.memory_space<vmem>> -> memref<1x128xi32, #tpu.memory_space<vmem>>
      %dma_start3A_117 = tpu.memref_squeeze %dma_start3A_116 : memref<1x128xi32, #tpu.memory_space<vmem>> -> memref<128xi32, #tpu.memory_space<vmem>>
      %dma_start3A_118 = arith.constant 0 : i32
      %dma_start3A_119 = arith.constant 0 : i32
      %dma_start3A_120 = tpu.memref_slice %arg2[%dma_start3A_118, %dma_start3A_119] : memref<10112x128xf32, #tpu.memory_space<hbm>> -> memref<10112x128xf32, #tpu.memory_space<hbm>>
      tpu.enqueue_indirect_dma source(%dma_start3A_120 : memref<10112x128xf32, #tpu.memory_space<hbm>>) target(%arg11 : memref<128x128xf32, #tpu.memory_space<vmem>>) offsets(%dma_start3A_117 : memref<128xi32, #tpu.memory_space<vmem>>) semaphore(%arg13 : memref<!tpu.dma_semaphore, #tpu.memory_space<semaphore_mem>>)
      %dma_wait3A_121 = arith.constant 4 : i32
      %dma_wait3A_122 = arith.constant 0 : i32
      %dma_wait3A_123 = tpu.memref_slice %arg8[%dma_wait3A_121, %dma_wait3A_122] : memref<8x128xi32, #tpu.memory_space<vmem>> -> memref<1x128xi32, #tpu.memory_space<vmem>>
      %dma_wait3A_124 = tpu.memref_squeeze %dma_wait3A_123 : memref<1x128xi32, #tpu.memory_space<vmem>> -> memref<128xi32, #tpu.memory_space<vmem>>
      %dma_wait3A_125 = arith.constant 0 : i32
      %dma_wait3A_126 = arith.constant 0 : i32
      %dma_wait3A_127 = tpu.memref_slice %arg2[%dma_wait3A_125, %dma_wait3A_126] : memref<10112x128xf32, #tpu.memory_space<hbm>> -> memref<10112x128xf32, #tpu.memory_space<hbm>>
      tpu.wait_indirect_dma semaphore(%arg12 : memref<!tpu.dma_semaphore, #tpu.memory_space<semaphore_mem>>) src(%dma_wait3A_127 : memref<10112x128xf32, #tpu.memory_space<hbm>>) dst(%arg10 : memref<128x128xf32, #tpu.memory_space<vmem>>)
      %run_scoped3A_128 = arith.constant 4 : i32
      "tpu.region"() ({
        %run_scoped3A_168 = tpu.sem_alloc : memref<!tpu.dma_semaphore, #tpu.memory_space<semaphore_mem>>
        %dma_start3A_169 = arith.constant 0 : i32
        %dma_start3A_170 = tpu.memref_slice %arg9[%run_scoped3A_128, %dma_start3A_169] : memref<8x128xi32, #tpu.memory_space<vmem>> -> memref<1x128xi32, #tpu.memory_space<vmem>>
        %dma_start3A_171 = tpu.memref_squeeze %dma_start3A_170 : memref<1x128xi32, #tpu.memory_space<vmem>> -> memref<128xi32, #tpu.memory_space<vmem>>
        %dma_start3A_172 = arith.constant 0 : i32
        %dma_start3A_173 = arith.constant 0 : i32
        %dma_start3A_174 = tpu.memref_slice %arg7[%dma_start3A_172, %dma_start3A_173] : memref<10112x128xf32, #tpu.memory_space<vmem_shared>> -> memref<10112x128xf32, #tpu.memory_space<vmem_shared>>
        tpu.enqueue_indirect_dma source(%arg10 : memref<128x128xf32, #tpu.memory_space<vmem>>) target(%dma_start3A_174 : memref<10112x128xf32, #tpu.memory_space<vmem_shared>>) offsets(%dma_start3A_171 : memref<128xi32, #tpu.memory_space<vmem>>) semaphore(%run_scoped3A_168 : memref<!tpu.dma_semaphore, #tpu.memory_space<semaphore_mem>>) {add = true}
        %dma_wait3A_175 = arith.constant 0 : i32
        %dma_wait3A_176 = tpu.memref_slice %arg9[%run_scoped3A_128, %dma_wait3A_175] : memref<8x128xi32, #tpu.memory_space<vmem>> -> memref<1x128xi32, #tpu.memory_space<vmem>>
        %dma_wait3A_177 = tpu.memref_squeeze %dma_wait3A_176 : memref<1x128xi32, #tpu.memory_space<vmem>> -> memref<128xi32, #tpu.memory_space<vmem>>
        %dma_wait3A_178 = arith.constant 0 : i32
        %dma_wait3A_179 = arith.constant 0 : i32
        %dma_wait3A_180 = tpu.memref_slice %arg7[%dma_wait3A_178, %dma_wait3A_179] : memref<10112x128xf32, #tpu.memory_space<vmem_shared>> -> memref<10112x128xf32, #tpu.memory_space<vmem_shared>>
        tpu.wait_indirect_dma semaphore(%run_scoped3A_168 : memref<!tpu.dma_semaphore, #tpu.memory_space<semaphore_mem>>) src(%arg10 : memref<128x128xf32, #tpu.memory_space<vmem>>) dst(%dma_wait3A_180 : memref<10112x128xf32, #tpu.memory_space<vmem_shared>>)
        tpu.yield
      }) : () -> ()
      %dma_start3A_129 = arith.constant 6 : i32
      %dma_start3A_130 = arith.constant 0 : i32
      %dma_start3A_131 = tpu.memref_slice %arg8[%dma_start3A_129, %dma_start3A_130] : memref<8x128xi32, #tpu.memory_space<vmem>> -> memref<1x128xi32, #tpu.memory_space<vmem>>
      %dma_start3A_132 = tpu.memref_squeeze %dma_start3A_131 : memref<1x128xi32, #tpu.memory_space<vmem>> -> memref<128xi32, #tpu.memory_space<vmem>>
      %dma_start3A_133 = arith.constant 0 : i32
      %dma_start3A_134 = arith.constant 0 : i32
      %dma_start3A_135 = tpu.memref_slice %arg2[%dma_start3A_133, %dma_start3A_134] : memref<10112x128xf32, #tpu.memory_space<hbm>> -> memref<10112x128xf32, #tpu.memory_space<hbm>>
      tpu.enqueue_indirect_dma source(%dma_start3A_135 : memref<10112x128xf32, #tpu.memory_space<hbm>>) target(%arg10 : memref<128x128xf32, #tpu.memory_space<vmem>>) offsets(%dma_start3A_132 : memref<128xi32, #tpu.memory_space<vmem>>) semaphore(%arg12 : memref<!tpu.dma_semaphore, #tpu.memory_space<semaphore_mem>>)
      %dma_wait3A_136 = arith.constant 5 : i32
      %dma_wait3A_137 = arith.constant 0 : i32
      %dma_wait3A_138 = tpu.memref_slice %arg8[%dma_wait3A_136, %dma_wait3A_137] : memref<8x128xi32, #tpu.memory_space<vmem>> -> memref<1x128xi32, #tpu.memory_space<vmem>>
      %dma_wait3A_139 = tpu.memref_squeeze %dma_wait3A_138 : memref<1x128xi32, #tpu.memory_space<vmem>> -> memref<128xi32, #tpu.memory_space<vmem>>
      %dma_wait3A_140 = arith.constant 0 : i32
      %dma_wait3A_141 = arith.constant 0 : i32
      %dma_wait3A_142 = tpu.memref_slice %arg2[%dma_wait3A_140, %dma_wait3A_141] : memref<10112x128xf32, #tpu.memory_space<hbm>> -> memref<10112x128xf32, #tpu.memory_space<hbm>>
      tpu.wait_indirect_dma semaphore(%arg13 : memref<!tpu.dma_semaphore, #tpu.memory_space<semaphore_mem>>) src(%dma_wait3A_142 : memref<10112x128xf32, #tpu.memory_space<hbm>>) dst(%arg11 : memref<128x128xf32, #tpu.memory_space<vmem>>)
      %run_scoped3A_143 = arith.constant 5 : i32
      "tpu.region"() ({
        %run_scoped3A_168 = tpu.sem_alloc : memref<!tpu.dma_semaphore, #tpu.memory_space<semaphore_mem>>
        %dma_start3A_169 = arith.constant 0 : i32
        %dma_start3A_170 = tpu.memref_slice %arg9[%run_scoped3A_143, %dma_start3A_169] : memref<8x128xi32, #tpu.memory_space<vmem>> -> memref<1x128xi32, #tpu.memory_space<vmem>>
        %dma_start3A_171 = tpu.memref_squeeze %dma_start3A_170 : memref<1x128xi32, #tpu.memory_space<vmem>> -> memref<128xi32, #tpu.memory_space<vmem>>
        %dma_start3A_172 = arith.constant 0 : i32
        %dma_start3A_173 = arith.constant 0 : i32
        %dma_start3A_174 = tpu.memref_slice %arg7[%dma_start3A_172, %dma_start3A_173] : memref<10112x128xf32, #tpu.memory_space<vmem_shared>> -> memref<10112x128xf32, #tpu.memory_space<vmem_shared>>
        tpu.enqueue_indirect_dma source(%arg11 : memref<128x128xf32, #tpu.memory_space<vmem>>) target(%dma_start3A_174 : memref<10112x128xf32, #tpu.memory_space<vmem_shared>>) offsets(%dma_start3A_171 : memref<128xi32, #tpu.memory_space<vmem>>) semaphore(%run_scoped3A_168 : memref<!tpu.dma_semaphore, #tpu.memory_space<semaphore_mem>>) {add = true}
        %dma_wait3A_175 = arith.constant 0 : i32
        %dma_wait3A_176 = tpu.memref_slice %arg9[%run_scoped3A_143, %dma_wait3A_175] : memref<8x128xi32, #tpu.memory_space<vmem>> -> memref<1x128xi32, #tpu.memory_space<vmem>>
        %dma_wait3A_177 = tpu.memref_squeeze %dma_wait3A_176 : memref<1x128xi32, #tpu.memory_space<vmem>> -> memref<128xi32, #tpu.memory_space<vmem>>
        %dma_wait3A_178 = arith.constant 0 : i32
        %dma_wait3A_179 = arith.constant 0 : i32
        %dma_wait3A_180 = tpu.memref_slice %arg7[%dma_wait3A_178, %dma_wait3A_179] : memref<10112x128xf32, #tpu.memory_space<vmem_shared>> -> memref<10112x128xf32, #tpu.memory_space<vmem_shared>>
        tpu.wait_indirect_dma semaphore(%run_scoped3A_168 : memref<!tpu.dma_semaphore, #tpu.memory_space<semaphore_mem>>) src(%arg11 : memref<128x128xf32, #tpu.memory_space<vmem>>) dst(%dma_wait3A_180 : memref<10112x128xf32, #tpu.memory_space<vmem_shared>>)
        tpu.yield
      }) : () -> ()
      %dma_start3A_144 = arith.constant 7 : i32
      %dma_start3A_145 = arith.constant 0 : i32
      %dma_start3A_146 = tpu.memref_slice %arg8[%dma_start3A_144, %dma_start3A_145] : memref<8x128xi32, #tpu.memory_space<vmem>> -> memref<1x128xi32, #tpu.memory_space<vmem>>
      %dma_start3A_147 = tpu.memref_squeeze %dma_start3A_146 : memref<1x128xi32, #tpu.memory_space<vmem>> -> memref<128xi32, #tpu.memory_space<vmem>>
      %dma_start3A_148 = arith.constant 0 : i32
      %dma_start3A_149 = arith.constant 0 : i32
      %dma_start3A_150 = tpu.memref_slice %arg2[%dma_start3A_148, %dma_start3A_149] : memref<10112x128xf32, #tpu.memory_space<hbm>> -> memref<10112x128xf32, #tpu.memory_space<hbm>>
      tpu.enqueue_indirect_dma source(%dma_start3A_150 : memref<10112x128xf32, #tpu.memory_space<hbm>>) target(%arg11 : memref<128x128xf32, #tpu.memory_space<vmem>>) offsets(%dma_start3A_147 : memref<128xi32, #tpu.memory_space<vmem>>) semaphore(%arg13 : memref<!tpu.dma_semaphore, #tpu.memory_space<semaphore_mem>>)
      %dma_wait3A_151 = arith.constant 6 : i32
      %dma_wait3A_152 = arith.constant 0 : i32
      %dma_wait3A_153 = tpu.memref_slice %arg8[%dma_wait3A_151, %dma_wait3A_152] : memref<8x128xi32, #tpu.memory_space<vmem>> -> memref<1x128xi32, #tpu.memory_space<vmem>>
      %dma_wait3A_154 = tpu.memref_squeeze %dma_wait3A_153 : memref<1x128xi32, #tpu.memory_space<vmem>> -> memref<128xi32, #tpu.memory_space<vmem>>
      %dma_wait3A_155 = arith.constant 0 : i32
      %dma_wait3A_156 = arith.constant 0 : i32
      %dma_wait3A_157 = tpu.memref_slice %arg2[%dma_wait3A_155, %dma_wait3A_156] : memref<10112x128xf32, #tpu.memory_space<hbm>> -> memref<10112x128xf32, #tpu.memory_space<hbm>>
      tpu.wait_indirect_dma semaphore(%arg12 : memref<!tpu.dma_semaphore, #tpu.memory_space<semaphore_mem>>) src(%dma_wait3A_157 : memref<10112x128xf32, #tpu.memory_space<hbm>>) dst(%arg10 : memref<128x128xf32, #tpu.memory_space<vmem>>)
      %run_scoped3A_158 = arith.constant 6 : i32
      "tpu.region"() ({
        %run_scoped3A_168 = tpu.sem_alloc : memref<!tpu.dma_semaphore, #tpu.memory_space<semaphore_mem>>
        %dma_start3A_169 = arith.constant 0 : i32
        %dma_start3A_170 = tpu.memref_slice %arg9[%run_scoped3A_158, %dma_start3A_169] : memref<8x128xi32, #tpu.memory_space<vmem>> -> memref<1x128xi32, #tpu.memory_space<vmem>>
        %dma_start3A_171 = tpu.memref_squeeze %dma_start3A_170 : memref<1x128xi32, #tpu.memory_space<vmem>> -> memref<128xi32, #tpu.memory_space<vmem>>
        %dma_start3A_172 = arith.constant 0 : i32
        %dma_start3A_173 = arith.constant 0 : i32
        %dma_start3A_174 = tpu.memref_slice %arg7[%dma_start3A_172, %dma_start3A_173] : memref<10112x128xf32, #tpu.memory_space<vmem_shared>> -> memref<10112x128xf32, #tpu.memory_space<vmem_shared>>
        tpu.enqueue_indirect_dma source(%arg10 : memref<128x128xf32, #tpu.memory_space<vmem>>) target(%dma_start3A_174 : memref<10112x128xf32, #tpu.memory_space<vmem_shared>>) offsets(%dma_start3A_171 : memref<128xi32, #tpu.memory_space<vmem>>) semaphore(%run_scoped3A_168 : memref<!tpu.dma_semaphore, #tpu.memory_space<semaphore_mem>>) {add = true}
        %dma_wait3A_175 = arith.constant 0 : i32
        %dma_wait3A_176 = tpu.memref_slice %arg9[%run_scoped3A_158, %dma_wait3A_175] : memref<8x128xi32, #tpu.memory_space<vmem>> -> memref<1x128xi32, #tpu.memory_space<vmem>>
        %dma_wait3A_177 = tpu.memref_squeeze %dma_wait3A_176 : memref<1x128xi32, #tpu.memory_space<vmem>> -> memref<128xi32, #tpu.memory_space<vmem>>
        %dma_wait3A_178 = arith.constant 0 : i32
        %dma_wait3A_179 = arith.constant 0 : i32
        %dma_wait3A_180 = tpu.memref_slice %arg7[%dma_wait3A_178, %dma_wait3A_179] : memref<10112x128xf32, #tpu.memory_space<vmem_shared>> -> memref<10112x128xf32, #tpu.memory_space<vmem_shared>>
        tpu.wait_indirect_dma semaphore(%run_scoped3A_168 : memref<!tpu.dma_semaphore, #tpu.memory_space<semaphore_mem>>) src(%arg10 : memref<128x128xf32, #tpu.memory_space<vmem>>) dst(%dma_wait3A_180 : memref<10112x128xf32, #tpu.memory_space<vmem_shared>>)
        tpu.yield
      }) : () -> ()
      %dma_wait3A_159 = arith.constant 7 : i32
      %dma_wait3A_160 = arith.constant 0 : i32
      %dma_wait3A_161 = tpu.memref_slice %arg8[%dma_wait3A_159, %dma_wait3A_160] : memref<8x128xi32, #tpu.memory_space<vmem>> -> memref<1x128xi32, #tpu.memory_space<vmem>>
      %dma_wait3A_162 = tpu.memref_squeeze %dma_wait3A_161 : memref<1x128xi32, #tpu.memory_space<vmem>> -> memref<128xi32, #tpu.memory_space<vmem>>
      %dma_wait3A_163 = arith.constant 0 : i32
      %dma_wait3A_164 = arith.constant 0 : i32
      %dma_wait3A_165 = tpu.memref_slice %arg2[%dma_wait3A_163, %dma_wait3A_164] : memref<10112x128xf32, #tpu.memory_space<hbm>> -> memref<10112x128xf32, #tpu.memory_space<hbm>>
      tpu.wait_indirect_dma semaphore(%arg13 : memref<!tpu.dma_semaphore, #tpu.memory_space<semaphore_mem>>) src(%dma_wait3A_165 : memref<10112x128xf32, #tpu.memory_space<hbm>>) dst(%arg11 : memref<128x128xf32, #tpu.memory_space<vmem>>)
      %run_scoped3A_166 = arith.constant 7 : i32
      "tpu.region"() ({
        %run_scoped3A_168 = tpu.sem_alloc : memref<!tpu.dma_semaphore, #tpu.memory_space<semaphore_mem>>
        %dma_start3A_169 = arith.constant 0 : i32
        %dma_start3A_170 = tpu.memref_slice %arg9[%run_scoped3A_166, %dma_start3A_169] : memref<8x128xi32, #tpu.memory_space<vmem>> -> memref<1x128xi32, #tpu.memory_space<vmem>>
        %dma_start3A_171 = tpu.memref_squeeze %dma_start3A_170 : memref<1x128xi32, #tpu.memory_space<vmem>> -> memref<128xi32, #tpu.memory_space<vmem>>
        %dma_start3A_172 = arith.constant 0 : i32
        %dma_start3A_173 = arith.constant 0 : i32
        %dma_start3A_174 = tpu.memref_slice %arg7[%dma_start3A_172, %dma_start3A_173] : memref<10112x128xf32, #tpu.memory_space<vmem_shared>> -> memref<10112x128xf32, #tpu.memory_space<vmem_shared>>
        tpu.enqueue_indirect_dma source(%arg11 : memref<128x128xf32, #tpu.memory_space<vmem>>) target(%dma_start3A_174 : memref<10112x128xf32, #tpu.memory_space<vmem_shared>>) offsets(%dma_start3A_171 : memref<128xi32, #tpu.memory_space<vmem>>) semaphore(%run_scoped3A_168 : memref<!tpu.dma_semaphore, #tpu.memory_space<semaphore_mem>>) {add = true}
        %dma_wait3A_175 = arith.constant 0 : i32
        %dma_wait3A_176 = tpu.memref_slice %arg9[%run_scoped3A_166, %dma_wait3A_175] : memref<8x128xi32, #tpu.memory_space<vmem>> -> memref<1x128xi32, #tpu.memory_space<vmem>>
        %dma_wait3A_177 = tpu.memref_squeeze %dma_wait3A_176 : memref<1x128xi32, #tpu.memory_space<vmem>> -> memref<128xi32, #tpu.memory_space<vmem>>
        %dma_wait3A_178 = arith.constant 0 : i32
        %dma_wait3A_179 = arith.constant 0 : i32
        %dma_wait3A_180 = tpu.memref_slice %arg7[%dma_wait3A_178, %dma_wait3A_179] : memref<10112x128xf32, #tpu.memory_space<vmem_shared>> -> memref<10112x128xf32, #tpu.memory_space<vmem_shared>>
        tpu.wait_indirect_dma semaphore(%run_scoped3A_168 : memref<!tpu.dma_semaphore, #tpu.memory_space<semaphore_mem>>) src(%arg11 : memref<128x128xf32, #tpu.memory_space<vmem>>) dst(%dma_wait3A_180 : memref<10112x128xf32, #tpu.memory_space<vmem_shared>>)
        tpu.yield
      }) : () -> ()
      %scan3A_167 = arith.constant 0 : i32
      scf.yield %scan3A_167 : i32
    }
    %scan3A_20 = arith.constant 10 : i32
    %barrier3A_21 = arith.constant 0 : index
    tpu.barrier barrier_id(%barrier3A_21)
    %mul3A_22 = arith.constant 10112 : i32
    %mul3A_23 = arith.muli %arg0, %mul3A_22 : i32
    %add3A_24 = arith.addi %mul3A_23, %mul3A_2 : i32
    %add3A_25 = arith.constant 0 : i32
    %add3A_26 = arith.addi %mul3A_2, %add3A_25 : i32
    "tpu.region"() ({
      %run_scoped3A = tpu.sem_alloc : memref<!tpu.dma_semaphore, #tpu.memory_space<semaphore_mem>>
      %dma_start3A = arith.constant 0 : i32
      %dma_start3A_45 = arith.constant 0 : i32
      %dma_start3A_46 = tpu.memref_slice %arg10[%dma_start3A, %dma_start3A_45] : memref<128x128xf32, #tpu.memory_space<vmem>> -> memref<128x128xf32, #tpu.memory_space<vmem>>
      %dma_start3A_47 = arith.constant 0 : i32
      %dma_start3A_48 = tpu.memref_slice %arg7[%add3A_26, %dma_start3A_47] : memref<10112x128xf32, #tpu.memory_space<vmem_shared>> -> memref<128x128xf32, #tpu.memory_space<vmem_shared>>
      %dma_start3A_49 = arith.constant 0 : i32
      %dma_start3A_50 = arith.constant 0 : i32
      %dma_start3A_51 = tpu.memref_slice %arg10[%dma_start3A_49, %dma_start3A_50] : memref<128x128xf32, #tpu.memory_space<vmem>> -> memref<128x128xf32, #tpu.memory_space<vmem>>
      %dma_start3A_52 = arith.constant 0 : i32
      %dma_start3A_53 = tpu.memref_slice %arg7[%add3A_26, %dma_start3A_52] : memref<10112x128xf32, #tpu.memory_space<vmem_shared>> -> memref<128x128xf32, #tpu.memory_space<vmem_shared>>
      tpu.enqueue_dma source(%dma_start3A_53 : memref<128x128xf32, #tpu.memory_space<vmem_shared>>) target(%dma_start3A_51 : memref<128x128xf32, #tpu.memory_space<vmem>>) target_semaphore(%run_scoped3A : memref<!tpu.dma_semaphore, #tpu.memory_space<semaphore_mem>>)
      %dma_wait3A = arith.constant 0 : i32
      %dma_wait3A_54 = arith.constant 0 : i32
      %dma_wait3A_55 = tpu.memref_slice %arg10[%dma_wait3A, %dma_wait3A_54] : memref<128x128xf32, #tpu.memory_space<vmem>> -> memref<128x128xf32, #tpu.memory_space<vmem>>
      %dma_wait3A_56 = arith.constant 0 : i32
      %dma_wait3A_57 = tpu.memref_slice %arg7[%add3A_26, %dma_wait3A_56] : memref<10112x128xf32, #tpu.memory_space<vmem_shared>> -> memref<128x128xf32, #tpu.memory_space<vmem_shared>>
      %dma_wait3A_58 = arith.constant 0 : i32
      %dma_wait3A_59 = arith.constant 0 : i32
      %dma_wait3A_60 = tpu.memref_slice %arg10[%dma_wait3A_58, %dma_wait3A_59] : memref<128x128xf32, #tpu.memory_space<vmem>> -> memref<128x128xf32, #tpu.memory_space<vmem>>
      %dma_wait3A_61 = arith.constant 0 : i32
      %dma_wait3A_62 = tpu.memref_slice %arg7[%add3A_26, %dma_wait3A_61] : memref<10112x128xf32, #tpu.memory_space<vmem_shared>> -> memref<128x128xf32, #tpu.memory_space<vmem_shared>>
      tpu.wait_dma2 semaphore(%run_scoped3A : memref<!tpu.dma_semaphore, #tpu.memory_space<semaphore_mem>>) src(%dma_wait3A_62 : memref<128x128xf32, #tpu.memory_space<vmem_shared>>) dst(%dma_wait3A_60 : memref<128x128xf32, #tpu.memory_space<vmem>>)
      tpu.yield
    }) : () -> ()
    %add3A_27 = arith.constant 0 : i32
    %add3A_28 = arith.addi %add3A_24, %add3A_27 : i32
    "tpu.region"() ({
      %run_scoped3A = tpu.sem_alloc : memref<!tpu.dma_semaphore, #tpu.memory_space<semaphore_mem>>
      %dma_start3A = arith.constant 0 : i32
      %dma_start3A_45 = arith.constant 0 : i32
      %dma_start3A_46 = tpu.memref_slice %arg10[%dma_start3A, %dma_start3A_45] : memref<128x128xf32, #tpu.memory_space<vmem>> -> memref<128x128xf32, #tpu.memory_space<vmem>>
      %dma_start3A_47 = arith.constant 0 : i32
      %dma_start3A_48 = tpu.memref_slice %arg6[%add3A_28, %dma_start3A_47] : memref<20224x128xf32, #tpu.memory_space<hbm>> -> memref<128x128xf32, #tpu.memory_space<hbm>>
      %dma_start3A_49 = arith.constant 0 : i32
      %dma_start3A_50 = tpu.memref_slice %arg6[%add3A_28, %dma_start3A_49] : memref<20224x128xf32, #tpu.memory_space<hbm>> -> memref<128x128xf32, #tpu.memory_space<hbm>>
      %dma_start3A_51 = arith.constant 0 : i32
      %dma_start3A_52 = arith.constant 0 : i32
      %dma_start3A_53 = tpu.memref_slice %arg10[%dma_start3A_51, %dma_start3A_52] : memref<128x128xf32, #tpu.memory_space<vmem>> -> memref<128x128xf32, #tpu.memory_space<vmem>>
      tpu.enqueue_dma source(%dma_start3A_53 : memref<128x128xf32, #tpu.memory_space<vmem>>) target(%dma_start3A_50 : memref<128x128xf32, #tpu.memory_space<hbm>>) target_semaphore(%run_scoped3A : memref<!tpu.dma_semaphore, #tpu.memory_space<semaphore_mem>>)
      %dma_wait3A = arith.constant 0 : i32
      %dma_wait3A_54 = arith.constant 0 : i32
      %dma_wait3A_55 = tpu.memref_slice %arg10[%dma_wait3A, %dma_wait3A_54] : memref<128x128xf32, #tpu.memory_space<vmem>> -> memref<128x128xf32, #tpu.memory_space<vmem>>
      %dma_wait3A_56 = arith.constant 0 : i32
      %dma_wait3A_57 = tpu.memref_slice %arg6[%add3A_28, %dma_wait3A_56] : memref<20224x128xf32, #tpu.memory_space<hbm>> -> memref<128x128xf32, #tpu.memory_space<hbm>>
      %dma_wait3A_58 = arith.constant 0 : i32
      %dma_wait3A_59 = tpu.memref_slice %arg6[%add3A_28, %dma_wait3A_58] : memref<20224x128xf32, #tpu.memory_space<hbm>> -> memref<128x128xf32, #tpu.memory_space<hbm>>
      %dma_wait3A_60 = arith.constant 0 : i32
      %dma_wait3A_61 = arith.constant 0 : i32
      %dma_wait3A_62 = tpu.memref_slice %arg10[%dma_wait3A_60, %dma_wait3A_61] : memref<128x128xf32, #tpu.memory_space<vmem>> -> memref<128x128xf32, #tpu.memory_space<vmem>>
      tpu.wait_dma2 semaphore(%run_scoped3A : memref<!tpu.dma_semaphore, #tpu.memory_space<semaphore_mem>>) src(%dma_wait3A_62 : memref<128x128xf32, #tpu.memory_space<vmem>>) dst(%dma_wait3A_59 : memref<128x128xf32, #tpu.memory_space<hbm>>)
      tpu.yield
    }) : () -> ()
    %add3A_29 = arith.constant 128 : i32
    %add3A_30 = arith.addi %mul3A_2, %add3A_29 : i32
    "tpu.region"() ({
      %run_scoped3A = tpu.sem_alloc : memref<!tpu.dma_semaphore, #tpu.memory_space<semaphore_mem>>
      %dma_start3A = arith.constant 0 : i32
      %dma_start3A_45 = arith.constant 0 : i32
      %dma_start3A_46 = tpu.memref_slice %arg10[%dma_start3A, %dma_start3A_45] : memref<128x128xf32, #tpu.memory_space<vmem>> -> memref<128x128xf32, #tpu.memory_space<vmem>>
      %dma_start3A_47 = arith.constant 0 : i32
      %dma_start3A_48 = tpu.memref_slice %arg7[%add3A_30, %dma_start3A_47] : memref<10112x128xf32, #tpu.memory_space<vmem_shared>> -> memref<128x128xf32, #tpu.memory_space<vmem_shared>>
      %dma_start3A_49 = arith.constant 0 : i32
      %dma_start3A_50 = arith.constant 0 : i32
      %dma_start3A_51 = tpu.memref_slice %arg10[%dma_start3A_49, %dma_start3A_50] : memref<128x128xf32, #tpu.memory_space<vmem>> -> memref<128x128xf32, #tpu.memory_space<vmem>>
      %dma_start3A_52 = arith.constant 0 : i32
      %dma_start3A_53 = tpu.memref_slice %arg7[%add3A_30, %dma_start3A_52] : memref<10112x128xf32, #tpu.memory_space<vmem_shared>> -> memref<128x128xf32, #tpu.memory_space<vmem_shared>>
      tpu.enqueue_dma source(%dma_start3A_53 : memref<128x128xf32, #tpu.memory_space<vmem_shared>>) target(%dma_start3A_51 : memref<128x128xf32, #tpu.memory_space<vmem>>) target_semaphore(%run_scoped3A : memref<!tpu.dma_semaphore, #tpu.memory_space<semaphore_mem>>)
      %dma_wait3A = arith.constant 0 : i32
      %dma_wait3A_54 = arith.constant 0 : i32
      %dma_wait3A_55 = tpu.memref_slice %arg10[%dma_wait3A, %dma_wait3A_54] : memref<128x128xf32, #tpu.memory_space<vmem>> -> memref<128x128xf32, #tpu.memory_space<vmem>>
      %dma_wait3A_56 = arith.constant 0 : i32
      %dma_wait3A_57 = tpu.memref_slice %arg7[%add3A_30, %dma_wait3A_56] : memref<10112x128xf32, #tpu.memory_space<vmem_shared>> -> memref<128x128xf32, #tpu.memory_space<vmem_shared>>
      %dma_wait3A_58 = arith.constant 0 : i32
      %dma_wait3A_59 = arith.constant 0 : i32
      %dma_wait3A_60 = tpu.memref_slice %arg10[%dma_wait3A_58, %dma_wait3A_59] : memref<128x128xf32, #tpu.memory_space<vmem>> -> memref<128x128xf32, #tpu.memory_space<vmem>>
      %dma_wait3A_61 = arith.constant 0 : i32
      %dma_wait3A_62 = tpu.memref_slice %arg7[%add3A_30, %dma_wait3A_61] : memref<10112x128xf32, #tpu.memory_space<vmem_shared>> -> memref<128x128xf32, #tpu.memory_space<vmem_shared>>
      tpu.wait_dma2 semaphore(%run_scoped3A : memref<!tpu.dma_semaphore, #tpu.memory_space<semaphore_mem>>) src(%dma_wait3A_62 : memref<128x128xf32, #tpu.memory_space<vmem_shared>>) dst(%dma_wait3A_60 : memref<128x128xf32, #tpu.memory_space<vmem>>)
      tpu.yield
    }) : () -> ()
    %add3A_31 = arith.constant 128 : i32
    %add3A_32 = arith.addi %add3A_24, %add3A_31 : i32
    "tpu.region"() ({
      %run_scoped3A = tpu.sem_alloc : memref<!tpu.dma_semaphore, #tpu.memory_space<semaphore_mem>>
      %dma_start3A = arith.constant 0 : i32
      %dma_start3A_45 = arith.constant 0 : i32
      %dma_start3A_46 = tpu.memref_slice %arg10[%dma_start3A, %dma_start3A_45] : memref<128x128xf32, #tpu.memory_space<vmem>> -> memref<128x128xf32, #tpu.memory_space<vmem>>
      %dma_start3A_47 = arith.constant 0 : i32
      %dma_start3A_48 = tpu.memref_slice %arg6[%add3A_32, %dma_start3A_47] : memref<20224x128xf32, #tpu.memory_space<hbm>> -> memref<128x128xf32, #tpu.memory_space<hbm>>
      %dma_start3A_49 = arith.constant 0 : i32
      %dma_start3A_50 = tpu.memref_slice %arg6[%add3A_32, %dma_start3A_49] : memref<20224x128xf32, #tpu.memory_space<hbm>> -> memref<128x128xf32, #tpu.memory_space<hbm>>
      %dma_start3A_51 = arith.constant 0 : i32
      %dma_start3A_52 = arith.constant 0 : i32
      %dma_start3A_53 = tpu.memref_slice %arg10[%dma_start3A_51, %dma_start3A_52] : memref<128x128xf32, #tpu.memory_space<vmem>> -> memref<128x128xf32, #tpu.memory_space<vmem>>
      tpu.enqueue_dma source(%dma_start3A_53 : memref<128x128xf32, #tpu.memory_space<vmem>>) target(%dma_start3A_50 : memref<128x128xf32, #tpu.memory_space<hbm>>) target_semaphore(%run_scoped3A : memref<!tpu.dma_semaphore, #tpu.memory_space<semaphore_mem>>)
      %dma_wait3A = arith.constant 0 : i32
      %dma_wait3A_54 = arith.constant 0 : i32
      %dma_wait3A_55 = tpu.memref_slice %arg10[%dma_wait3A, %dma_wait3A_54] : memref<128x128xf32, #tpu.memory_space<vmem>> -> memref<128x128xf32, #tpu.memory_space<vmem>>
      %dma_wait3A_56 = arith.constant 0 : i32
      %dma_wait3A_57 = tpu.memref_slice %arg6[%add3A_32, %dma_wait3A_56] : memref<20224x128xf32, #tpu.memory_space<hbm>> -> memref<128x128xf32, #tpu.memory_space<hbm>>
      %dma_wait3A_58 = arith.constant 0 : i32
      %dma_wait3A_59 = tpu.memref_slice %arg6[%add3A_32, %dma_wait3A_58] : memref<20224x128xf32, #tpu.memory_space<hbm>> -> memref<128x128xf32, #tpu.memory_space<hbm>>
      %dma_wait3A_60 = arith.constant 0 : i32
      %dma_wait3A_61 = arith.constant 0 : i32
      %dma_wait3A_62 = tpu.memref_slice %arg10[%dma_wait3A_60, %dma_wait3A_61] : memref<128x128xf32, #tpu.memory_space<vmem>> -> memref<128x128xf32, #tpu.memory_space<vmem>>
      tpu.wait_dma2 semaphore(%run_scoped3A : memref<!tpu.dma_semaphore, #tpu.memory_space<semaphore_mem>>) src(%dma_wait3A_62 : memref<128x128xf32, #tpu.memory_space<vmem>>) dst(%dma_wait3A_59 : memref<128x128xf32, #tpu.memory_space<hbm>>)
      tpu.yield
    }) : () -> ()
    %add3A_33 = arith.constant 256 : i32
    %add3A_34 = arith.addi %mul3A_2, %add3A_33 : i32
    "tpu.region"() ({
      %run_scoped3A = tpu.sem_alloc : memref<!tpu.dma_semaphore, #tpu.memory_space<semaphore_mem>>
      %dma_start3A = arith.constant 0 : i32
      %dma_start3A_45 = arith.constant 0 : i32
      %dma_start3A_46 = tpu.memref_slice %arg10[%dma_start3A, %dma_start3A_45] : memref<128x128xf32, #tpu.memory_space<vmem>> -> memref<128x128xf32, #tpu.memory_space<vmem>>
      %dma_start3A_47 = arith.constant 0 : i32
      %dma_start3A_48 = tpu.memref_slice %arg7[%add3A_34, %dma_start3A_47] : memref<10112x128xf32, #tpu.memory_space<vmem_shared>> -> memref<128x128xf32, #tpu.memory_space<vmem_shared>>
      %dma_start3A_49 = arith.constant 0 : i32
      %dma_start3A_50 = arith.constant 0 : i32
      %dma_start3A_51 = tpu.memref_slice %arg10[%dma_start3A_49, %dma_start3A_50] : memref<128x128xf32, #tpu.memory_space<vmem>> -> memref<128x128xf32, #tpu.memory_space<vmem>>
      %dma_start3A_52 = arith.constant 0 : i32
      %dma_start3A_53 = tpu.memref_slice %arg7[%add3A_34, %dma_start3A_52] : memref<10112x128xf32, #tpu.memory_space<vmem_shared>> -> memref<128x128xf32, #tpu.memory_space<vmem_shared>>
      tpu.enqueue_dma source(%dma_start3A_53 : memref<128x128xf32, #tpu.memory_space<vmem_shared>>) target(%dma_start3A_51 : memref<128x128xf32, #tpu.memory_space<vmem>>) target_semaphore(%run_scoped3A : memref<!tpu.dma_semaphore, #tpu.memory_space<semaphore_mem>>)
      %dma_wait3A = arith.constant 0 : i32
      %dma_wait3A_54 = arith.constant 0 : i32
      %dma_wait3A_55 = tpu.memref_slice %arg10[%dma_wait3A, %dma_wait3A_54] : memref<128x128xf32, #tpu.memory_space<vmem>> -> memref<128x128xf32, #tpu.memory_space<vmem>>
      %dma_wait3A_56 = arith.constant 0 : i32
      %dma_wait3A_57 = tpu.memref_slice %arg7[%add3A_34, %dma_wait3A_56] : memref<10112x128xf32, #tpu.memory_space<vmem_shared>> -> memref<128x128xf32, #tpu.memory_space<vmem_shared>>
      %dma_wait3A_58 = arith.constant 0 : i32
      %dma_wait3A_59 = arith.constant 0 : i32
      %dma_wait3A_60 = tpu.memref_slice %arg10[%dma_wait3A_58, %dma_wait3A_59] : memref<128x128xf32, #tpu.memory_space<vmem>> -> memref<128x128xf32, #tpu.memory_space<vmem>>
      %dma_wait3A_61 = arith.constant 0 : i32
      %dma_wait3A_62 = tpu.memref_slice %arg7[%add3A_34, %dma_wait3A_61] : memref<10112x128xf32, #tpu.memory_space<vmem_shared>> -> memref<128x128xf32, #tpu.memory_space<vmem_shared>>
      tpu.wait_dma2 semaphore(%run_scoped3A : memref<!tpu.dma_semaphore, #tpu.memory_space<semaphore_mem>>) src(%dma_wait3A_62 : memref<128x128xf32, #tpu.memory_space<vmem_shared>>) dst(%dma_wait3A_60 : memref<128x128xf32, #tpu.memory_space<vmem>>)
      tpu.yield
    }) : () -> ()
    %add3A_35 = arith.constant 256 : i32
    %add3A_36 = arith.addi %add3A_24, %add3A_35 : i32
    "tpu.region"() ({
      %run_scoped3A = tpu.sem_alloc : memref<!tpu.dma_semaphore, #tpu.memory_space<semaphore_mem>>
      %dma_start3A = arith.constant 0 : i32
      %dma_start3A_45 = arith.constant 0 : i32
      %dma_start3A_46 = tpu.memref_slice %arg10[%dma_start3A, %dma_start3A_45] : memref<128x128xf32, #tpu.memory_space<vmem>> -> memref<128x128xf32, #tpu.memory_space<vmem>>
      %dma_start3A_47 = arith.constant 0 : i32
      %dma_start3A_48 = tpu.memref_slice %arg6[%add3A_36, %dma_start3A_47] : memref<20224x128xf32, #tpu.memory_space<hbm>> -> memref<128x128xf32, #tpu.memory_space<hbm>>
      %dma_start3A_49 = arith.constant 0 : i32
      %dma_start3A_50 = tpu.memref_slice %arg6[%add3A_36, %dma_start3A_49] : memref<20224x128xf32, #tpu.memory_space<hbm>> -> memref<128x128xf32, #tpu.memory_space<hbm>>
      %dma_start3A_51 = arith.constant 0 : i32
      %dma_start3A_52 = arith.constant 0 : i32
      %dma_start3A_53 = tpu.memref_slice %arg10[%dma_start3A_51, %dma_start3A_52] : memref<128x128xf32, #tpu.memory_space<vmem>> -> memref<128x128xf32, #tpu.memory_space<vmem>>
      tpu.enqueue_dma source(%dma_start3A_53 : memref<128x128xf32, #tpu.memory_space<vmem>>) target(%dma_start3A_50 : memref<128x128xf32, #tpu.memory_space<hbm>>) target_semaphore(%run_scoped3A : memref<!tpu.dma_semaphore, #tpu.memory_space<semaphore_mem>>)
      %dma_wait3A = arith.constant 0 : i32
      %dma_wait3A_54 = arith.constant 0 : i32
      %dma_wait3A_55 = tpu.memref_slice %arg10[%dma_wait3A, %dma_wait3A_54] : memref<128x128xf32, #tpu.memory_space<vmem>> -> memref<128x128xf32, #tpu.memory_space<vmem>>
      %dma_wait3A_56 = arith.constant 0 : i32
      %dma_wait3A_57 = tpu.memref_slice %arg6[%add3A_36, %dma_wait3A_56] : memref<20224x128xf32, #tpu.memory_space<hbm>> -> memref<128x128xf32, #tpu.memory_space<hbm>>
      %dma_wait3A_58 = arith.constant 0 : i32
      %dma_wait3A_59 = tpu.memref_slice %arg6[%add3A_36, %dma_wait3A_58] : memref<20224x128xf32, #tpu.memory_space<hbm>> -> memref<128x128xf32, #tpu.memory_space<hbm>>
      %dma_wait3A_60 = arith.constant 0 : i32
      %dma_wait3A_61 = arith.constant 0 : i32
      %dma_wait3A_62 = tpu.memref_slice %arg10[%dma_wait3A_60, %dma_wait3A_61] : memref<128x128xf32, #tpu.memory_space<vmem>> -> memref<128x128xf32, #tpu.memory_space<vmem>>
      tpu.wait_dma2 semaphore(%run_scoped3A : memref<!tpu.dma_semaphore, #tpu.memory_space<semaphore_mem>>) src(%dma_wait3A_62 : memref<128x128xf32, #tpu.memory_space<vmem>>) dst(%dma_wait3A_59 : memref<128x128xf32, #tpu.memory_space<hbm>>)
      tpu.yield
    }) : () -> ()
    %add3A_37 = arith.constant 384 : i32
    %add3A_38 = arith.addi %mul3A_2, %add3A_37 : i32
    "tpu.region"() ({
      %run_scoped3A = tpu.sem_alloc : memref<!tpu.dma_semaphore, #tpu.memory_space<semaphore_mem>>
      %dma_start3A = arith.constant 0 : i32
      %dma_start3A_45 = arith.constant 0 : i32
      %dma_start3A_46 = tpu.memref_slice %arg10[%dma_start3A, %dma_start3A_45] : memref<128x128xf32, #tpu.memory_space<vmem>> -> memref<128x128xf32, #tpu.memory_space<vmem>>
      %dma_start3A_47 = arith.constant 0 : i32
      %dma_start3A_48 = tpu.memref_slice %arg7[%add3A_38, %dma_start3A_47] : memref<10112x128xf32, #tpu.memory_space<vmem_shared>> -> memref<128x128xf32, #tpu.memory_space<vmem_shared>>
      %dma_start3A_49 = arith.constant 0 : i32
      %dma_start3A_50 = arith.constant 0 : i32
      %dma_start3A_51 = tpu.memref_slice %arg10[%dma_start3A_49, %dma_start3A_50] : memref<128x128xf32, #tpu.memory_space<vmem>> -> memref<128x128xf32, #tpu.memory_space<vmem>>
      %dma_start3A_52 = arith.constant 0 : i32
      %dma_start3A_53 = tpu.memref_slice %arg7[%add3A_38, %dma_start3A_52] : memref<10112x128xf32, #tpu.memory_space<vmem_shared>> -> memref<128x128xf32, #tpu.memory_space<vmem_shared>>
      tpu.enqueue_dma source(%dma_start3A_53 : memref<128x128xf32, #tpu.memory_space<vmem_shared>>) target(%dma_start3A_51 : memref<128x128xf32, #tpu.memory_space<vmem>>) target_semaphore(%run_scoped3A : memref<!tpu.dma_semaphore, #tpu.memory_space<semaphore_mem>>)
      %dma_wait3A = arith.constant 0 : i32
      %dma_wait3A_54 = arith.constant 0 : i32
      %dma_wait3A_55 = tpu.memref_slice %arg10[%dma_wait3A, %dma_wait3A_54] : memref<128x128xf32, #tpu.memory_space<vmem>> -> memref<128x128xf32, #tpu.memory_space<vmem>>
      %dma_wait3A_56 = arith.constant 0 : i32
      %dma_wait3A_57 = tpu.memref_slice %arg7[%add3A_38, %dma_wait3A_56] : memref<10112x128xf32, #tpu.memory_space<vmem_shared>> -> memref<128x128xf32, #tpu.memory_space<vmem_shared>>
      %dma_wait3A_58 = arith.constant 0 : i32
      %dma_wait3A_59 = arith.constant 0 : i32
      %dma_wait3A_60 = tpu.memref_slice %arg10[%dma_wait3A_58, %dma_wait3A_59] : memref<128x128xf32, #tpu.memory_space<vmem>> -> memref<128x128xf32, #tpu.memory_space<vmem>>
      %dma_wait3A_61 = arith.constant 0 : i32
      %dma_wait3A_62 = tpu.memref_slice %arg7[%add3A_38, %dma_wait3A_61] : memref<10112x128xf32, #tpu.memory_space<vmem_shared>> -> memref<128x128xf32, #tpu.memory_space<vmem_shared>>
      tpu.wait_dma2 semaphore(%run_scoped3A : memref<!tpu.dma_semaphore, #tpu.memory_space<semaphore_mem>>) src(%dma_wait3A_62 : memref<128x128xf32, #tpu.memory_space<vmem_shared>>) dst(%dma_wait3A_60 : memref<128x128xf32, #tpu.memory_space<vmem>>)
      tpu.yield
    }) : () -> ()
    %add3A_39 = arith.constant 384 : i32
    %add3A_40 = arith.addi %add3A_24, %add3A_39 : i32
    "tpu.region"() ({
      %run_scoped3A = tpu.sem_alloc : memref<!tpu.dma_semaphore, #tpu.memory_space<semaphore_mem>>
      %dma_start3A = arith.constant 0 : i32
      %dma_start3A_45 = arith.constant 0 : i32
      %dma_start3A_46 = tpu.memref_slice %arg10[%dma_start3A, %dma_start3A_45] : memref<128x128xf32, #tpu.memory_space<vmem>> -> memref<128x128xf32, #tpu.memory_space<vmem>>
      %dma_start3A_47 = arith.constant 0 : i32
      %dma_start3A_48 = tpu.memref_slice %arg6[%add3A_40, %dma_start3A_47] : memref<20224x128xf32, #tpu.memory_space<hbm>> -> memref<128x128xf32, #tpu.memory_space<hbm>>
      %dma_start3A_49 = arith.constant 0 : i32
      %dma_start3A_50 = tpu.memref_slice %arg6[%add3A_40, %dma_start3A_49] : memref<20224x128xf32, #tpu.memory_space<hbm>> -> memref<128x128xf32, #tpu.memory_space<hbm>>
      %dma_start3A_51 = arith.constant 0 : i32
      %dma_start3A_52 = arith.constant 0 : i32
      %dma_start3A_53 = tpu.memref_slice %arg10[%dma_start3A_51, %dma_start3A_52] : memref<128x128xf32, #tpu.memory_space<vmem>> -> memref<128x128xf32, #tpu.memory_space<vmem>>
      tpu.enqueue_dma source(%dma_start3A_53 : memref<128x128xf32, #tpu.memory_space<vmem>>) target(%dma_start3A_50 : memref<128x128xf32, #tpu.memory_space<hbm>>) target_semaphore(%run_scoped3A : memref<!tpu.dma_semaphore, #tpu.memory_space<semaphore_mem>>)
      %dma_wait3A = arith.constant 0 : i32
      %dma_wait3A_54 = arith.constant 0 : i32
      %dma_wait3A_55 = tpu.memref_slice %arg10[%dma_wait3A, %dma_wait3A_54] : memref<128x128xf32, #tpu.memory_space<vmem>> -> memref<128x128xf32, #tpu.memory_space<vmem>>
      %dma_wait3A_56 = arith.constant 0 : i32
      %dma_wait3A_57 = tpu.memref_slice %arg6[%add3A_40, %dma_wait3A_56] : memref<20224x128xf32, #tpu.memory_space<hbm>> -> memref<128x128xf32, #tpu.memory_space<hbm>>
      %dma_wait3A_58 = arith.constant 0 : i32
      %dma_wait3A_59 = tpu.memref_slice %arg6[%add3A_40, %dma_wait3A_58] : memref<20224x128xf32, #tpu.memory_space<hbm>> -> memref<128x128xf32, #tpu.memory_space<hbm>>
      %dma_wait3A_60 = arith.constant 0 : i32
      %dma_wait3A_61 = arith.constant 0 : i32
      %dma_wait3A_62 = tpu.memref_slice %arg10[%dma_wait3A_60, %dma_wait3A_61] : memref<128x128xf32, #tpu.memory_space<vmem>> -> memref<128x128xf32, #tpu.memory_space<vmem>>
      tpu.wait_dma2 semaphore(%run_scoped3A : memref<!tpu.dma_semaphore, #tpu.memory_space<semaphore_mem>>) src(%dma_wait3A_62 : memref<128x128xf32, #tpu.memory_space<vmem>>) dst(%dma_wait3A_59 : memref<128x128xf32, #tpu.memory_space<hbm>>)
      tpu.yield
    }) : () -> ()
    %add3A_41 = arith.constant 512 : i32
    %add3A_42 = arith.addi %mul3A_2, %add3A_41 : i32
    "tpu.region"() ({
      %run_scoped3A = tpu.sem_alloc : memref<!tpu.dma_semaphore, #tpu.memory_space<semaphore_mem>>
      %dma_start3A = arith.constant 0 : i32
      %dma_start3A_45 = arith.constant 0 : i32
      %dma_start3A_46 = tpu.memref_slice %arg10[%dma_start3A, %dma_start3A_45] : memref<128x128xf32, #tpu.memory_space<vmem>> -> memref<120x128xf32, #tpu.memory_space<vmem>>
      %dma_start3A_47 = arith.constant 0 : i32
      %dma_start3A_48 = tpu.memref_slice %arg7[%add3A_42, %dma_start3A_47] : memref<10112x128xf32, #tpu.memory_space<vmem_shared>> -> memref<120x128xf32, #tpu.memory_space<vmem_shared>>
      %dma_start3A_49 = arith.constant 0 : i32
      %dma_start3A_50 = arith.constant 0 : i32
      %dma_start3A_51 = tpu.memref_slice %arg10[%dma_start3A_49, %dma_start3A_50] : memref<128x128xf32, #tpu.memory_space<vmem>> -> memref<120x128xf32, #tpu.memory_space<vmem>>
      %dma_start3A_52 = arith.constant 0 : i32
      %dma_start3A_53 = tpu.memref_slice %arg7[%add3A_42, %dma_start3A_52] : memref<10112x128xf32, #tpu.memory_space<vmem_shared>> -> memref<120x128xf32, #tpu.memory_space<vmem_shared>>
      tpu.enqueue_dma source(%dma_start3A_53 : memref<120x128xf32, #tpu.memory_space<vmem_shared>>) target(%dma_start3A_51 : memref<120x128xf32, #tpu.memory_space<vmem>>) target_semaphore(%run_scoped3A : memref<!tpu.dma_semaphore, #tpu.memory_space<semaphore_mem>>)
      %dma_wait3A = arith.constant 0 : i32
      %dma_wait3A_54 = arith.constant 0 : i32
      %dma_wait3A_55 = tpu.memref_slice %arg10[%dma_wait3A, %dma_wait3A_54] : memref<128x128xf32, #tpu.memory_space<vmem>> -> memref<120x128xf32, #tpu.memory_space<vmem>>
      %dma_wait3A_56 = arith.constant 0 : i32
      %dma_wait3A_57 = tpu.memref_slice %arg7[%add3A_42, %dma_wait3A_56] : memref<10112x128xf32, #tpu.memory_space<vmem_shared>> -> memref<120x128xf32, #tpu.memory_space<vmem_shared>>
      %dma_wait3A_58 = arith.constant 0 : i32
      %dma_wait3A_59 = arith.constant 0 : i32
      %dma_wait3A_60 = tpu.memref_slice %arg10[%dma_wait3A_58, %dma_wait3A_59] : memref<128x128xf32, #tpu.memory_space<vmem>> -> memref<120x128xf32, #tpu.memory_space<vmem>>
      %dma_wait3A_61 = arith.constant 0 : i32
      %dma_wait3A_62 = tpu.memref_slice %arg7[%add3A_42, %dma_wait3A_61] : memref<10112x128xf32, #tpu.memory_space<vmem_shared>> -> memref<120x128xf32, #tpu.memory_space<vmem_shared>>
      tpu.wait_dma2 semaphore(%run_scoped3A : memref<!tpu.dma_semaphore, #tpu.memory_space<semaphore_mem>>) src(%dma_wait3A_62 : memref<120x128xf32, #tpu.memory_space<vmem_shared>>) dst(%dma_wait3A_60 : memref<120x128xf32, #tpu.memory_space<vmem>>)
      tpu.yield
    }) : () -> ()
    %add3A_43 = arith.constant 512 : i32
    %add3A_44 = arith.addi %add3A_24, %add3A_43 : i32
    "tpu.region"() ({
      %run_scoped3A = tpu.sem_alloc : memref<!tpu.dma_semaphore, #tpu.memory_space<semaphore_mem>>
      %dma_start3A = arith.constant 0 : i32
      %dma_start3A_45 = arith.constant 0 : i32
      %dma_start3A_46 = tpu.memref_slice %arg10[%dma_start3A, %dma_start3A_45] : memref<128x128xf32, #tpu.memory_space<vmem>> -> memref<120x128xf32, #tpu.memory_space<vmem>>
      %dma_start3A_47 = arith.constant 0 : i32
      %dma_start3A_48 = tpu.memref_slice %arg6[%add3A_44, %dma_start3A_47] : memref<20224x128xf32, #tpu.memory_space<hbm>> -> memref<120x128xf32, #tpu.memory_space<hbm>>
      %dma_start3A_49 = arith.constant 0 : i32
      %dma_start3A_50 = tpu.memref_slice %arg6[%add3A_44, %dma_start3A_49] : memref<20224x128xf32, #tpu.memory_space<hbm>> -> memref<120x128xf32, #tpu.memory_space<hbm>>
      %dma_start3A_51 = arith.constant 0 : i32
      %dma_start3A_52 = arith.constant 0 : i32
      %dma_start3A_53 = tpu.memref_slice %arg10[%dma_start3A_51, %dma_start3A_52] : memref<128x128xf32, #tpu.memory_space<vmem>> -> memref<120x128xf32, #tpu.memory_space<vmem>>
      tpu.enqueue_dma source(%dma_start3A_53 : memref<120x128xf32, #tpu.memory_space<vmem>>) target(%dma_start3A_50 : memref<120x128xf32, #tpu.memory_space<hbm>>) target_semaphore(%run_scoped3A : memref<!tpu.dma_semaphore, #tpu.memory_space<semaphore_mem>>)
      %dma_wait3A = arith.constant 0 : i32
      %dma_wait3A_54 = arith.constant 0 : i32
      %dma_wait3A_55 = tpu.memref_slice %arg10[%dma_wait3A, %dma_wait3A_54] : memref<128x128xf32, #tpu.memory_space<vmem>> -> memref<120x128xf32, #tpu.memory_space<vmem>>
      %dma_wait3A_56 = arith.constant 0 : i32
      %dma_wait3A_57 = tpu.memref_slice %arg6[%add3A_44, %dma_wait3A_56] : memref<20224x128xf32, #tpu.memory_space<hbm>> -> memref<120x128xf32, #tpu.memory_space<hbm>>
      %dma_wait3A_58 = arith.constant 0 : i32
      %dma_wait3A_59 = tpu.memref_slice %arg6[%add3A_44, %dma_wait3A_58] : memref<20224x128xf32, #tpu.memory_space<hbm>> -> memref<120x128xf32, #tpu.memory_space<hbm>>
      %dma_wait3A_60 = arith.constant 0 : i32
      %dma_wait3A_61 = arith.constant 0 : i32
      %dma_wait3A_62 = tpu.memref_slice %arg10[%dma_wait3A_60, %dma_wait3A_61] : memref<128x128xf32, #tpu.memory_space<vmem>> -> memref<120x128xf32, #tpu.memory_space<vmem>>
      tpu.wait_dma2 semaphore(%run_scoped3A : memref<!tpu.dma_semaphore, #tpu.memory_space<semaphore_mem>>) src(%dma_wait3A_62 : memref<120x128xf32, #tpu.memory_space<vmem>>) dst(%dma_wait3A_59 : memref<120x128xf32, #tpu.memory_space<hbm>>)
      tpu.yield
    }) : () -> ()
    return
  }
}

module attributes {stable_mosaic.version = 14 : i64} {
  func.func @_dense0_body(%arg0: i32, %arg1: memref<2528x128xf32, #tpu.memory_space<vmem>>, %arg2: memref<128x128xf32, #tpu.memory_space<vmem>>, %arg3: memref<128x128xf32, #tpu.memory_space<vmem>>, %arg4: memref<1x128xf32, #tpu.memory_space<vmem>>, %arg5: memref<2528x144xf32, #tpu.memory_space<vmem>>, %arg6: memref<2528x128xf32, #tpu.memory_space<vmem>>) attributes {dimension_semantics = [#tpu.dimension_semantics<arbitrary>], iteration_bounds = array<i64: 4>, scalar_prefetch = 0 : i64, scratch_operands = 0 : i64, tpu.core_type = #tpu.core_type<tc>, window_params = [{transform_indices = @transform_0, window_bounds = array<i64: 2528, 128>}, {pipeline_mode = #tpu.pipeline_mode<synchronous>, transform_indices = @transform_1, window_bounds = array<i64: 128, 128>}, {pipeline_mode = #tpu.pipeline_mode<synchronous>, transform_indices = @transform_2, window_bounds = array<i64: 128, 128>}, {pipeline_mode = #tpu.pipeline_mode<synchronous>, transform_indices = @transform_3, window_bounds = array<i64: 1, 128>}, {transform_indices = @transform_4, window_bounds = array<i64: 2528, 144>}, {transform_indices = @transform_5, window_bounds = array<i64: 2528, 128>}]} {
    %get3A = arith.constant 0 : index
    %get3A_0 = arith.constant 0 : index
    %get3A_1 = vector.load %arg1[%get3A, %get3A_0] : memref<2528x128xf32, #tpu.memory_space<vmem>>, vector<2528x128xf32>
    %get3A_2 = arith.constant 0 : index
    %get3A_3 = arith.constant 0 : index
    %get3A_4 = vector.load %arg2[%get3A_2, %get3A_3] : memref<128x128xf32, #tpu.memory_space<vmem>>, vector<128x128xf32>
    %dot_general3A = arith.constant dense<0.000000e+00> : vector<2528x128xf32>
    %dot_general3A_5 = tpu.matmul %get3A_1, %get3A_4, %dot_general3A {dimension_numbers = #tpu.dot_dimension_numbers<[1], [0], [0], [1], [0, 0, 1, 1], [], []>, precision = #tpu.contract_precision<fp32>, transpose_lhs_hint = false} : vector<2528x128xf32>, vector<128x128xf32>, vector<2528x128xf32> -> vector<2528x128xf32>
    %broadcast_in_dim3A = arith.constant 1.000000e+00 : f32
    %broadcast_in_dim3A_6 = vector.broadcast %broadcast_in_dim3A : f32 to vector<2528x16xf32>
    %concatenate3A = tpu.concatenate %dot_general3A_5, %broadcast_in_dim3A_6 in 1 : vector<2528x128xf32>, vector<2528x16xf32> -> vector<2528x144xf32>
    %swap3A = arith.constant 0 : index
    %swap3A_7 = arith.constant 0 : index
    %swap3A_8 = vector.load %arg5[%swap3A, %swap3A_7] : memref<2528x144xf32, #tpu.memory_space<vmem>>, vector<2528x144xf32>
    tpu.vector_store %arg5[%swap3A, %swap3A_7], %concatenate3A {strides = array<i32>} : memref<2528x144xf32, #tpu.memory_space<vmem>>, vector<2528x144xf32>,
    %get3A_9 = arith.constant 0 : index
    %get3A_10 = arith.constant 0 : index
    %get3A_11 = vector.load %arg3[%get3A_9, %get3A_10] : memref<128x128xf32, #tpu.memory_space<vmem>>, vector<128x128xf32>
    %dot_general3A_12 = arith.constant dense<0.000000e+00> : vector<2528x128xf32>
    %dot_general3A_13 = tpu.matmul %get3A_1, %get3A_11, %dot_general3A_12 {dimension_numbers = #tpu.dot_dimension_numbers<[1], [0], [0], [1], [0, 0, 1, 1], [], []>, precision = #tpu.contract_precision<fp32>, transpose_lhs_hint = false} : vector<2528x128xf32>, vector<128x128xf32>, vector<2528x128xf32> -> vector<2528x128xf32>
    %get3A_14 = arith.constant 0 : index
    %get3A_15 = arith.constant 0 : index
    %get3A_16 = vector.load %arg4[%get3A_14, %get3A_15] : memref<1x128xf32, #tpu.memory_space<vmem>>, vector<1x128xf32>
    %add3A = vector.broadcast %get3A_16 : vector<1x128xf32> to vector<2528x128xf32>
    %add3A_17 = arith.addf %dot_general3A_13, %add3A : vector<2528x128xf32>
    %swap3A_18 = arith.constant 0 : index
    %swap3A_19 = arith.constant 0 : index
    %swap3A_20 = vector.load %arg6[%swap3A_18, %swap3A_19] : memref<2528x128xf32, #tpu.memory_space<vmem>>, vector<2528x128xf32>
    tpu.vector_store %arg6[%swap3A_18, %swap3A_19], %add3A_17 {strides = array<i32>} : memref<2528x128xf32, #tpu.memory_space<vmem>>, vector<2528x128xf32>,
    return
  }
  func.func @transform_0(%arg0: i32) -> (i32, i32) {
    %c0_i32 = arith.constant 0 : i32
    %c0_i32_0 = arith.constant 0 : i32
    return %arg0, %c0_i32 : i32, i32
  }
  func.func @transform_1(%arg0: i32) -> (i32, i32) {
    %c0_i32 = arith.constant 0 : i32
    %c0_i32_0 = arith.constant 0 : i32
    %c0_i32_1 = arith.constant 0 : i32
    return %c0_i32, %c0_i32_0 : i32, i32
  }
  func.func @transform_2(%arg0: i32) -> (i32, i32) {
    %c0_i32 = arith.constant 0 : i32
    %c0_i32_0 = arith.constant 0 : i32
    %c0_i32_1 = arith.constant 0 : i32
    return %c0_i32, %c0_i32_0 : i32, i32
  }
  func.func @transform_3(%arg0: i32) -> (i32, i32) {
    %c0_i32 = arith.constant 0 : i32
    %c0_i32_0 = arith.constant 0 : i32
    %c0_i32_1 = arith.constant 0 : i32
    return %c0_i32, %c0_i32_0 : i32, i32
  }
  func.func @transform_4(%arg0: i32) -> (i32, i32) {
    %c0_i32 = arith.constant 0 : i32
    %c0_i32_0 = arith.constant 0 : i32
    return %arg0, %c0_i32 : i32, i32
  }
  func.func @transform_5(%arg0: i32) -> (i32, i32) {
    %c0_i32 = arith.constant 0 : i32
    %c0_i32_0 = arith.constant 0 : i32
    return %arg0, %c0_i32 : i32, i32
  }
}

module attributes {stable_mosaic.version = 14 : i64} {
  func.func @_fuse_mid_body(%arg0: i32, %arg1: memref<2528x144xf32, #tpu.memory_space<vmem>>, %arg2: memref<2528x144xf32, #tpu.memory_space<vmem>>, %arg3: memref<2528x128xf32, #tpu.memory_space<vmem>>, %arg4: memref<1x128xf32, #tpu.memory_space<vmem>>, %arg5: memref<1x128xf32, #tpu.memory_space<vmem>>, %arg6: memref<128x128xf32, #tpu.memory_space<vmem>>, %arg7: memref<128x128xf32, #tpu.memory_space<vmem>>, %arg8: memref<1x128xf32, #tpu.memory_space<vmem>>, %arg9: memref<2528x128xf32, #tpu.memory_space<vmem>>, %arg10: memref<2528x128xf32, #tpu.memory_space<vmem>>, %arg11: memref<2528x8xf32, #tpu.memory_space<vmem>>) attributes {dimension_semantics = [#tpu.dimension_semantics<arbitrary>], iteration_bounds = array<i64: 4>, scalar_prefetch = 0 : i64, scratch_operands = 0 : i64, tpu.core_type = #tpu.core_type<tc>, window_params = [{transform_indices = @transform_0, window_bounds = array<i64: 2528, 144>}, {transform_indices = @transform_1, window_bounds = array<i64: 2528, 144>}, {transform_indices = @transform_2, window_bounds = array<i64: 2528, 128>}, {pipeline_mode = #tpu.pipeline_mode<synchronous>, transform_indices = @transform_3, window_bounds = array<i64: 1, 128>}, {pipeline_mode = #tpu.pipeline_mode<synchronous>, transform_indices = @transform_4, window_bounds = array<i64: 1, 128>}, {pipeline_mode = #tpu.pipeline_mode<synchronous>, transform_indices = @transform_5, window_bounds = array<i64: 128, 128>}, {pipeline_mode = #tpu.pipeline_mode<synchronous>, transform_indices = @transform_6, window_bounds = array<i64: 128, 128>}, {pipeline_mode = #tpu.pipeline_mode<synchronous>, transform_indices = @transform_7, window_bounds = array<i64: 1, 128>}, {transform_indices = @transform_8, window_bounds = array<i64: 2528, 128>}, {transform_indices = @transform_9, window_bounds = array<i64: 2528, 128>}, {transform_indices = @transform_10, window_bounds = array<i64: 2528, 8>}]} {
    %get3A = arith.constant 0 : index
    %get3A_0 = arith.constant 0 : index
    %get3A_1 = vector.load %arg1[%get3A, %get3A_0] : memref<2528x144xf32, #tpu.memory_space<vmem>>, vector<2528x144xf32>
    %get3A_2 = arith.constant 0 : index
    %get3A_3 = arith.constant 0 : index
    %get3A_4 = vector.load %arg2[%get3A_2, %get3A_3] : memref<2528x144xf32, #tpu.memory_space<vmem>>, vector<2528x144xf32>
    %add3A = arith.addf %get3A_1, %get3A_4 : vector<2528x144xf32>
    %slice3A = vector.extract_strided_slice %add3A {offsets = [0, 128], sizes = [2528, 1], strides = [1, 1]} : vector<2528x144xf32> to vector<2528x1xf32>
    %max3A = arith.constant 1.000000e+00 : f32
    %max3A_5 = vector.broadcast %max3A : f32 to vector<2528x1xf32>
    %max3A_6 = arith.maximumf %slice3A, %max3A_5 : vector<2528x1xf32>
    %slice3A_7 = vector.extract_strided_slice %add3A {offsets = [0, 0], sizes = [2528, 128], strides = [1, 1]} : vector<2528x144xf32> to vector<2528x128xf32>
    %div3A = vector.broadcast %max3A_6 : vector<2528x1xf32> to vector<2528x128xf32>
    %div3A_8 = arith.divf %slice3A_7, %div3A : vector<2528x128xf32>
    %get3A_9 = arith.constant 0 : index
    %get3A_10 = arith.constant 0 : index
    %get3A_11 = vector.load %arg3[%get3A_9, %get3A_10] : memref<2528x128xf32, #tpu.memory_space<vmem>>, vector<2528x128xf32>
    %add3A_12 = arith.addf %div3A_8, %get3A_11 : vector<2528x128xf32>
    %reduce_sum3A = arith.constant dense<0.000000e+00> : vector<2528xf32>
    %reduce_sum3A_13 = vector.multi_reduction <add>, %add3A_12, %reduce_sum3A [1] : vector<2528x128xf32> to vector<2528xf32>
    %broadcast_in_dim3A = vector.shape_cast %reduce_sum3A_13 : vector<2528xf32> to vector<2528x1xf32>
    %div3A_14 = arith.constant 1.280000e+02 : f32
    %div3A_15 = vector.broadcast %div3A_14 : f32 to vector<2528x1xf32>
    %div3A_16 = arith.divf %broadcast_in_dim3A, %div3A_15 : vector<2528x1xf32>
    %sub3A = vector.broadcast %div3A_16 : vector<2528x1xf32> to vector<2528x128xf32>
    %sub3A_17 = arith.subf %add3A_12, %sub3A : vector<2528x128xf32>
    %sub3A_18 = vector.broadcast %div3A_16 : vector<2528x1xf32> to vector<2528x128xf32>
    %sub3A_19 = arith.subf %add3A_12, %sub3A_18 : vector<2528x128xf32>
    %mul3A = arith.mulf %sub3A_17, %sub3A_19 : vector<2528x128xf32>
    %reduce_sum3A_20 = arith.constant dense<0.000000e+00> : vector<2528xf32>
    %reduce_sum3A_21 = vector.multi_reduction <add>, %mul3A, %reduce_sum3A_20 [1] : vector<2528x128xf32> to vector<2528xf32>
    %broadcast_in_dim3A_22 = vector.shape_cast %reduce_sum3A_21 : vector<2528xf32> to vector<2528x1xf32>
    %div3A_23 = arith.constant 1.280000e+02 : f32
    %div3A_24 = vector.broadcast %div3A_23 : f32 to vector<2528x1xf32>
    %div3A_25 = arith.divf %broadcast_in_dim3A_22, %div3A_24 : vector<2528x1xf32>
    %sub3A_26 = vector.broadcast %div3A_16 : vector<2528x1xf32> to vector<2528x128xf32>
    %sub3A_27 = arith.subf %add3A_12, %sub3A_26 : vector<2528x128xf32>
    %add3A_28 = arith.constant 9.99999974E-6 : f32
    %add3A_29 = vector.broadcast %add3A_28 : f32 to vector<2528x1xf32>
    %add3A_30 = arith.addf %div3A_25, %add3A_29 : vector<2528x1xf32>
    %rsqrt3A = math.rsqrt %add3A_30 : vector<2528x1xf32>
    %mul3A_31 = vector.broadcast %rsqrt3A : vector<2528x1xf32> to vector<2528x128xf32>
    %mul3A_32 = arith.mulf %sub3A_27, %mul3A_31 : vector<2528x128xf32>
    %get3A_33 = arith.constant 0 : index
    %get3A_34 = arith.constant 0 : index
    %get3A_35 = vector.load %arg4[%get3A_33, %get3A_34] : memref<1x128xf32, #tpu.memory_space<vmem>>, vector<1x128xf32>
    %mul3A_36 = vector.broadcast %get3A_35 : vector<1x128xf32> to vector<2528x128xf32>
    %mul3A_37 = arith.mulf %mul3A_32, %mul3A_36 : vector<2528x128xf32>
    %get3A_38 = arith.constant 0 : index
    %get3A_39 = arith.constant 0 : index
    %get3A_40 = vector.load %arg5[%get3A_38, %get3A_39] : memref<1x128xf32, #tpu.memory_space<vmem>>, vector<1x128xf32>
    %add3A_41 = vector.broadcast %get3A_40 : vector<1x128xf32> to vector<2528x128xf32>
    %add3A_42 = arith.addf %mul3A_37, %add3A_41 : vector<2528x128xf32>
    %max3A_43 = arith.constant 0.000000e+00 : f32
    %max3A_44 = vector.broadcast %max3A_43 : f32 to vector<2528x128xf32>
    %max3A_45 = arith.maximumf %add3A_42, %max3A_44 : vector<2528x128xf32>
    %get3A_46 = arith.constant 0 : index
    %get3A_47 = arith.constant 0 : index
    %get3A_48 = vector.load %arg6[%get3A_46, %get3A_47] : memref<128x128xf32, #tpu.memory_space<vmem>>, vector<128x128xf32>
    %dot_general3A = arith.constant dense<0.000000e+00> : vector<2528x128xf32>
    %dot_general3A_49 = tpu.matmul %max3A_45, %get3A_48, %dot_general3A {dimension_numbers = #tpu.dot_dimension_numbers<[1], [0], [0], [1], [0, 0, 1, 1], [], []>, precision = #tpu.contract_precision<fp32>, transpose_lhs_hint = false} : vector<2528x128xf32>, vector<128x128xf32>, vector<2528x128xf32> -> vector<2528x128xf32>
    %swap3A = arith.constant 0 : index
    %swap3A_50 = arith.constant 0 : index
    %swap3A_51 = vector.load %arg9[%swap3A, %swap3A_50] : memref<2528x128xf32, #tpu.memory_space<vmem>>, vector<2528x128xf32>
    tpu.vector_store %arg9[%swap3A, %swap3A_50], %dot_general3A_49 {strides = array<i32>} : memref<2528x128xf32, #tpu.memory_space<vmem>>, vector<2528x128xf32>,
    %get3A_52 = arith.constant 0 : index
    %get3A_53 = arith.constant 0 : index
    %get3A_54 = vector.load %arg7[%get3A_52, %get3A_53] : memref<128x128xf32, #tpu.memory_space<vmem>>, vector<128x128xf32>
    %dot_general3A_55 = arith.constant dense<0.000000e+00> : vector<2528x128xf32>
    %dot_general3A_56 = tpu.matmul %max3A_45, %get3A_54, %dot_general3A_55 {dimension_numbers = #tpu.dot_dimension_numbers<[1], [0], [0], [1], [0, 0, 1, 1], [], []>, precision = #tpu.contract_precision<fp32>, transpose_lhs_hint = false} : vector<2528x128xf32>, vector<128x128xf32>, vector<2528x128xf32> -> vector<2528x128xf32>
    %get3A_57 = arith.constant 0 : index
    %get3A_58 = arith.constant 0 : index
    %get3A_59 = vector.load %arg8[%get3A_57, %get3A_58] : memref<1x128xf32, #tpu.memory_space<vmem>>, vector<1x128xf32>
    %add3A_60 = vector.broadcast %get3A_59 : vector<1x128xf32> to vector<2528x128xf32>
    %add3A_61 = arith.addf %dot_general3A_56, %add3A_60 : vector<2528x128xf32>
    %swap3A_62 = arith.constant 0 : index
    %swap3A_63 = arith.constant 0 : index
    %swap3A_64 = vector.load %arg10[%swap3A_62, %swap3A_63] : memref<2528x128xf32, #tpu.memory_space<vmem>>, vector<2528x128xf32>
    tpu.vector_store %arg10[%swap3A_62, %swap3A_63], %add3A_61 {strides = array<i32>} : memref<2528x128xf32, #tpu.memory_space<vmem>>, vector<2528x128xf32>,
    %broadcast_in_dim3A_65 = vector.shape_cast %max3A_6 : vector<2528x1xf32> to vector<2528x1xf32>
    %broadcast_in_dim3A_66 = vector.broadcast %broadcast_in_dim3A_65 : vector<2528x1xf32> to vector<2528x8xf32>
    %swap3A_67 = arith.constant 0 : index
    %swap3A_68 = arith.constant 0 : index
    %swap3A_69 = vector.load %arg11[%swap3A_67, %swap3A_68] : memref<2528x8xf32, #tpu.memory_space<vmem>>, vector<2528x8xf32>
    tpu.vector_store %arg11[%swap3A_67, %swap3A_68], %broadcast_in_dim3A_66 {strides = array<i32>} : memref<2528x8xf32, #tpu.memory_space<vmem>>, vector<2528x8xf32>,
    return
  }
  func.func @transform_0(%arg0: i32) -> (i32, i32) {
    %c0_i32 = arith.constant 0 : i32
    %c0_i32_0 = arith.constant 0 : i32
    return %arg0, %c0_i32 : i32, i32
  }
  func.func @transform_1(%arg0: i32) -> (i32, i32) {
    %add3A = arith.constant 4 : i32
    %add3A_0 = arith.addi %arg0, %add3A : i32
    %c0_i32 = arith.constant 0 : i32
    %c0_i32_1 = arith.constant 0 : i32
    return %add3A_0, %c0_i32 : i32, i32
  }
  func.func @transform_2(%arg0: i32) -> (i32, i32) {
    %c0_i32 = arith.constant 0 : i32
    %c0_i32_0 = arith.constant 0 : i32
    return %arg0, %c0_i32 : i32, i32
  }
  func.func @transform_3(%arg0: i32) -> (i32, i32) {
    %c0_i32 = arith.constant 0 : i32
    %c0_i32_0 = arith.constant 0 : i32
    %c0_i32_1 = arith.constant 0 : i32
    return %c0_i32, %c0_i32_0 : i32, i32
  }
  func.func @transform_4(%arg0: i32) -> (i32, i32) {
    %c0_i32 = arith.constant 0 : i32
    %c0_i32_0 = arith.constant 0 : i32
    %c0_i32_1 = arith.constant 0 : i32
    return %c0_i32, %c0_i32_0 : i32, i32
  }
  func.func @transform_5(%arg0: i32) -> (i32, i32) {
    %c0_i32 = arith.constant 0 : i32
    %c0_i32_0 = arith.constant 0 : i32
    %c0_i32_1 = arith.constant 0 : i32
    return %c0_i32, %c0_i32_0 : i32, i32
  }
  func.func @transform_6(%arg0: i32) -> (i32, i32) {
    %c0_i32 = arith.constant 0 : i32
    %c0_i32_0 = arith.constant 0 : i32
    %c0_i32_1 = arith.constant 0 : i32
    return %c0_i32, %c0_i32_0 : i32, i32
  }
  func.func @transform_7(%arg0: i32) -> (i32, i32) {
    %c0_i32 = arith.constant 0 : i32
    %c0_i32_0 = arith.constant 0 : i32
    %c0_i32_1 = arith.constant 0 : i32
    return %c0_i32, %c0_i32_0 : i32, i32
  }
  func.func @transform_8(%arg0: i32) -> (i32, i32) {
    %c0_i32 = arith.constant 0 : i32
    %c0_i32_0 = arith.constant 0 : i32
    return %arg0, %c0_i32 : i32, i32
  }
  func.func @transform_9(%arg0: i32) -> (i32, i32) {
    %c0_i32 = arith.constant 0 : i32
    %c0_i32_0 = arith.constant 0 : i32
    return %arg0, %c0_i32 : i32, i32
  }
  func.func @transform_10(%arg0: i32) -> (i32, i32) {
    %c0_i32 = arith.constant 0 : i32
    %c0_i32_0 = arith.constant 0 : i32
    return %arg0, %c0_i32 : i32, i32
  }
}

module attributes {stable_mosaic.version = 14 : i64} {
  func.func @_fuse_out_body(%arg0: i32, %arg1: memref<2528x128xf32, #tpu.memory_space<vmem>>, %arg2: memref<2528x128xf32, #tpu.memory_space<vmem>>, %arg3: memref<2528x8xf32, #tpu.memory_space<vmem>>, %arg4: memref<2528x128xf32, #tpu.memory_space<vmem>>, %arg5: memref<1x128xf32, #tpu.memory_space<vmem>>, %arg6: memref<1x128xf32, #tpu.memory_space<vmem>>, %arg7: memref<2528x1xi32, #tpu.memory_space<vmem>>, %arg8: memref<128x128xf32, #tpu.memory_space<vmem>>, %arg9: memref<1x128xf32, #tpu.memory_space<vmem>>, %arg10: memref<32x128xf32, #tpu.memory_space<vmem>>, %arg11: memref<32x128xf32, #tpu.memory_space<vmem>>, %arg12: memref<32x128xf32, #tpu.memory_space<vmem>>) attributes {dimension_semantics = [#tpu.dimension_semantics<arbitrary>], iteration_bounds = array<i64: 4>, scalar_prefetch = 0 : i64, scratch_operands = 2 : i64, tpu.core_type = #tpu.core_type<tc>, window_params = [{transform_indices = @transform_0, window_bounds = array<i64: 2528, 128>}, {transform_indices = @transform_1, window_bounds = array<i64: 2528, 128>}, {transform_indices = @transform_2, window_bounds = array<i64: 2528, 8>}, {transform_indices = @transform_3, window_bounds = array<i64: 2528, 128>}, {pipeline_mode = #tpu.pipeline_mode<synchronous>, transform_indices = @transform_4, window_bounds = array<i64: 1, 128>}, {pipeline_mode = #tpu.pipeline_mode<synchronous>, transform_indices = @transform_5, window_bounds = array<i64: 1, 128>}, {transform_indices = @transform_6, window_bounds = array<i64: 2528, 1>}, {pipeline_mode = #tpu.pipeline_mode<synchronous>, transform_indices = @transform_7, window_bounds = array<i64: 128, 128>}, {pipeline_mode = #tpu.pipeline_mode<synchronous>, transform_indices = @transform_8, window_bounds = array<i64: 1, 128>}, {pipeline_mode = #tpu.pipeline_mode<synchronous>, transform_indices = @transform_9, window_bounds = array<i64: 32, 128>}]} {
    %eq3A = arith.constant 0 : i32
    %eq3A_0 = arith.cmpi eq, %arg0, %eq3A : i32
    %convert_element_type3A = arith.extui %eq3A_0 : i1 to i32
    %cond3A = arith.constant 0 : i32
    %cond3A_1 = arith.cmpi ne, %convert_element_type3A, %cond3A : i32
    scf.if %cond3A_1 {
      %broadcast_in_dim3A_77 = arith.constant 0.000000e+00 : f32
      %broadcast_in_dim3A_78 = vector.broadcast %broadcast_in_dim3A_77 : f32 to vector<32x128xf32>
      %swap3A_79 = arith.constant 0 : index
      %swap3A_80 = arith.constant 0 : index
      %swap3A_81 = vector.load %arg11[%swap3A_79, %swap3A_80] : memref<32x128xf32, #tpu.memory_space<vmem>>, vector<32x128xf32>
      tpu.vector_store %arg11[%swap3A_79, %swap3A_80], %broadcast_in_dim3A_78 {strides = array<i32>} : memref<32x128xf32, #tpu.memory_space<vmem>>, vector<32x128xf32>,
      %broadcast_in_dim3A_82 = arith.constant 0.000000e+00 : f32
      %broadcast_in_dim3A_83 = vector.broadcast %broadcast_in_dim3A_82 : f32 to vector<32x128xf32>
      %swap3A_84 = arith.constant 0 : index
      %swap3A_85 = arith.constant 0 : index
      %swap3A_86 = vector.load %arg12[%swap3A_84, %swap3A_85] : memref<32x128xf32, #tpu.memory_space<vmem>>, vector<32x128xf32>
      tpu.vector_store %arg12[%swap3A_84, %swap3A_85], %broadcast_in_dim3A_83 {strides = array<i32>} : memref<32x128xf32, #tpu.memory_space<vmem>>, vector<32x128xf32>,
    } else {
    }
    %get3A = arith.constant 0 : index
    %get3A_2 = arith.constant 0 : index
    %get3A_3 = vector.load %arg1[%get3A, %get3A_2] : memref<2528x128xf32, #tpu.memory_space<vmem>>, vector<2528x128xf32>
    %get3A_4 = arith.constant 0 : index
    %get3A_5 = arith.constant 0 : index
    %get3A_6 = vector.load %arg2[%get3A_4, %get3A_5] : memref<2528x128xf32, #tpu.memory_space<vmem>>, vector<2528x128xf32>
    %add3A = arith.addf %get3A_3, %get3A_6 : vector<2528x128xf32>
    %get3A_7 = arith.constant 0 : index
    %get3A_8 = arith.constant 0 : index
    %get3A_9 = vector.load %arg3[%get3A_7, %get3A_8] : memref<2528x8xf32, #tpu.memory_space<vmem>>, vector<2528x1xf32>
    %div3A = vector.broadcast %get3A_9 : vector<2528x1xf32> to vector<2528x128xf32>
    %div3A_10 = arith.divf %add3A, %div3A : vector<2528x128xf32>
    %get3A_11 = arith.constant 0 : index
    %get3A_12 = arith.constant 0 : index
    %get3A_13 = vector.load %arg4[%get3A_11, %get3A_12] : memref<2528x128xf32, #tpu.memory_space<vmem>>, vector<2528x128xf32>
    %add3A_14 = arith.addf %div3A_10, %get3A_13 : vector<2528x128xf32>
    %reduce_sum3A = arith.constant dense<0.000000e+00> : vector<2528xf32>
    %reduce_sum3A_15 = vector.multi_reduction <add>, %add3A_14, %reduce_sum3A [1] : vector<2528x128xf32> to vector<2528xf32>
    %broadcast_in_dim3A = vector.shape_cast %reduce_sum3A_15 : vector<2528xf32> to vector<2528x1xf32>
    %div3A_16 = arith.constant 1.280000e+02 : f32
    %div3A_17 = vector.broadcast %div3A_16 : f32 to vector<2528x1xf32>
    %div3A_18 = arith.divf %broadcast_in_dim3A, %div3A_17 : vector<2528x1xf32>
    %sub3A = vector.broadcast %div3A_18 : vector<2528x1xf32> to vector<2528x128xf32>
    %sub3A_19 = arith.subf %add3A_14, %sub3A : vector<2528x128xf32>
    %sub3A_20 = vector.broadcast %div3A_18 : vector<2528x1xf32> to vector<2528x128xf32>
    %sub3A_21 = arith.subf %add3A_14, %sub3A_20 : vector<2528x128xf32>
    %mul3A = arith.mulf %sub3A_19, %sub3A_21 : vector<2528x128xf32>
    %reduce_sum3A_22 = arith.constant dense<0.000000e+00> : vector<2528xf32>
    %reduce_sum3A_23 = vector.multi_reduction <add>, %mul3A, %reduce_sum3A_22 [1] : vector<2528x128xf32> to vector<2528xf32>
    %broadcast_in_dim3A_24 = vector.shape_cast %reduce_sum3A_23 : vector<2528xf32> to vector<2528x1xf32>
    %div3A_25 = arith.constant 1.280000e+02 : f32
    %div3A_26 = vector.broadcast %div3A_25 : f32 to vector<2528x1xf32>
    %div3A_27 = arith.divf %broadcast_in_dim3A_24, %div3A_26 : vector<2528x1xf32>
    %sub3A_28 = vector.broadcast %div3A_18 : vector<2528x1xf32> to vector<2528x128xf32>
    %sub3A_29 = arith.subf %add3A_14, %sub3A_28 : vector<2528x128xf32>
    %add3A_30 = arith.constant 9.99999974E-6 : f32
    %add3A_31 = vector.broadcast %add3A_30 : f32 to vector<2528x1xf32>
    %add3A_32 = arith.addf %div3A_27, %add3A_31 : vector<2528x1xf32>
    %rsqrt3A = math.rsqrt %add3A_32 : vector<2528x1xf32>
    %mul3A_33 = vector.broadcast %rsqrt3A : vector<2528x1xf32> to vector<2528x128xf32>
    %mul3A_34 = arith.mulf %sub3A_29, %mul3A_33 : vector<2528x128xf32>
    %get3A_35 = arith.constant 0 : index
    %get3A_36 = arith.constant 0 : index
    %get3A_37 = vector.load %arg5[%get3A_35, %get3A_36] : memref<1x128xf32, #tpu.memory_space<vmem>>, vector<1x128xf32>
    %mul3A_38 = vector.broadcast %get3A_37 : vector<1x128xf32> to vector<2528x128xf32>
    %mul3A_39 = arith.mulf %mul3A_34, %mul3A_38 : vector<2528x128xf32>
    %get3A_40 = arith.constant 0 : index
    %get3A_41 = arith.constant 0 : index
    %get3A_42 = vector.load %arg6[%get3A_40, %get3A_41] : memref<1x128xf32, #tpu.memory_space<vmem>>, vector<1x128xf32>
    %add3A_43 = vector.broadcast %get3A_42 : vector<1x128xf32> to vector<2528x128xf32>
    %add3A_44 = arith.addf %mul3A_39, %add3A_43 : vector<2528x128xf32>
    %max3A = arith.constant 0.000000e+00 : f32
    %max3A_45 = vector.broadcast %max3A : f32 to vector<2528x128xf32>
    %max3A_46 = arith.maximumf %add3A_44, %max3A_45 : vector<2528x128xf32>
    %iota3A = tpu.iota {dimensions = array<i32: 1>} : vector<2528x32xi32>
    %get3A_47 = arith.constant 0 : index
    %get3A_48 = arith.constant 0 : index
    %get3A_49 = vector.load %arg7[%get3A_47, %get3A_48] : memref<2528x1xi32, #tpu.memory_space<vmem>>, vector<2528x1xi32>
    %eq3A_50 = vector.broadcast %get3A_49 : vector<2528x1xi32> to vector<2528x32xi32>
    %eq3A_51 = arith.cmpi eq, %eq3A_50, %iota3A : vector<2528x32xi32>
    %convert_element_type3A_52 = arith.extui %eq3A_51 : vector<2528x32xi1> to vector<2528x32xi32>
    %convert_element_type3A_53 = arith.sitofp %convert_element_type3A_52 : vector<2528x32xi32> to vector<2528x32xf32>
    %get3A_54 = arith.constant 0 : index
    %get3A_55 = arith.constant 0 : index
    %get3A_56 = vector.load %arg11[%get3A_54, %get3A_55] : memref<32x128xf32, #tpu.memory_space<vmem>>, vector<32x128xf32>
    %dot_general3A = arith.constant dense<0.000000e+00> : vector<32x128xf32>
    %dot_general3A_57 = tpu.matmul %convert_element_type3A_53, %max3A_46, %dot_general3A {dimension_numbers = #tpu.dot_dimension_numbers<[0], [0], [1], [1], [0, 1, 1, 1], [], []>, precision = #tpu.contract_precision<fp32>, transpose_lhs_hint = false} : vector<2528x32xf32>, vector<2528x128xf32>, vector<32x128xf32> -> vector<32x128xf32>
    %add3A_58 = arith.addf %get3A_56, %dot_general3A_57 : vector<32x128xf32>
    %swap3A = arith.constant 0 : index
    %swap3A_59 = arith.constant 0 : index
    %swap3A_60 = vector.load %arg11[%swap3A, %swap3A_59] : memref<32x128xf32, #tpu.memory_space<vmem>>, vector<32x128xf32>
    tpu.vector_store %arg11[%swap3A, %swap3A_59], %add3A_58 {strides = array<i32>} : memref<32x128xf32, #tpu.memory_space<vmem>>, vector<32x128xf32>,
    %get3A_61 = arith.constant 0 : index
    %get3A_62 = arith.constant 0 : index
    %get3A_63 = vector.load %arg12[%get3A_61, %get3A_62] : memref<32x128xf32, #tpu.memory_space<vmem>>, vector<32x128xf32>
    %broadcast_in_dim3A_64 = arith.constant 1.000000e+00 : f32
    %broadcast_in_dim3A_65 = vector.broadcast %broadcast_in_dim3A_64 : f32 to vector<2528x128xf32>
    %dot_general3A_66 = arith.constant dense<0.000000e+00> : vector<32x128xf32>
    %dot_general3A_67 = tpu.matmul %convert_element_type3A_53, %broadcast_in_dim3A_65, %dot_general3A_66 {dimension_numbers = #tpu.dot_dimension_numbers<[0], [0], [1], [1], [0, 1, 1, 1], [], []>, precision = #tpu.contract_precision<fp32>, transpose_lhs_hint = false} : vector<2528x32xf32>, vector<2528x128xf32>, vector<32x128xf32> -> vector<32x128xf32>
    %add3A_68 = arith.addf %get3A_63, %dot_general3A_67 : vector<32x128xf32>
    %swap3A_69 = arith.constant 0 : index
    %swap3A_70 = arith.constant 0 : index
    %swap3A_71 = vector.load %arg12[%swap3A_69, %swap3A_70] : memref<32x128xf32, #tpu.memory_space<vmem>>, vector<32x128xf32>
    tpu.vector_store %arg12[%swap3A_69, %swap3A_70], %add3A_68 {strides = array<i32>} : memref<32x128xf32, #tpu.memory_space<vmem>>, vector<32x128xf32>,
    %eq3A_72 = arith.constant 3 : i32
    %eq3A_73 = arith.cmpi eq, %arg0, %eq3A_72 : i32
    %convert_element_type3A_74 = arith.extui %eq3A_73 : i1 to i32
    %cond3A_75 = arith.constant 0 : i32
    %cond3A_76 = arith.cmpi ne, %convert_element_type3A_74, %cond3A_75 : i32
    scf.if %cond3A_76 {
      %get3A_77 = arith.constant 0 : index
      %get3A_78 = arith.constant 0 : index
      %get3A_79 = vector.load %arg11[%get3A_77, %get3A_78] : memref<32x128xf32, #tpu.memory_space<vmem>>, vector<32x128xf32>
      %get3A_80 = arith.constant 0 : index
      %get3A_81 = arith.constant 0 : index
      %get3A_82 = vector.load %arg12[%get3A_80, %get3A_81] : memref<32x128xf32, #tpu.memory_space<vmem>>, vector<32x128xf32>
      %max3A_83 = arith.constant 1.000000e+00 : f32
      %max3A_84 = vector.broadcast %max3A_83 : f32 to vector<32x128xf32>
      %max3A_85 = arith.maximumf %get3A_82, %max3A_84 : vector<32x128xf32>
      %div3A_86 = arith.divf %get3A_79, %max3A_85 : vector<32x128xf32>
      %get3A_87 = arith.constant 0 : index
      %get3A_88 = arith.constant 0 : index
      %get3A_89 = vector.load %arg8[%get3A_87, %get3A_88] : memref<128x128xf32, #tpu.memory_space<vmem>>, vector<128x128xf32>
      %dot_general3A_90 = arith.constant dense<0.000000e+00> : vector<32x128xf32>
      %dot_general3A_91 = tpu.matmul %div3A_86, %get3A_89, %dot_general3A_90 {dimension_numbers = #tpu.dot_dimension_numbers<[1], [0], [0], [1], [0, 0, 1, 1], [], []>, precision = #tpu.contract_precision<fp32>, transpose_lhs_hint = false} : vector<32x128xf32>, vector<128x128xf32>, vector<32x128xf32> -> vector<32x128xf32>
      %get3A_92 = arith.constant 0 : index
      %get3A_93 = arith.constant 0 : index
      %get3A_94 = vector.load %arg9[%get3A_92, %get3A_93] : memref<1x128xf32, #tpu.memory_space<vmem>>, vector<1x128xf32>
      %add3A_95 = vector.broadcast %get3A_94 : vector<1x128xf32> to vector<32x128xf32>
      %add3A_96 = arith.addf %dot_general3A_91, %add3A_95 : vector<32x128xf32>
      %swap3A_97 = arith.constant 0 : index
      %swap3A_98 = arith.constant 0 : index
      %swap3A_99 = vector.load %arg10[%swap3A_97, %swap3A_98] : memref<32x128xf32, #tpu.memory_space<vmem>>, vector<32x128xf32>
      tpu.vector_store %arg10[%swap3A_97, %swap3A_98], %add3A_96 {strides = array<i32>} : memref<32x128xf32, #tpu.memory_space<vmem>>, vector<32x128xf32>,
    } else {
    }
    return
  }
  func.func @transform_0(%arg0: i32) -> (i32, i32) {
    %c0_i32 = arith.constant 0 : i32
    %c0_i32_0 = arith.constant 0 : i32
    return %arg0, %c0_i32 : i32, i32
  }
  func.func @transform_1(%arg0: i32) -> (i32, i32) {
    %add3A = arith.constant 4 : i32
    %add3A_0 = arith.addi %arg0, %add3A : i32
    %c0_i32 = arith.constant 0 : i32
    %c0_i32_1 = arith.constant 0 : i32
    return %add3A_0, %c0_i32 : i32, i32
  }
  func.func @transform_2(%arg0: i32) -> (i32, i32) {
    %c0_i32 = arith.constant 0 : i32
    %c0_i32_0 = arith.constant 0 : i32
    return %arg0, %c0_i32 : i32, i32
  }
  func.func @transform_3(%arg0: i32) -> (i32, i32) {
    %c0_i32 = arith.constant 0 : i32
    %c0_i32_0 = arith.constant 0 : i32
    return %arg0, %c0_i32 : i32, i32
  }
  func.func @transform_4(%arg0: i32) -> (i32, i32) {
    %c0_i32 = arith.constant 0 : i32
    %c0_i32_0 = arith.constant 0 : i32
    %c0_i32_1 = arith.constant 0 : i32
    return %c0_i32, %c0_i32_0 : i32, i32
  }
  func.func @transform_5(%arg0: i32) -> (i32, i32) {
    %c0_i32 = arith.constant 0 : i32
    %c0_i32_0 = arith.constant 0 : i32
    %c0_i32_1 = arith.constant 0 : i32
    return %c0_i32, %c0_i32_0 : i32, i32
  }
  func.func @transform_6(%arg0: i32) -> (i32, i32) {
    %c0_i32 = arith.constant 0 : i32
    %c0_i32_0 = arith.constant 0 : i32
    return %arg0, %c0_i32 : i32, i32
  }
  func.func @transform_7(%arg0: i32) -> (i32, i32) {
    %c0_i32 = arith.constant 0 : i32
    %c0_i32_0 = arith.constant 0 : i32
    %c0_i32_1 = arith.constant 0 : i32
    return %c0_i32, %c0_i32_0 : i32, i32
  }
  func.func @transform_8(%arg0: i32) -> (i32, i32) {
    %c0_i32 = arith.constant 0 : i32
    %c0_i32_0 = arith.constant 0 : i32
    %c0_i32_1 = arith.constant 0 : i32
    return %c0_i32, %c0_i32_0 : i32, i32
  }
  func.func @transform_9(%arg0: i32) -> (i32, i32) {
    %c0_i32 = arith.constant 0 : i32
    %c0_i32_0 = arith.constant 0 : i32
    %c0_i32_1 = arith.constant 0 : i32
    return %c0_i32, %c0_i32_0 : i32, i32
  }
}

</mosaic_0001>

<sc_bundles>
// kernel: kernel.10.cloned.1.call-start
scs
__scs_entry_jumppad:
0x0: {  	(pc) =	sbr.rel $0x88, $3  }
0x1: {  	(tag) =	ssettag $0x0;
	lr =	simm.s32 $0x1  }
0x2: {  	[smem:$0x3F92] =	sst lr;
	_ =	strace $0xD0000000  }
0x3: {  	_ = 	snop  }
0x4: {  	_ = 	snop  }
0x5: {  	_ = 	snop  }
0x6: {  	_ = 	snop  }
0x7: {  	_ = 	snop  }
__scs_overlays_trampoline_lowered:
0x8: {  	[smem:$0x3FA1] =	sst s0  }
0x9: {  	[smem:$0x3FA2] =	sst s1  }
0xa: {  	[smem:$0x3FA3] =	sst s2  }
0xb: {  	[smem:$0x3FA4] =	sst s3  }
0xc: {  	[smem:$0x3FA5] =	sst s4  }
0xd: {  	[smem:$0x3FA6] =	sst s5  }
0xe: {  	[smem:$0x3FA7] =	sst s6  }
0xf: {  	[smem:$0x3FA8] =	sst s7  }
0x10: {  	[smem:$0x3FA9] =	sst s8  }
0x11: {  	[smem:$0x3FAA] =	sst s9;
	s0 =	simm.s32 @!p0 $0x0  }
0x12: {  	s1 =	sld [smem:$0x3F90];
	s0 =	simm.s32 @p0 $0x1  }
0x13: {  	[smem:$0x3FAB] =	sst s0;
	s0 =	simm.s32 @!p1 $0x0  }
0x14: {  	s2 =	sld [smem:$0x3F8F];
	s0 =	simm.s32 @p1 $0x1  }
0x15: {  	[smem:$0x3FAC] =	sst s0;
	s0 =	simm.s32 @!p2 $0x0  }
0x16: {  	s3 =	sld [smem:$0x3FDB];
	s0 =	simm.s32 @p2 $0x1  }
0x17: {  	s4 =	simm.s32 $0x1BF5;
	[smem:$0x3FAE] =	sst s0  }
0x18: {  	s0 =	sld [smem:$0x3F91];
	_ =	swait.ge [sflag:s4], $0x0  }
0x19: {  	s7 =	sld [smem:$0x3F92]  }
0x1a: {  	s8 =	sadd.s32 $0xFFFFE003, lr  }
0x1b: {  	s9 =	sadd.s32 $0xFFFFFEF7, lr;
	s5 =	simm.s32 $0xFFFFFFFF;
	p2 =	slt.u32 s8, $0xFFFFF086  }
0x1c: {  	p1 =	slt.u32 s9, $0xF7A;
	s5 =	simm.s32 @!p2 $0x0  }
0x1d: {  	s5 =	simm.s32 @p1 $0x1;
	p0 =	seq.s32 s7, s2  }
0x1e: {  	s7 =	smul.u32 @!p0 $0xF7A, s2;
	p2 =	seq.s32 @!p0 s5, $0x0  }
0x1f: {  	s9 =	smul.u32 $0xF7A, s1;
	s8 =	simm.s32 @!p0 $0x1BF5;
	p2 =	por !p2, p0  }
0x20: {  	[sflag:s8] =	ssyncset.s32 @!p0 $0xFFFFF086;
	s6 =	sadd.s32 @!p0 s3, s7;
	s7 =	simm.s32 @!p0 $0x108  }
0x21: {  	s3 =	sadd.s32 s3, s9;
	s6 =	sadd.s32 @!p0 $0x88, s6;
	s7 =	simm.s32 @p2 $0x1082  }
0x22: {  	[simem:s7], [sflag:s8] =	dma.local @!p0 [hbm:s6], $0xF7A  }
0x23: {  	s9 =	sor.u32 $0xD0000000, s2;
	s6 =	simm.s32 $0x108;
	_ =	swait.ge @!p0 [sflag:s8], $0x0  }
0x24: {  	s3 =	sadd.s32 $0x88, s3;
	s6 =	simm.s32 @!p1 $0x1082;
	[sflag:s4] =	ssyncset.s32 $0xFFFFF086  }
0x25: {  	[simem:s6], [sflag:s4] =	dma.local [hbm:s3], $0xF7A  }
0x26: {  	[smem:$0x3F92] =	sst s1;
	(tag) =	ssettag s2;
	_ =	strace s9  }
0x27: {  	s1 =	sld [smem:$0x3FA2]  }
0x28: {  	s2 =	sld [smem:$0x3FA3]  }
0x29: {  	s4 =	sld [smem:$0x3FA5]  }
0x2a: {  	p0 =	seq.s32 s5, $0x0;
	s5 =	sld [smem:$0x3FA6]  }
0x2b: {  	s6 =	sld [smem:$0x3FA7]  }
0x2c: {  	s7 =	sld [smem:$0x3FA8]  }
0x2d: {  	s3 =	simm.s32 $0x108;
	s8 =	sld [smem:$0x3FA9]  }
0x2e: {  	s3 =	simm.s32 @!p0 $0x1082;
	s9 =	sld [smem:$0x3FAA]  }
0x2f: {  	lr =	sadd.s32 s0, s3;
	s0 =	sld [smem:$0x3FA1]  }
0x30: {  	s3 =	sld [smem:$0x3FA4]  }
0x31: {  	[smem:$0x3FAD] =	sst s10  }
0x32: {  	s10 =	sld [smem:$0x3FAB];
	_ =	sdelay $0x3  }
0x33: {  	p0 =	seq.s32 s10, $0x1;
	s10 =	sld [smem:$0x3FAD];
	_ =	sdelay $0x3  }
0x34: {  	[smem:$0x3FAD] =	sst s10  }
0x35: {  	s10 =	sld [smem:$0x3FAC];
	_ =	sdelay $0x3  }
0x36: {  	p1 =	seq.s32 s10, $0x1;
	s10 =	sld [smem:$0x3FAD];
	_ =	sdelay $0x3  }
0x37: {  	[smem:$0x3FAD] =	sst s10  }
0x38: {  	s10 =	sld [smem:$0x3FAE]  }
0x39: {  	_ = 	snop;
	(pc) =	sbr.ind lr, $3  }
0x3a: {  	_ = 	snop  }
0x3b: {  	_ = 	snop  }
0x3c: {  	p2 =	seq.s32 s10, $0x1;
	s10 =	sld [smem:$0x3FAD]  }
0x3d: {  	_ =	shalt  }
0x3e: {  	_ =	shalt  }
0x3f: {  	_ =	shalt  }
0x40: {  	_ =	shalt  }
0x41: {  	_ =	shalt  }
0x42: {  	_ =	shalt  }
0x43: {  	_ =	shalt  }
0x44: {  	_ =	shalt  }
0x45: {  	_ =	shalt  }
0x46: {  	_ =	shalt  }
0x47: {  	_ =	shalt  }
0x48: {  	_ =	shalt  }
0x49: {  	_ =	shalt  }
0x4a: {  	_ =	shalt  }
0x4b: {  	_ =	shalt  }
0x4c: {  	_ =	shalt  }
0x4d: {  	_ =	shalt  }
0x4e: {  	_ =	shalt  }
0x4f: {  	_ =	shalt  }
0x50: {  	_ =	shalt  }
0x51: {  	_ =	shalt  }
0x52: {  	_ =	shalt  }
0x53: {  	_ =	shalt  }
0x54: {  	_ =	shalt  }
0x55: {  	_ =	shalt  }
0x56: {  	_ =	shalt  }
0x57: {  	_ =	shalt  }
0x58: {  	_ =	shalt  }
0x59: {  	_ =	shalt  }
0x5a: {  	_ =	shalt  }
0x5b: {  	_ =	shalt  }
0x5c: {  	_ =	shalt  }
0x5d: {  	_ =	shalt  }
0x5e: {  	_ =	shalt  }
0x5f: {  	_ =	shalt  }
0x60: {  	_ =	shalt  }
0x61: {  	_ =	shalt  }
0x62: {  	_ =	shalt  }
0x63: {  	_ =	shalt  }
0x64: {  	_ =	shalt  }
0x65: {  	_ =	shalt  }
0x66: {  	_ =	shalt  }
0x67: {  	_ =	shalt  }
0x68: {  	_ =	shalt  }
0x69: {  	_ =	shalt  }
0x6a: {  	_ =	shalt  }
0x6b: {  	_ =	shalt  }
0x6c: {  	_ =	shalt  }
0x6d: {  	_ =	shalt  }
0x6e: {  	_ =	shalt  }
0x6f: {  	_ =	shalt  }
0x70: {  	_ =	shalt  }
0x71: {  	_ =	shalt  }
0x72: {  	_ =	shalt  }
0x73: {  	_ =	shalt  }
0x74: {  	_ =	shalt  }
0x75: {  	_ =	shalt  }
0x76: {  	_ =	shalt  }
0x77: {  	_ =	shalt  }
0x78: {  	_ =	shalt  }
0x79: {  	_ =	shalt  }
0x7a: {  	_ =	shalt  }
0x7b: {  	_ =	shalt  }
0x7c: {  	_ =	shalt  }
0x7d: {  	_ =	shalt  }
0x7e: {  	_ =	shalt  }
0x7f: {  	_ =	shalt  }
0x80: {  	_ =	shalt  }
0x81: {  	_ =	shalt  }
0x82: {  	_ =	shalt  }
0x83: {  	_ =	shalt  }
0x84: {  	_ =	shalt  }
0x85: {  	_ =	shalt  }
0x86: {  	_ =	shalt  }
0x87: {  	_ =	shalt  }
.Lfunc_end0:
.L_simem_size_0:
called_computation.1_lowered:
.L_overlay_start_0:
0x88: {  	s2 =	sld [smem:$0x3FD9]  }
0x89: {  	s3 =	sld [smem:$0x3FFE];
	_ =	sdelay $0x1  }
0x8a: {  	s1 =	srdreg.scid  }
0x8b: {  	s0 =	sand.u32 $0x1, s1  }
0x8c: {  	s16 =	sshll.u32 s0, $0xA;
	s2 =	sadd.s32 s3, s2  }
0x8d: {  	s2 =	sadd.s32 s2, s16  }
0x8e: {  	[smem:$0x3FB9] =	sst s2  }
0x8f: {  	_ = 	snop  }
0x90: {  	(tm) =	ssettm $0x1  }
0x91: {  	s17 =	sld [smem:$0x3FFB];
	_ =	sdelay $0x3  }
0x92: {  	_ =	strace s17  }
0x93: {  	s2 =	sld [smem:$0x3FFC];
	_ =	sdelay $0x3  }
0x94: {  	_ =	strace s2  }
0x95: {  	s2 =	sld [smem:$0x3FFD];
	_ =	sdelay $0x3  }
0x96: {  	_ =	strace s2  }
0x97: {  	_ =	strace $0x8FFFFFFF  }
0x98: {  	s18 =	sld [smem:$0x3FDB];
	_ =	sdelay $0x1  }
0x99: {  	s19 =	simm.s32 $_scs_section_size  }
0x9a: {  	s4 =	simm.s32 $_size__tile_overlayer_lowered;
	s5 =	simm.s32 $_tile_overlayer_lowered  }
0x9b: {  	s22 =	simm.s32 $0x1BFF;
	s21 =	sshll.u32 s5, $0x1;
	s2 =	sadd.s32 s19, s18  }
0x9c: {  	s6 =	simm.s32 $0x0;
	s20 =	sshll.u32 s4, $0x1;
	s4 =	sadd.s32 s21, s2  }
0x9d: {  	[timem:s6], [sflag:s22] =	dma.local [hbm:s4], s20  }
0x9e: {  	_ =	swait.ge [sflag:s22], s20  }
0x9f: {  	s3 =	ssub.s32 $0x0, s20;
	[sflag:s22] =	ssyncset.done $0x0  }
0xa0: {  	[sflag:s22] =	ssyncadd.s32 s3;
	_ =	sdelay $0x1  }
0xa1: {  	s23 =	simm.s32 $0x1B8B  }
0xa2: {  	_ =	swait.ge [sflag:s23], $0x1  }
0xa3: {  	[sflag:s23] =	ssyncset.done $0x0  }
0xa4: {  	s25 =	simm.s32 $0x1B8E;
	s24 =	sld [smem:$0x3FFE];
	[sflag:s23] =	ssyncadd.s32 $0xFFFFFFFF  }
0xa5: {  	s26 =	simm.s32 $execute0_lowered;
	[smem:$0x3FD2] =	sst s25  }
0xa6: {  	s4 =	sshll.u32 s26, $0x1;
	_ =	strace $0x80000049;
	[dreg:$0x1] =	wrdreg $0xFFFFFFFF  }
0xa7: {  	s28 =	simm.s32 $_size_execute0_lowered;
	s2 =	sadd.s32 s2, s4;
	[dreg:$0x0] =	wrdreg $0x0  }
0xa8: {  	s4 =	sshll.u32 s28, $0x1;
	[dreg:$0x2] =	wrdreg s2  }
0xa9: {  	[dreg:$0x3] =	wrdreg s4  }
0xaa: {  	[dreg:$0x4] =	wrdreg $0xC0  }
0xab: {  	_ =	task [dreg:s6], $0x5FFFF  }
0xac: {  	[dreg:$0x1] =	wrdreg $0xFFFFFFFF  }
0xad: {  	[dreg:$0x0] =	wrdreg $0x60  }
0xae: {  	[dreg:$0x2] =	wrdreg s24  }
0xaf: {  	[dreg:$0x3] =	wrdreg $0x0  }
0xb0: {  	[dreg:$0x4] =	wrdreg $0x9  }
0xb1: {  	_ =	task.clear_ibuf [dreg:s6], $0x5FFFF;
	_ =	strace $0x90000049  }
0xb2: {  	s29 =	simm.s32 $0x9;
	_ =	strace $0x8000004B  }
0xb3: {  	_ =	swait.ge [sflag:s29], $0x1  }
0xb4: {  	[sflag:s29] =	ssyncadd.s32 $0xFFFFFFFF  }
0xb5: {  	_ =	strace $0x9000004B  }
0xb6: {  	_ =	sfence  }
0xb7: {  	s30 =	sld [smem:$0x0];
	_ =	sdelay $0x2  }
0xb8: {  	s31 =	sshll.u32 s1, $0xD;
	s1 =	sshrl.u32 s1, $0x2  }
0xb9: {  	s3 =	sand.u32 $0x4000, s31;
	s1 =	sadd.s32 s1, s30  }
0xba: {  	s0 =	sor.u32 s3, s0;
	s1 =	sshll.u32 s1, $0x11  }
0xbb: {  	s0 =	sor.u32 s1, s0  }
0xbc: {  	s0 =	sadd.s32 $0x8F2B, s0  }
0xbd: {  	[sflag:s0] =	ssyncadd.remote.s32 $0x1  }
0xbe: {  	_ =	sfence.sel $0xFFFF  }
0xbf: {  	[dreg:$0x0] =	wrdreg $0xFFFFFFFF;
	(pc) =	sbr.abs _section_cstart, $3  }
0xc0: {  	[dreg:$0x1] =	wrdreg $0xFFFFFFFF  }
0xc1: {  	_ =	task.clear_ibuf [dreg:s6], $0x2FFFF;
	_ =	strace $0x9FFFFFFF  }
0xc2: {  	(tm) =	ssettm $0x7FFFFFFF  }
0xc3: {  	_ =	shalt  }
tec
execute0_lowered:
.L_overlay_start_1:
0x0: {  	(tag) =	ssettag $0x1  }
0x1: {  	s0 =	srdreg.scid;
	s1 =	rddreg [dreg:$0x0]  }
0x2: {  	s9 =	stileid.u32;
	s2 =	rddreg [dreg:$0x1]  }
0x3: {  	s3 =	simm.s32 $0x0;
	s28 =	simm.s32 $0x2;
	s29 =	simm.s32 $0x14080  }
0x4: {  	s30 =	simm.s32 $0x13D80;
	s31 =	simm.s32 $0x14100;
	s11 =	simm.s32 $0x14200  }
0x5: {  	s12 =	simm.s32 $0x13F00;
	s13 =	simm.s32 $0x14280;
	s4 =	smul.u32 $0x5000, s9  }
0x6: {  	s14 =	simm.s32 $0x13F80;
	s15 =	simm.s32 $0x14300;
	s17 =	smul.u32 $0x278, s9  }
0x7: {  	s16 =	simm.s32 $0x14380;
	s0 =	sand.u32 $0x1, s0;
	s18 =	smul.u32 $0x4F000, s9  }
0x8: {  	[smem:$0x7FF] =	sst s3;
	s19 =	sadd.s32 $0x29C00, s1;
	s5 =	smul.u32 $0x2800, s0  }
0x9: {  	_ =	strace $0x8000004A;
	s7 =	smul.u32 $0x2780, s0;
	s0 =	ssub.s32 $0x2, s0  }
0xa: {  	[dreg:$0x4] =	wrdreg s19;
	s19 =	simm.s32 $0x3;
	s20 =	sshrl.u32 s0, $0x1  }
0xb: {  	s4 =	sadd.s32 s5, s4;
	s5 =	sadd.s32 s17, s7;
	s0 =	ssub.s32 s0, s20  }
0xc: {  	s6 =	sshrl.u32 s4, $0x3;
	s4 =	sadd.s32 $0x2400, s1;
	s5 =	sshll.u32 s5, $0x4  }
0xd: {  	s0 =	smax.u32 s0, $0x1;
	s8 =	sadd.s32 s6, s1;
	s1 =	sadd.s32 s5, s1  }
0xe: {  	s20 =	simm.s32 $0x13C00;
	[dreg:$0xf] =	wrdreg s0;
	s22 =	sadd.s32 $0x42C00, s1  }
0xf: {  	s6 =	sshrl.u32 s18, $0x2;
	s23 =	sadd.s32 $0x43400, s1;
	[dreg:$0xa] =	wrdreg s22  }
0x10: {  	s18 =	simm.s32 $0x14400;
	s24 =	sadd.s32 $0x43C00, s1;
	[dreg:$0xb] =	wrdreg s23  }
0x11: {  	s0 =	simm.s32 $0x14180;
	s25 =	sadd.s32 $0x44400, s1;
	[dreg:$0xc] =	wrdreg s24  }
0x12: {  	s5 =	simm.s32 $0x13E80;
	s1 =	sadd.s32 $0x44C00, s1;
	[dreg:$0xd] =	wrdreg s25  }
0x13: {  	s9 =	sadd.s32 s6, s2;
	s26 =	sadd.s32 $0x2EC00, s8;
	[dreg:$0xe] =	wrdreg s1  }
0x14: {  	s17 =	sadd.s32 $0x38C00, s8;
	s21 =	sadd.s32 $0x4000, s9;
	[dreg:$0x3] =	wrdreg s26  }
0x15: {  	s10 =	sadd.s32 $0x8000, s9;
	s6 =	sadd.s32 $0xC000, s9;
	[dreg:$0x5] =	wrdreg s9  }
0x16: {  	s7 =	sadd.s32 $0x10000, s9;
	s22 =	simm.s32 $0x80;
	[dreg:$0x6] =	wrdreg s21  }
0x17: {  	s23 =	simm.s32 $0x13C80;
	s24 =	simm.s32 $0x18400;
	[dreg:$0x7] =	wrdreg s10  }
0x18: {  	s8 =	smov.u32 s6;
	s6 =	simm.s32 $0x0;
	[dreg:$0x9] =	wrdreg s7  }
0x19: {  	s25 =	simm.s32 $0x1;
	s26 =	simm.s32 $0x13D00;
	[dreg:$0x10] =	wrdreg s6  }
0x1a: {  	s1 =	simm.s32 $0x13E00;
	s21 =	simm.s32 $0x14000;
	[dreg:$0x8] =	wrdreg s8  }
.LBB2_1:
0x1b: {  	s6 =	rddreg [dreg:$0x4]  }
0x1c: {  	[tilespmem:s18], [sflag:$0x3] =	stream.linear.gather [hbm4b:s6+s3], $0x4000, $0x38;
	[tilespmem:$0x1C400] =	vst v63  }
0x1d: {  	_ =	swait.ge [sflag:s19], $0x4000  }
0x1e: {  	[sflag:s19] =	ssyncset.done $0x0  }
0x1f: {  	[sflag:s19] =	ssyncadd.s32 $0xFFFFC000  }
0x20: {  	[spmem:s9] =	stream.linear.scatter [tilespmem:s18], [sflag:$0x3], $0x4000, $0x38;
	[tilespmem:$0x1C400] =	vst v63  }
0x21: {  	_ =	swait.ge [sflag:s19], $0x4000  }
0x22: {  	[sflag:s19] =	ssyncset.done $0x0  }
0x23: {  	s9 =	rddreg [dreg:$0x6];
	[sflag:s19] =	ssyncadd.s32 $0xFFFFC000  }
0x24: {  	[spmem:s9] =	stream.linear.scatter [tilespmem:s18], [sflag:$0x3], $0x4000, $0x38;
	[tilespmem:$0x1C400] =	vst v63  }
0x25: {  	_ =	swait.ge [sflag:s19], $0x4000  }
0x26: {  	[sflag:s19] =	ssyncset.done $0x0  }
0x27: {  	[sflag:s19] =	ssyncadd.s32 $0xFFFFC000  }
0x28: {  	[spmem:s10] =	stream.linear.scatter [tilespmem:s18], [sflag:$0x3], $0x4000, $0x38;
	[tilespmem:$0x1C400] =	vst v63  }
0x29: {  	_ =	swait.ge [sflag:s19], $0x4000  }
0x2a: {  	[sflag:s19] =	ssyncset.done $0x0  }
0x2b: {  	[sflag:s19] =	ssyncadd.s32 $0xFFFFC000  }
0x2c: {  	[spmem:s8] =	stream.linear.scatter [tilespmem:s18], [sflag:$0x3], $0x4000, $0x38;
	[tilespmem:$0x1C400] =	vst v63  }
0x2d: {  	_ =	swait.ge [sflag:s19], $0x4000  }
0x2e: {  	[sflag:s19] =	ssyncset.done $0x0  }
0x2f: {  	[sflag:s19] =	ssyncadd.s32 $0xFFFFC000  }
0x30: {  	[spmem:s7] =	stream.linear.scatter [tilespmem:s18], [sflag:$0x3], $0x3C00, $0x38;
	[tilespmem:$0x1C400] =	vst v63  }
0x31: {  	_ =	swait.ge [sflag:s19], $0x3C00  }
0x32: {  	[sflag:s19] =	ssyncset.done $0x0  }
0x33: {  	[sflag:s19] =	ssyncadd.s32 $0xFFFFC400  }
0x34: {  	s9 =	sadd.s32 $0x0, s17;
	[bflag:$0x0] =	sbarrier.arrive $0xFFFF  }
0x35: {  	[tilespmem:s20], [sflag:$0x3] =	stream.linear.gather [hbm4b:s9+s3], $0x400, $0x38;
	[tilespmem:$0x1C400] =	vst v63  }
0x36: {  	_ =	swait.ge [sflag:s19], $0x400  }
0x37: {  	s10 =	rddreg [dreg:$0x3];
	[sflag:s19] =	ssyncset.done $0x0  }
0x38: {  	[sflag:s19] =	ssyncadd.s32 $0xFFFFFC00;
	s8 =	sadd.s32 $0x0, s10  }
0x39: {  	[tilespmem:s21], [sflag:$0x3] =	stream.linear.gather [hbm4b:s8+s3], $0x400, $0x38;
	[tilespmem:$0x1C400] =	vst v63  }
0x3a: {  	_ =	swait.ge [sflag:s19], $0x400  }
0x3b: {  	[sflag:s19] =	ssyncset.done $0x0  }
0x3c: {  	[sflag:s19] =	ssyncadd.s32 $0xFFFFFC00  }
0x3d: {  	[tilespmem:s18], [sflag:$0x1] =	stream.indirect.gather [hbm4b:s4+s22], $0x80, s20, s22, $0xb8;
	[tilespmem:$0x1C400] =	vst v63  }
0x3e: {  	_ = 	snop  }
0x3f: {  	[tilespmem:s24], [sflag:$0x2] =	stream.indirect.gather [hbm4b:s4+s22], $0x80, s23, s22, $0xb8;
	[tilespmem:$0x1C400] =	vst v63  }
0x40: {  	_ =	swait.ge [sflag:s25], $0x4000  }
0x41: {  	[sflag:s25] =	ssyncset.done $0x0  }
0x42: {  	[sflag:s25] =	ssyncadd.s32 $0xFFFFC000  }
0x43: {  	[spmem:s2] =	stream.indirect.scatter.add.f32 [tilespmem:s18], [sflag:$0x3], $0x80, s21, s22, $0xb8;
	[tilespmem:$0x1C400] =	vst v63  }
0x44: {  	_ =	swait.ge [sflag:s19], $0x4000  }
0x45: {  	[sflag:s19] =	ssyncset.done $0x0  }
0x46: {  	[sflag:s19] =	ssyncadd.s32 $0xFFFFC000  }
0x47: {  	[tilespmem:s18], [sflag:$0x1] =	stream.indirect.gather [hbm4b:s4+s22], $0x80, s26, s22, $0xb8;
	[tilespmem:$0x1C400] =	vst v63  }
0x48: {  	_ =	swait.ge [sflag:s28], $0x4000  }
0x49: {  	[sflag:s28] =	ssyncset.done $0x0  }
0x4a: {  	[sflag:s28] =	ssyncadd.s32 $0xFFFFC000  }
0x4b: {  	[spmem:s2] =	stream.indirect.scatter.add.f32 [tilespmem:s24], [sflag:$0x3], $0x80, s29, s22, $0xb8;
	[tilespmem:$0x1C400] =	vst v63  }
0x4c: {  	_ =	swait.ge [sflag:s19], $0x4000  }
0x4d: {  	[sflag:s19] =	ssyncset.done $0x0  }
0x4e: {  	[sflag:s19] =	ssyncadd.s32 $0xFFFFC000  }
0x4f: {  	[tilespmem:s24], [sflag:$0x2] =	stream.indirect.gather [hbm4b:s4+s22], $0x80, s30, s22, $0xb8;
	[tilespmem:$0x1C400] =	vst v63  }
0x50: {  	_ =	swait.ge [sflag:s25], $0x4000  }
0x51: {  	[sflag:s25] =	ssyncset.done $0x0  }
0x52: {  	[sflag:s25] =	ssyncadd.s32 $0xFFFFC000  }
0x53: {  	[spmem:s2] =	stream.indirect.scatter.add.f32 [tilespmem:s18], [sflag:$0x3], $0x80, s31, s22, $0xb8;
	[tilespmem:$0x1C400] =	vst v63  }
0x54: {  	_ =	swait.ge [sflag:s19], $0x4000  }
0x55: {  	[sflag:s19] =	ssyncset.done $0x0  }
0x56: {  	[sflag:s19] =	ssyncadd.s32 $0xFFFFC000  }
0x57: {  	[tilespmem:s18], [sflag:$0x1] =	stream.indirect.gather [hbm4b:s4+s22], $0x80, s1, s22, $0xb8;
	[tilespmem:$0x1C400] =	vst v63  }
0x58: {  	_ =	swait.ge [sflag:s28], $0x4000  }
0x59: {  	[sflag:s28] =	ssyncset.done $0x0  }
0x5a: {  	[sflag:s28] =	ssyncadd.s32 $0xFFFFC000  }
0x5b: {  	[spmem:s2] =	stream.indirect.scatter.add.f32 [tilespmem:s24], [sflag:$0x3], $0x80, s0, s22, $0xb8;
	[tilespmem:$0x1C400] =	vst v63  }
0x5c: {  	_ =	swait.ge [sflag:s19], $0x4000  }
0x5d: {  	[sflag:s19] =	ssyncset.done $0x0  }
0x5e: {  	[sflag:s19] =	ssyncadd.s32 $0xFFFFC000  }
0x5f: {  	[tilespmem:s24], [sflag:$0x2] =	stream.indirect.gather [hbm4b:s4+s22], $0x80, s5, s22, $0xb8;
	[tilespmem:$0x1C400] =	vst v63  }
0x60: {  	_ =	swait.ge [sflag:s25], $0x4000  }
0x61: {  	[sflag:s25] =	ssyncset.done $0x0  }
0x62: {  	[sflag:s25] =	ssyncadd.s32 $0xFFFFC000  }
0x63: {  	[spmem:s2] =	stream.indirect.scatter.add.f32 [tilespmem:s18], [sflag:$0x3], $0x80, s11, s22, $0xb8;
	[tilespmem:$0x1C400] =	vst v63  }
0x64: {  	_ =	swait.ge [sflag:s19], $0x4000  }
0x65: {  	[sflag:s19] =	ssyncset.done $0x0  }
0x66: {  	[sflag:s19] =	ssyncadd.s32 $0xFFFFC000  }
0x67: {  	[tilespmem:s18], [sflag:$0x1] =	stream.indirect.gather [hbm4b:s4+s22], $0x80, s12, s22, $0xb8;
	[tilespmem:$0x1C400] =	vst v63  }
0x68: {  	_ =	swait.ge [sflag:s28], $0x4000  }
0x69: {  	[sflag:s28] =	ssyncset.done $0x0  }
0x6a: {  	[sflag:s28] =	ssyncadd.s32 $0xFFFFC000  }
0x6b: {  	[spmem:s2] =	stream.indirect.scatter.add.f32 [tilespmem:s24], [sflag:$0x3], $0x80, s13, s22, $0xb8;
	[tilespmem:$0x1C400] =	vst v63  }
0x6c: {  	_ =	swait.ge [sflag:s19], $0x4000  }
0x6d: {  	[sflag:s19] =	ssyncset.done $0x0  }
0x6e: {  	[sflag:s19] =	ssyncadd.s32 $0xFFFFC000  }
0x6f: {  	[tilespmem:s24], [sflag:$0x2] =	stream.indirect.gather [hbm4b:s4+s22], $0x80, s14, s22, $0xb8;
	[tilespmem:$0x1C400] =	vst v63  }
0x70: {  	_ =	swait.ge [sflag:s25], $0x4000  }
0x71: {  	[sflag:s25] =	ssyncset.done $0x0  }
0x72: {  	[sflag:s25] =	ssyncadd.s32 $0xFFFFC000  }
0x73: {  	[spmem:s2] =	stream.indirect.scatter.add.f32 [tilespmem:s18], [sflag:$0x3], $0x80, s15, s22, $0xb8;
	[tilespmem:$0x1C400] =	vst v63  }
0x74: {  	_ =	swait.ge [sflag:s19], $0x4000  }
0x75: {  	[sflag:s19] =	ssyncset.done $0x0  }
0x76: {  	[sflag:s19] =	ssyncadd.s32 $0xFFFFC000  }
0x77: {  	_ =	swait.ge [sflag:s28], $0x4000  }
0x78: {  	[sflag:s28] =	ssyncset.done $0x0  }
0x79: {  	[sflag:s28] =	ssyncadd.s32 $0xFFFFC000  }
0x7a: {  	[spmem:s2] =	stream.indirect.scatter.add.f32 [tilespmem:s24], [sflag:$0x3], $0x80, s16, s22, $0xb8;
	[tilespmem:$0x1C400] =	vst v63  }
0x7b: {  	_ =	swait.ge [sflag:s19], $0x4000  }
0x7c: {  	s9 =	simm.s32 $0x100;
	s8 =	simm.s32 $0x80;
	[sflag:s19] =	ssyncset.done $0x0  }
.LBB2_2:
0x7d: {  	s6 =	sadd.s32 s8, s17;
	[sflag:s19] =	ssyncadd.s32 $0xFFFFC000  }
0x7e: {  	[tilespmem:s20], [sflag:$0x3] =	stream.linear.gather [hbm4b:s6+s3], $0x400, $0x38;
	[tilespmem:$0x1C400] =	vst v63  }
0x7f: {  	s7 =	smov.u32 s9;
	s10 =	sadd.s32 $0x80, s9;
	_ =	swait.ge [sflag:s19], $0x400  }
0x80: {  	p0 =	sne.s32 s9, $0x480;
	s9 =	rddreg [dreg:$0x3];
	[sflag:s19] =	ssyncset.done $0x0  }
0x81: {  	[sflag:s19] =	ssyncadd.s32 $0xFFFFFC00;
	s6 =	sadd.s32 s8, s9  }
0x82: {  	[tilespmem:s21], [sflag:$0x3] =	stream.linear.gather [hbm4b:s6+s3], $0x400, $0x38;
	[tilespmem:$0x1C400] =	vst v63  }
0x83: {  	_ =	swait.ge [sflag:s19], $0x400  }
0x84: {  	[sflag:s19] =	ssyncset.done $0x0  }
0x85: {  	[sflag:s19] =	ssyncadd.s32 $0xFFFFFC00  }
0x86: {  	[tilespmem:s18], [sflag:$0x1] =	stream.indirect.gather [hbm4b:s4+s22], $0x80, s20, s22, $0xb8;
	[tilespmem:$0x1C400] =	vst v63  }
0x87: {  	_ = 	snop  }
0x88: {  	[tilespmem:s24], [sflag:$0x2] =	stream.indirect.gather [hbm4b:s4+s22], $0x80, s23, s22, $0xb8;
	[tilespmem:$0x1C400] =	vst v63  }
0x89: {  	_ =	swait.ge [sflag:s25], $0x4000  }
0x8a: {  	[sflag:s25] =	ssyncset.done $0x0  }
0x8b: {  	[sflag:s25] =	ssyncadd.s32 $0xFFFFC000  }
0x8c: {  	[spmem:s2] =	stream.indirect.scatter.add.f32 [tilespmem:s18], [sflag:$0x3], $0x80, s21, s22, $0xb8;
	[tilespmem:$0x1C400] =	vst v63  }
0x8d: {  	_ =	swait.ge [sflag:s19], $0x4000  }
0x8e: {  	[sflag:s19] =	ssyncset.done $0x0  }
0x8f: {  	[sflag:s19] =	ssyncadd.s32 $0xFFFFC000  }
0x90: {  	[tilespmem:s18], [sflag:$0x1] =	stream.indirect.gather [hbm4b:s4+s22], $0x80, s26, s22, $0xb8;
	[tilespmem:$0x1C400] =	vst v63  }
0x91: {  	_ =	swait.ge [sflag:s28], $0x4000  }
0x92: {  	[sflag:s28] =	ssyncset.done $0x0  }
0x93: {  	[sflag:s28] =	ssyncadd.s32 $0xFFFFC000  }
0x94: {  	[spmem:s2] =	stream.indirect.scatter.add.f32 [tilespmem:s24], [sflag:$0x3], $0x80, s29, s22, $0xb8;
	[tilespmem:$0x1C400] =	vst v63  }
0x95: {  	_ =	swait.ge [sflag:s19], $0x4000  }
0x96: {  	[sflag:s19] =	ssyncset.done $0x0  }
0x97: {  	[sflag:s19] =	ssyncadd.s32 $0xFFFFC000  }
0x98: {  	[tilespmem:s24], [sflag:$0x2] =	stream.indirect.gather [hbm4b:s4+s22], $0x80, s30, s22, $0xb8;
	[tilespmem:$0x1C400] =	vst v63  }
0x99: {  	_ =	swait.ge [sflag:s25], $0x4000  }
0x9a: {  	[sflag:s25] =	ssyncset.done $0x0  }
0x9b: {  	[sflag:s25] =	ssyncadd.s32 $0xFFFFC000  }
0x9c: {  	[spmem:s2] =	stream.indirect.scatter.add.f32 [tilespmem:s18], [sflag:$0x3], $0x80, s31, s22, $0xb8;
	[tilespmem:$0x1C400] =	vst v63  }
0x9d: {  	_ =	swait.ge [sflag:s19], $0x4000  }
0x9e: {  	[sflag:s19] =	ssyncset.done $0x0  }
0x9f: {  	[sflag:s19] =	ssyncadd.s32 $0xFFFFC000  }
0xa0: {  	[tilespmem:s18], [sflag:$0x1] =	stream.indirect.gather [hbm4b:s4+s22], $0x80, s1, s22, $0xb8;
	[tilespmem:$0x1C400] =	vst v63  }
0xa1: {  	_ =	swait.ge [sflag:s28], $0x4000  }
0xa2: {  	[sflag:s28] =	ssyncset.done $0x0  }
0xa3: {  	[sflag:s28] =	ssyncadd.s32 $0xFFFFC000  }
0xa4: {  	[spmem:s2] =	stream.indirect.scatter.add.f32 [tilespmem:s24], [sflag:$0x3], $0x80, s0, s22, $0xb8;
	[tilespmem:$0x1C400] =	vst v63  }
0xa5: {  	_ =	swait.ge [sflag:s19], $0x4000  }
0xa6: {  	[sflag:s19] =	ssyncset.done $0x0  }
0xa7: {  	[sflag:s19] =	ssyncadd.s32 $0xFFFFC000  }
0xa8: {  	[tilespmem:s24], [sflag:$0x2] =	stream.indirect.gather [hbm4b:s4+s22], $0x80, s5, s22, $0xb8;
	[tilespmem:$0x1C400] =	vst v63  }
0xa9: {  	_ =	swait.ge [sflag:s25], $0x4000  }
0xaa: {  	[sflag:s25] =	ssyncset.done $0x0  }
0xab: {  	[sflag:s25] =	ssyncadd.s32 $0xFFFFC000  }
0xac: {  	[spmem:s2] =	stream.indirect.scatter.add.f32 [tilespmem:s18], [sflag:$0x3], $0x80, s11, s22, $0xb8;
	[tilespmem:$0x1C400] =	vst v63  }
0xad: {  	_ =	swait.ge [sflag:s19], $0x4000  }
0xae: {  	[sflag:s19] =	ssyncset.done $0x0  }
0xaf: {  	[sflag:s19] =	ssyncadd.s32 $0xFFFFC000  }
0xb0: {  	[tilespmem:s18], [sflag:$0x1] =	stream.indirect.gather [hbm4b:s4+s22], $0x80, s12, s22, $0xb8;
	[tilespmem:$0x1C400] =	vst v63  }
0xb1: {  	_ =	swait.ge [sflag:s28], $0x4000  }
0xb2: {  	[sflag:s28] =	ssyncset.done $0x0  }
0xb3: {  	[sflag:s28] =	ssyncadd.s32 $0xFFFFC000  }
0xb4: {  	[spmem:s2] =	stream.indirect.scatter.add.f32 [tilespmem:s24], [sflag:$0x3], $0x80, s13, s22, $0xb8;
	[tilespmem:$0x1C400] =	vst v63  }
0xb5: {  	_ =	swait.ge [sflag:s19], $0x4000  }
0xb6: {  	[sflag:s19] =	ssyncset.done $0x0  }
0xb7: {  	[sflag:s19] =	ssyncadd.s32 $0xFFFFC000  }
0xb8: {  	[tilespmem:s24], [sflag:$0x2] =	stream.indirect.gather [hbm4b:s4+s22], $0x80, s14, s22, $0xb8;
	[tilespmem:$0x1C400] =	vst v63  }
0xb9: {  	_ =	swait.ge [sflag:s25], $0x4000  }
0xba: {  	[sflag:s25] =	ssyncset.done $0x0  }
0xbb: {  	[sflag:s25] =	ssyncadd.s32 $0xFFFFC000  }
0xbc: {  	[spmem:s2] =	stream.indirect.scatter.add.f32 [tilespmem:s18], [sflag:$0x3], $0x80, s15, s22, $0xb8;
	[tilespmem:$0x1C400] =	vst v63  }
0xbd: {  	_ =	swait.ge [sflag:s19], $0x4000  }
0xbe: {  	[sflag:s19] =	ssyncset.done $0x0  }
0xbf: {  	[sflag:s19] =	ssyncadd.s32 $0xFFFFC000  }
0xc0: {  	_ =	swait.ge [sflag:s28], $0x4000  }
.Ltmp0:
0xc1: {  	[sflag:s28] =	ssyncset.done $0x0;
	(pc) =	sbr.rel @p0 .LBB2_2-.Ltmp0, $4  }
0xc2: {  	[sflag:s28] =	ssyncadd.s32 $0xFFFFC000  }
0xc3: {  	[spmem:s2] =	stream.indirect.scatter.add.f32 [tilespmem:s24], [sflag:$0x3], $0x80, s16, s22, $0xb8;
	[tilespmem:$0x1C400] =	vst v63  }
0xc4: {  	_ =	swait.ge [sflag:s19], $0x4000  }
0xc5: {  	s8 =	smov.u32 s7;
	s9 =	smov.u32 s10;
	[sflag:s19] =	ssyncset.done $0x0  }
0xc6: {  	s6 =	sadd.s32 s8, s17;
	[sflag:s19] =	ssyncadd.s32 $0xFFFFC000  }
0xc7: {  	[tilespmem:s20], [sflag:$0x3] =	stream.linear.gather [hbm4b:s6+s3], $0x400, $0x38;
	[tilespmem:$0x1C400] =	vst v63  }
0xc8: {  	_ =	swait.ge [sflag:s19], $0x400  }
0xc9: {  	s7 =	rddreg [dreg:$0x3];
	[sflag:s19] =	ssyncset.done $0x0  }
0xca: {  	s6 =	sadd.s32 s8, s7;
	[sflag:s19] =	ssyncadd.s32 $0xFFFFFC00  }
0xcb: {  	[tilespmem:s21], [sflag:$0x3] =	stream.linear.gather [hbm4b:s6+s3], $0x400, $0x38;
	[tilespmem:$0x1C400] =	vst v63  }
0xcc: {  	_ =	swait.ge [sflag:s19], $0x400  }
0xcd: {  	[sflag:s19] =	ssyncset.done $0x0  }
0xce: {  	[sflag:s19] =	ssyncadd.s32 $0xFFFFFC00  }
0xcf: {  	[tilespmem:s18], [sflag:$0x1] =	stream.indirect.gather [hbm4b:s4+s22], $0x80, s20, s22, $0xb8;
	[tilespmem:$0x1C400] =	vst v63  }
0xd0: {  	_ = 	snop  }
0xd1: {  	[tilespmem:s24], [sflag:$0x2] =	stream.indirect.gather [hbm4b:s4+s22], $0x80, s23, s22, $0xb8;
	[tilespmem:$0x1C400] =	vst v63  }
0xd2: {  	_ =	swait.ge [sflag:s25], $0x4000  }
0xd3: {  	[sflag:s25] =	ssyncset.done $0x0  }
0xd4: {  	[sflag:s25] =	ssyncadd.s32 $0xFFFFC000  }
0xd5: {  	[spmem:s2] =	stream.indirect.scatter.add.f32 [tilespmem:s18], [sflag:$0x3], $0x80, s21, s22, $0xb8;
	[tilespmem:$0x1C400] =	vst v63  }
0xd6: {  	_ =	swait.ge [sflag:s19], $0x4000  }
0xd7: {  	[sflag:s19] =	ssyncset.done $0x0  }
0xd8: {  	[sflag:s19] =	ssyncadd.s32 $0xFFFFC000  }
0xd9: {  	[tilespmem:s18], [sflag:$0x1] =	stream.indirect.gather [hbm4b:s4+s22], $0x80, s26, s22, $0xb8;
	[tilespmem:$0x1C400] =	vst v63  }
0xda: {  	_ =	swait.ge [sflag:s28], $0x4000  }
0xdb: {  	[sflag:s28] =	ssyncset.done $0x0  }
0xdc: {  	[sflag:s28] =	ssyncadd.s32 $0xFFFFC000  }
0xdd: {  	[spmem:s2] =	stream.indirect.scatter.add.f32 [tilespmem:s24], [sflag:$0x3], $0x80, s29, s22, $0xb8;
	[tilespmem:$0x1C400] =	vst v63  }
0xde: {  	_ =	swait.ge [sflag:s19], $0x4000  }
0xdf: {  	[sflag:s19] =	ssyncset.done $0x0  }
0xe0: {  	[sflag:s19] =	ssyncadd.s32 $0xFFFFC000  }
0xe1: {  	[tilespmem:s24], [sflag:$0x2] =	stream.indirect.gather [hbm4b:s4+s22], $0x80, s30, s22, $0xb8;
	[tilespmem:$0x1C400] =	vst v63  }
0xe2: {  	_ =	swait.ge [sflag:s25], $0x4000  }
0xe3: {  	[sflag:s25] =	ssyncset.done $0x0  }
0xe4: {  	[sflag:s25] =	ssyncadd.s32 $0xFFFFC000  }
0xe5: {  	[spmem:s2] =	stream.indirect.scatter.add.f32 [tilespmem:s18], [sflag:$0x3], $0x80, s31, s22, $0xb8;
	[tilespmem:$0x1C400] =	vst v63  }
0xe6: {  	_ =	swait.ge [sflag:s19], $0x4000  }
0xe7: {  	[sflag:s19] =	ssyncset.done $0x0  }
0xe8: {  	[sflag:s19] =	ssyncadd.s32 $0xFFFFC000  }
0xe9: {  	[tilespmem:s18], [sflag:$0x1] =	stream.indirect.gather [hbm4b:s4+s22], $0x80, s1, s22, $0xb8;
	[tilespmem:$0x1C400] =	vst v63  }
0xea: {  	_ =	swait.ge [sflag:s28], $0x4000  }
0xeb: {  	[sflag:s28] =	ssyncset.done $0x0  }
0xec: {  	[sflag:s28] =	ssyncadd.s32 $0xFFFFC000  }
0xed: {  	[spmem:s2] =	stream.indirect.scatter.add.f32 [tilespmem:s24], [sflag:$0x3], $0x80, s0, s22, $0xb8;
	[tilespmem:$0x1C400] =	vst v63  }
0xee: {  	_ =	swait.ge [sflag:s19], $0x4000  }
0xef: {  	[sflag:s19] =	ssyncset.done $0x0  }
0xf0: {  	[sflag:s19] =	ssyncadd.s32 $0xFFFFC000  }
0xf1: {  	[tilespmem:s24], [sflag:$0x2] =	stream.indirect.gather [hbm4b:s4+s22], $0x80, s5, s22, $0xb8;
	[tilespmem:$0x1C400] =	vst v63  }
0xf2: {  	_ =	swait.ge [sflag:s25], $0x4000  }
0xf3: {  	[sflag:s25] =	ssyncset.done $0x0  }
0xf4: {  	[sflag:s25] =	ssyncadd.s32 $0xFFFFC000  }
0xf5: {  	[spmem:s2] =	stream.indirect.scatter.add.f32 [tilespmem:s18], [sflag:$0x3], $0x80, s11, s22, $0xb8;
	[tilespmem:$0x1C400] =	vst v63  }
0xf6: {  	_ =	swait.ge [sflag:s19], $0x4000  }
0xf7: {  	[sflag:s19] =	ssyncset.done $0x0  }
0xf8: {  	[sflag:s19] =	ssyncadd.s32 $0xFFFFC000  }
0xf9: {  	[tilespmem:s18], [sflag:$0x1] =	stream.indirect.gather [hbm4b:s4+s22], $0x80, s12, s22, $0xb8;
	[tilespmem:$0x1C400] =	vst v63  }
0xfa: {  	_ =	swait.ge [sflag:s28], $0x4000  }
0xfb: {  	[sflag:s28] =	ssyncset.done $0x0  }
0xfc: {  	[sflag:s28] =	ssyncadd.s32 $0xFFFFC000  }
0xfd: {  	[spmem:s2] =	stream.indirect.scatter.add.f32 [tilespmem:s24], [sflag:$0x3], $0x80, s13, s22, $0xb8;
	[tilespmem:$0x1C400] =	vst v63  }
0xfe: {  	_ =	swait.ge [sflag:s19], $0x4000  }
0xff: {  	[sflag:s19] =	ssyncset.done $0x0  }
0x100: {  	[sflag:s19] =	ssyncadd.s32 $0xFFFFC000  }
0x101: {  	[tilespmem:s24], [sflag:$0x2] =	stream.indirect.gather [hbm4b:s4+s22], $0x80, s14, s22, $0xb8;
	[tilespmem:$0x1C400] =	vst v63  }
0x102: {  	_ =	swait.ge [sflag:s25], $0x4000  }
0x103: {  	[sflag:s25] =	ssyncset.done $0x0  }
0x104: {  	[sflag:s25] =	ssyncadd.s32 $0xFFFFC000  }
0x105: {  	[spmem:s2] =	stream.indirect.scatter.add.f32 [tilespmem:s18], [sflag:$0x3], $0x80, s15, s22, $0xb8;
	[tilespmem:$0x1C400] =	vst v63  }
0x106: {  	_ =	swait.ge [sflag:s19], $0x4000  }
0x107: {  	[sflag:s19] =	ssyncset.done $0x0  }
0x108: {  	[sflag:s19] =	ssyncadd.s32 $0xFFFFC000  }
0x109: {  	_ =	swait.ge [sflag:s28], $0x4000  }
0x10a: {  	[sflag:s28] =	ssyncset.done $0x0  }
0x10b: {  	[sflag:s28] =	ssyncadd.s32 $0xFFFFC000  }
0x10c: {  	[spmem:s2] =	stream.indirect.scatter.add.f32 [tilespmem:s24], [sflag:$0x3], $0x80, s16, s22, $0xb8;
	[tilespmem:$0x1C400] =	vst v63  }
0x10d: {  	_ =	swait.ge [sflag:s19], $0x4000  }
0x10e: {  	[sflag:s19] =	ssyncset.done $0x0  }
0x10f: {  	[sflag:s19] =	ssyncadd.s32 $0xFFFFC000  }
0x110: {  	[bflag:$0x0] =	sbarrier.arrive $0xFFFF  }
0x111: {  	s9 =	rddreg [dreg:$0x5]  }
0x112: {  	[tilespmem:s18], [sflag:$0x3] =	stream.linear.gather [spmem:s9], $0x4000, $0x38;
	[tilespmem:$0x1C400] =	vst v63  }
0x113: {  	_ =	swait.ge [sflag:s19], $0x4000  }
0x114: {  	[sflag:s19] =	ssyncset.done $0x0  }
0x115: {  	s10 =	rddreg [dreg:$0xa];
	[sflag:s19] =	ssyncadd.s32 $0xFFFFC000  }
0x116: {  	[hbm4b:s10+s3] =	stream.linear.scatter [tilespmem:s18], [sflag:$0x3], $0x4000, $0x38;
	[tilespmem:$0x1C400] =	vst v63  }
0x117: {  	_ =	swait.ge [sflag:s19], $0x4000  }
0x118: {  	[sflag:s19] =	ssyncset.done $0x0  }
0x119: {  	s7 =	rddreg [dreg:$0x6];
	[sflag:s19] =	ssyncadd.s32 $0xFFFFC000  }
0x11a: {  	[tilespmem:s18], [sflag:$0x3] =	stream.linear.gather [spmem:s7], $0x4000, $0x38;
	[tilespmem:$0x1C400] =	vst v63  }
0x11b: {  	_ =	swait.ge [sflag:s19], $0x4000  }
0x11c: {  	[sflag:s19] =	ssyncset.done $0x0  }
0x11d: {  	s8 =	rddreg [dreg:$0xb];
	[sflag:s19] =	ssyncadd.s32 $0xFFFFC000  }
0x11e: {  	[hbm4b:s8+s3] =	stream.linear.scatter [tilespmem:s18], [sflag:$0x3], $0x4000, $0x38;
	[tilespmem:$0x1C400] =	vst v63  }
0x11f: {  	_ =	swait.ge [sflag:s19], $0x4000  }
0x120: {  	[sflag:s19] =	ssyncset.done $0x0  }
0x121: {  	s10 =	rddreg [dreg:$0x7];
	[sflag:s19] =	ssyncadd.s32 $0xFFFFC000  }
0x122: {  	[tilespmem:s18], [sflag:$0x3] =	stream.linear.gather [spmem:s10], $0x4000, $0x38;
	[tilespmem:$0x1C400] =	vst v63  }
0x123: {  	_ =	swait.ge [sflag:s19], $0x4000  }
0x124: {  	[sflag:s19] =	ssyncset.done $0x0  }
0x125: {  	s9 =	rddreg [dreg:$0xc];
	[sflag:s19] =	ssyncadd.s32 $0xFFFFC000  }
0x126: {  	[hbm4b:s9+s3] =	stream.linear.scatter [tilespmem:s18], [sflag:$0x3], $0x4000, $0x38;
	[tilespmem:$0x1C400] =	vst v63  }
0x127: {  	_ =	swait.ge [sflag:s19], $0x4000  }
0x128: {  	[sflag:s19] =	ssyncset.done $0x0  }
0x129: {  	s8 =	rddreg [dreg:$0x8];
	[sflag:s19] =	ssyncadd.s32 $0xFFFFC000  }
0x12a: {  	[tilespmem:s18], [sflag:$0x3] =	stream.linear.gather [spmem:s8], $0x4000, $0x38;
	[tilespmem:$0x1C400] =	vst v63  }
0x12b: {  	_ =	swait.ge [sflag:s19], $0x4000  }
0x12c: {  	[sflag:s19] =	ssyncset.done $0x0  }
0x12d: {  	s7 =	rddreg [dreg:$0xd];
	[sflag:s19] =	ssyncadd.s32 $0xFFFFC000  }
0x12e: {  	[hbm4b:s7+s3] =	stream.linear.scatter [tilespmem:s18], [sflag:$0x3], $0x4000, $0x38;
	[tilespmem:$0x1C400] =	vst v63  }
0x12f: {  	_ =	swait.ge [sflag:s19], $0x4000  }
0x130: {  	[sflag:s19] =	ssyncset.done $0x0  }
0x131: {  	s7 =	rddreg [dreg:$0x9];
	[sflag:s19] =	ssyncadd.s32 $0xFFFFC000  }
0x132: {  	[tilespmem:s18], [sflag:$0x3] =	stream.linear.gather [spmem:s7], $0x3C00, $0x38;
	[tilespmem:$0x1C400] =	vst v63  }
0x133: {  	_ =	swait.ge [sflag:s19], $0x3C00  }
0x134: {  	[sflag:s19] =	ssyncset.done $0x0  }
0x135: {  	s9 =	rddreg [dreg:$0xe];
	[sflag:s19] =	ssyncadd.s32 $0xFFFFC400  }
0x136: {  	[hbm4b:s9+s3] =	stream.linear.scatter [tilespmem:s18], [sflag:$0x3], $0x3C00, $0x38;
	[tilespmem:$0x1C400] =	vst v63  }
0x137: {  	_ =	swait.ge [sflag:s19], $0x3C00  }
0x138: {  	s9 =	rddreg [dreg:$0x10]  }
0x139: {  	s6 =	rddreg [dreg:$0xf];
	s9 =	sadd.s32 $0x1, s9  }
0x13a: {  	p0 =	sne.s32 s9, s6  }
.Ltmp1:
0x13b: {  	_ = 	snop;
	(pc) =	sbr.rel @p0 .LBB2_1-.Ltmp1, $3  }
0x13c: {  	_ =	sdelay $0x1  }
0x13d: {  	[sflag:s19] =	ssyncset.done $0x0;
	[dreg:$0x10] =	wrdreg s9  }
0x13e: {  	[sflag:s19] =	ssyncadd.s32 $0xFFFFC400;
	s9 =	rddreg [dreg:$0x5]  }
0x13f: {  	_ =	sfence.sel $0x180000  }
0x140: {  	[bflag:$0x0] =	sbarrier.arrive $0xFFFF  }
0x141: {  	_ =	strace $0x9000004A  }
0x142: {  	s0 =	stileid.u32;
	[bflag:$0x2] =	sbarrier.arrive $0xFFFF  }
0x143: {  	p0 =	sne.s32 s0, $0x0;
	s0 =	rddreg [dreg:$0x2]  }
0x144: {  	s0 =	sadd.s32 @!p0 $0x100000, s0  }
0x145: {  	[sflag:s0] =	ssyncadd.tile.s32 @!p0 $0x1;
	_ =	shalt  }
.Lfunc_end2:
_tile_overlayer_lowered:
.L_overlay_start_2:
0x146: {  	(tag) =	ssettag $0x2  }
0x147: {  	s0 =	rddreg [dreg:$0x0];
	s2 =	stileid.u32  }
0x148: {  	s1 =	rddreg [dreg:$0x1];
	p0 =	sne.s32 s2, $0x0  }
0x149: {  	s3 =	rddreg [dreg:$0x2];
	[bflag:$0x3] =	sbarrier.arrive $0xFFFF;
	s2 =	simm.s32 @!p0 $0x1C03  }
0x14a: {  	[timem:s3], [sflag:s2] =	dma.local @!p0 [hbm:s0], s1  }
0x14b: {  	s0 =	simm.s32 @!p0 $0x3  }
0x14c: {  	_ =	swait.ge @!p0 [sflag:s0], s1  }
0x14d: {  	s1 =	ssub.s32 @!p0 $0x0, s1;
	[sflag:s0] =	ssyncset.done @!p0 $0x0  }
0x14e: {  	[sflag:s0] =	ssyncadd.s32 @!p0 s1  }
0x14f: {  	[bflag:$0x3] =	sbarrier.arrive $0xFFFF  }
0x150: {  	_ =	shalt  }

// kernel: kernel.7.cloned.1.call-start
scs
__scs_entry_jumppad:
0x0: {  	(pc) =	sbr.rel $0x88, $3  }
0x1: {  	(tag) =	ssettag $0x0;
	lr =	simm.s32 $0x1  }
0x2: {  	[smem:$0x3F92] =	sst lr;
	_ =	strace $0xD0000000  }
0x3: {  	_ = 	snop  }
0x4: {  	_ = 	snop  }
0x5: {  	_ = 	snop  }
0x6: {  	_ = 	snop  }
0x7: {  	_ = 	snop  }
__scs_overlays_trampoline_lowered:
0x8: {  	[smem:$0x3FA1] =	sst s0  }
0x9: {  	[smem:$0x3FA2] =	sst s1  }
0xa: {  	[smem:$0x3FA3] =	sst s2  }
0xb: {  	[smem:$0x3FA4] =	sst s3  }
0xc: {  	[smem:$0x3FA5] =	sst s4  }
0xd: {  	[smem:$0x3FA6] =	sst s5  }
0xe: {  	[smem:$0x3FA7] =	sst s6  }
0xf: {  	[smem:$0x3FA8] =	sst s7  }
0x10: {  	[smem:$0x3FA9] =	sst s8  }
0x11: {  	[smem:$0x3FAA] =	sst s9;
	s0 =	simm.s32 @!p0 $0x0  }
0x12: {  	s1 =	sld [smem:$0x3F90];
	s0 =	simm.s32 @p0 $0x1  }
0x13: {  	[smem:$0x3FAB] =	sst s0;
	s0 =	simm.s32 @!p1 $0x0  }
0x14: {  	s2 =	sld [smem:$0x3F8F];
	s0 =	simm.s32 @p1 $0x1  }
0x15: {  	[smem:$0x3FAC] =	sst s0;
	s0 =	simm.s32 @!p2 $0x0  }
0x16: {  	s3 =	sld [smem:$0x3FDB];
	s0 =	simm.s32 @p2 $0x1  }
0x17: {  	s4 =	simm.s32 $0x1BF5;
	[smem:$0x3FAE] =	sst s0  }
0x18: {  	s0 =	sld [smem:$0x3F91];
	_ =	swait.ge [sflag:s4], $0x0  }
0x19: {  	s7 =	sld [smem:$0x3F92]  }
0x1a: {  	s8 =	sadd.s32 $0xFFFFE003, lr  }
0x1b: {  	s9 =	sadd.s32 $0xFFFFFEF7, lr;
	s5 =	simm.s32 $0xFFFFFFFF;
	p2 =	slt.u32 s8, $0xFFFFF086  }
0x1c: {  	p1 =	slt.u32 s9, $0xF7A;
	s5 =	simm.s32 @!p2 $0x0  }
0x1d: {  	s5 =	simm.s32 @p1 $0x1;
	p0 =	seq.s32 s7, s2  }
0x1e: {  	s7 =	smul.u32 @!p0 $0xF7A, s2;
	p2 =	seq.s32 @!p0 s5, $0x0  }
0x1f: {  	s9 =	smul.u32 $0xF7A, s1;
	s8 =	simm.s32 @!p0 $0x1BF5;
	p2 =	por !p2, p0  }
0x20: {  	[sflag:s8] =	ssyncset.s32 @!p0 $0xFFFFF086;
	s6 =	sadd.s32 @!p0 s3, s7;
	s7 =	simm.s32 @!p0 $0x108  }
0x21: {  	s3 =	sadd.s32 s3, s9;
	s6 =	sadd.s32 @!p0 $0x88, s6;
	s7 =	simm.s32 @p2 $0x1082  }
0x22: {  	[simem:s7], [sflag:s8] =	dma.local @!p0 [hbm:s6], $0xF7A  }
0x23: {  	s9 =	sor.u32 $0xD0000000, s2;
	s6 =	simm.s32 $0x108;
	_ =	swait.ge @!p0 [sflag:s8], $0x0  }
0x24: {  	s3 =	sadd.s32 $0x88, s3;
	s6 =	simm.s32 @!p1 $0x1082;
	[sflag:s4] =	ssyncset.s32 $0xFFFFF086  }
0x25: {  	[simem:s6], [sflag:s4] =	dma.local [hbm:s3], $0xF7A  }
0x26: {  	[smem:$0x3F92] =	sst s1;
	(tag) =	ssettag s2;
	_ =	strace s9  }
0x27: {  	s1 =	sld [smem:$0x3FA2]  }
0x28: {  	s2 =	sld [smem:$0x3FA3]  }
0x29: {  	s4 =	sld [smem:$0x3FA5]  }
0x2a: {  	p0 =	seq.s32 s5, $0x0;
	s5 =	sld [smem:$0x3FA6]  }
0x2b: {  	s6 =	sld [smem:$0x3FA7]  }
0x2c: {  	s7 =	sld [smem:$0x3FA8]  }
0x2d: {  	s3 =	simm.s32 $0x108;
	s8 =	sld [smem:$0x3FA9]  }
0x2e: {  	s3 =	simm.s32 @!p0 $0x1082;
	s9 =	sld [smem:$0x3FAA]  }
0x2f: {  	lr =	sadd.s32 s0, s3;
	s0 =	sld [smem:$0x3FA1]  }
0x30: {  	s3 =	sld [smem:$0x3FA4]  }
0x31: {  	[smem:$0x3FAD] =	sst s10  }
0x32: {  	s10 =	sld [smem:$0x3FAB];
	_ =	sdelay $0x3  }
0x33: {  	p0 =	seq.s32 s10, $0x1;
	s10 =	sld [smem:$0x3FAD];
	_ =	sdelay $0x3  }
0x34: {  	[smem:$0x3FAD] =	sst s10  }
0x35: {  	s10 =	sld [smem:$0x3FAC];
	_ =	sdelay $0x3  }
0x36: {  	p1 =	seq.s32 s10, $0x1;
	s10 =	sld [smem:$0x3FAD];
	_ =	sdelay $0x3  }
0x37: {  	[smem:$0x3FAD] =	sst s10  }
0x38: {  	s10 =	sld [smem:$0x3FAE]  }
0x39: {  	_ = 	snop;
	(pc) =	sbr.ind lr, $3  }
0x3a: {  	_ = 	snop  }
0x3b: {  	_ = 	snop  }
0x3c: {  	p2 =	seq.s32 s10, $0x1;
	s10 =	sld [smem:$0x3FAD]  }
0x3d: {  	_ =	shalt  }
0x3e: {  	_ =	shalt  }
0x3f: {  	_ =	shalt  }
0x40: {  	_ =	shalt  }
0x41: {  	_ =	shalt  }
0x42: {  	_ =	shalt  }
0x43: {  	_ =	shalt  }
0x44: {  	_ =	shalt  }
0x45: {  	_ =	shalt  }
0x46: {  	_ =	shalt  }
0x47: {  	_ =	shalt  }
0x48: {  	_ =	shalt  }
0x49: {  	_ =	shalt  }
0x4a: {  	_ =	shalt  }
0x4b: {  	_ =	shalt  }
0x4c: {  	_ =	shalt  }
0x4d: {  	_ =	shalt  }
0x4e: {  	_ =	shalt  }
0x4f: {  	_ =	shalt  }
0x50: {  	_ =	shalt  }
0x51: {  	_ =	shalt  }
0x52: {  	_ =	shalt  }
0x53: {  	_ =	shalt  }
0x54: {  	_ =	shalt  }
0x55: {  	_ =	shalt  }
0x56: {  	_ =	shalt  }
0x57: {  	_ =	shalt  }
0x58: {  	_ =	shalt  }
0x59: {  	_ =	shalt  }
0x5a: {  	_ =	shalt  }
0x5b: {  	_ =	shalt  }
0x5c: {  	_ =	shalt  }
0x5d: {  	_ =	shalt  }
0x5e: {  	_ =	shalt  }
0x5f: {  	_ =	shalt  }
0x60: {  	_ =	shalt  }
0x61: {  	_ =	shalt  }
0x62: {  	_ =	shalt  }
0x63: {  	_ =	shalt  }
0x64: {  	_ =	shalt  }
0x65: {  	_ =	shalt  }
0x66: {  	_ =	shalt  }
0x67: {  	_ =	shalt  }
0x68: {  	_ =	shalt  }
0x69: {  	_ =	shalt  }
0x6a: {  	_ =	shalt  }
0x6b: {  	_ =	shalt  }
0x6c: {  	_ =	shalt  }
0x6d: {  	_ =	shalt  }
0x6e: {  	_ =	shalt  }
0x6f: {  	_ =	shalt  }
0x70: {  	_ =	shalt  }
0x71: {  	_ =	shalt  }
0x72: {  	_ =	shalt  }
0x73: {  	_ =	shalt  }
0x74: {  	_ =	shalt  }
0x75: {  	_ =	shalt  }
0x76: {  	_ =	shalt  }
0x77: {  	_ =	shalt  }
0x78: {  	_ =	shalt  }
0x79: {  	_ =	shalt  }
0x7a: {  	_ =	shalt  }
0x7b: {  	_ =	shalt  }
0x7c: {  	_ =	shalt  }
0x7d: {  	_ =	shalt  }
0x7e: {  	_ =	shalt  }
0x7f: {  	_ =	shalt  }
0x80: {  	_ =	shalt  }
0x81: {  	_ =	shalt  }
0x82: {  	_ =	shalt  }
0x83: {  	_ =	shalt  }
0x84: {  	_ =	shalt  }
0x85: {  	_ =	shalt  }
0x86: {  	_ =	shalt  }
0x87: {  	_ =	shalt  }
.Lfunc_end0:
.L_simem_size_0:
called_computation_lowered:
.L_overlay_start_0:
0x88: {  	s2 =	sld [smem:$0x3FD9]  }
0x89: {  	s3 =	sld [smem:$0x3FFE];
	_ =	sdelay $0x1  }
0x8a: {  	s1 =	srdreg.scid  }
0x8b: {  	s0 =	sand.u32 $0x1, s1  }
0x8c: {  	s16 =	sshll.u32 s0, $0xA;
	s2 =	sadd.s32 s3, s2  }
0x8d: {  	s2 =	sadd.s32 s2, s16  }
0x8e: {  	[smem:$0x3FB9] =	sst s2  }
0x8f: {  	_ = 	snop  }
0x90: {  	(tm) =	ssettm $0x1  }
0x91: {  	s17 =	sld [smem:$0x3FFB];
	_ =	sdelay $0x3  }
0x92: {  	_ =	strace s17  }
0x93: {  	s2 =	sld [smem:$0x3FFC];
	_ =	sdelay $0x3  }
0x94: {  	_ =	strace s2  }
0x95: {  	s2 =	sld [smem:$0x3FFD];
	_ =	sdelay $0x3  }
0x96: {  	_ =	strace s2  }
0x97: {  	_ =	strace $0x8FFFFFFF  }
0x98: {  	s18 =	sld [smem:$0x3FDB];
	_ =	sdelay $0x1  }
0x99: {  	s19 =	simm.s32 $_scs_section_size  }
0x9a: {  	s4 =	simm.s32 $_size__tile_overlayer_lowered;
	s5 =	simm.s32 $_tile_overlayer_lowered  }
0x9b: {  	s22 =	simm.s32 $0x1BFF;
	s21 =	sshll.u32 s5, $0x1;
	s2 =	sadd.s32 s19, s18  }
0x9c: {  	s6 =	simm.s32 $0x0;
	s20 =	sshll.u32 s4, $0x1;
	s4 =	sadd.s32 s21, s2  }
0x9d: {  	[timem:s6], [sflag:s22] =	dma.local [hbm:s4], s20  }
0x9e: {  	_ =	swait.ge [sflag:s22], s20  }
0x9f: {  	s3 =	ssub.s32 $0x0, s20;
	[sflag:s22] =	ssyncset.done $0x0  }
0xa0: {  	[sflag:s22] =	ssyncadd.s32 s3;
	_ =	sdelay $0x1  }
0xa1: {  	s23 =	simm.s32 $0x1B8B  }
0xa2: {  	_ =	swait.ge [sflag:s23], $0x1  }
0xa3: {  	[sflag:s23] =	ssyncset.done $0x0  }
0xa4: {  	s25 =	simm.s32 $0x1B8E;
	s24 =	sld [smem:$0x3FFE];
	[sflag:s23] =	ssyncadd.s32 $0xFFFFFFFF  }
0xa5: {  	s26 =	simm.s32 $execute0_lowered;
	[smem:$0x3FD2] =	sst s25  }
0xa6: {  	s4 =	sshll.u32 s26, $0x1;
	_ =	strace $0x80000046;
	[dreg:$0x1] =	wrdreg $0xFFFFFFFF  }
0xa7: {  	s28 =	simm.s32 $_size_execute0_lowered;
	s2 =	sadd.s32 s2, s4;
	[dreg:$0x0] =	wrdreg $0x0  }
0xa8: {  	s4 =	sshll.u32 s28, $0x1;
	[dreg:$0x2] =	wrdreg s2  }
0xa9: {  	[dreg:$0x3] =	wrdreg s4  }
0xaa: {  	[dreg:$0x4] =	wrdreg $0xC0  }
0xab: {  	_ =	task [dreg:s6], $0x5FFFF  }
0xac: {  	[dreg:$0x1] =	wrdreg $0xFFFFFFFF  }
0xad: {  	[dreg:$0x0] =	wrdreg $0x60  }
0xae: {  	[dreg:$0x2] =	wrdreg s24  }
0xaf: {  	[dreg:$0x3] =	wrdreg $0x0  }
0xb0: {  	[dreg:$0x4] =	wrdreg $0x9  }
0xb1: {  	_ =	task.clear_ibuf [dreg:s6], $0x5FFFF;
	_ =	strace $0x90000046  }
0xb2: {  	s29 =	simm.s32 $0x9;
	_ =	strace $0x80000048  }
0xb3: {  	_ =	swait.ge [sflag:s29], $0x1  }
0xb4: {  	[sflag:s29] =	ssyncadd.s32 $0xFFFFFFFF  }
0xb5: {  	_ =	strace $0x90000048  }
0xb6: {  	_ =	sfence  }
0xb7: {  	s30 =	sld [smem:$0x0];
	_ =	sdelay $0x2  }
0xb8: {  	s31 =	sshll.u32 s1, $0xD;
	s1 =	sshrl.u32 s1, $0x2  }
0xb9: {  	s3 =	sand.u32 $0x4000, s31;
	s1 =	sadd.s32 s1, s30  }
0xba: {  	s0 =	sor.u32 s3, s0;
	s1 =	sshll.u32 s1, $0x11  }
0xbb: {  	s0 =	sor.u32 s1, s0  }
0xbc: {  	s0 =	sadd.s32 $0x8F2B, s0  }
0xbd: {  	[sflag:s0] =	ssyncadd.remote.s32 $0x1  }
0xbe: {  	_ =	sfence.sel $0xFFFF  }
0xbf: {  	[dreg:$0x0] =	wrdreg $0xFFFFFFFF;
	(pc) =	sbr.abs _section_cstart, $3  }
0xc0: {  	[dreg:$0x1] =	wrdreg $0xFFFFFFFF  }
0xc1: {  	_ =	task.clear_ibuf [dreg:s6], $0x2FFFF;
	_ =	strace $0x9FFFFFFF  }
0xc2: {  	(tm) =	ssettm $0x7FFFFFFF  }
0xc3: {  	_ =	shalt  }
tec
execute0_lowered:
.L_overlay_start_1:
0x0: {  	(tag) =	ssettag $0x1  }
0x1: {  	s0 =	srdreg.scid;
	s1 =	rddreg [dreg:$0x0]  }
0x2: {  	s9 =	stileid.u32;
	s2 =	rddreg [dreg:$0x1];
	s3 =	simm.s32 $0x0  }
0x3: {  	s28 =	simm.s32 $0x2;
	s29 =	simm.s32 $0x16800;
	s30 =	simm.s32 $0x16500  }
0x4: {  	s31 =	simm.s32 $0x16880;
	s12 =	simm.s32 $0x16680;
	s4 =	smul.u32 $0x5000, s9  }
0x5: {  	s13 =	simm.s32 $0x16A00;
	s14 =	simm.s32 $0x16700;
	s16 =	smul.u32 $0x278, s9  }
0x6: {  	s15 =	simm.s32 $0x16A80;
	s0 =	sand.u32 $0x1, s0;
	s17 =	smul.u32 $0x58E00, s9  }
0x7: {  	[smem:$0x7FF] =	sst s3;
	s18 =	sadd.s32 $0x42C00, s1;
	s5 =	smul.u32 $0x2800, s0  }
0x8: {  	_ =	strace $0x80000047;
	s7 =	smul.u32 $0x2780, s0;
	s0 =	ssub.s32 $0x2, s0  }
0x9: {  	[dreg:$0x4] =	wrdreg s18;
	s18 =	simm.s32 $0x16B80;
	s19 =	sshrl.u32 s0, $0x1  }
0xa: {  	s4 =	sadd.s32 s5, s4;
	s5 =	sadd.s32 s16, s7;
	s0 =	ssub.s32 s0, s19  }
0xb: {  	s19 =	simm.s32 $0x3;
	s16 =	simm.s32 $0x16B00;
	s20 =	smul.u32 $0x90, s5  }
0xc: {  	s6 =	sshrl.u32 s4, $0x3;
	s4 =	sadd.s32 $0x2400, s1;
	s5 =	smul.u32 $0x12, s5  }
0xd: {  	s0 =	smax.u32 s0, $0x1;
	s8 =	sadd.s32 s6, s1;
	s6 =	sshrl.u32 s17, $0x2  }
0xe: {  	s1 =	sadd.s32 $0x43600, s1;
	[dreg:$0xf] =	wrdreg s0;
	s0 =	simm.s32 $0x16900  }
0xf: {  	s10 =	sadd.s32 s6, s2;
	s21 =	sshrl.u32 s20, $0x3;
	s25 =	sadd.s32 $0x2EC00, s8  }
0x10: {  	s17 =	sadd.s32 $0x38C00, s8;
	s20 =	simm.s32 $0x16380;
	[dreg:$0x5] =	wrdreg s10  }
0x11: {  	s7 =	sadd.s32 s1, s21;
	s1 =	sadd.s32 s1, s5;
	[dreg:$0x3] =	wrdreg s25  }
0x12: {  	s6 =	sadd.s32 $0x4800, s10;
	s9 =	sadd.s32 $0x9000, s10;
	[dreg:$0xa] =	wrdreg s1  }
0x13: {  	s11 =	sadd.s32 $0xD800, s10;
	s10 =	sadd.s32 $0x12000, s10;
	[dreg:$0x7] =	wrdreg s9  }
0x14: {  	s21 =	simm.s32 $0x16780;
	s22 =	sadd.s32 $0x900, s7;
	[dreg:$0x9] =	wrdreg s10  }
0x15: {  	s25 =	simm.s32 $0x1;
	s23 =	sadd.s32 $0x1200, s7;
	[dreg:$0xb] =	wrdreg s22  }
0x16: {  	s5 =	simm.s32 $0x16600;
	s24 =	sadd.s32 $0x1B00, s7;
	[dreg:$0xc] =	wrdreg s23  }
0x17: {  	s26 =	sadd.s32 $0x2400, s7;
	s7 =	smov.u32 s6;
	[dreg:$0xd] =	wrdreg s24  }
0x18: {  	s8 =	smov.u32 s11;
	s6 =	simm.s32 $0x0;
	[dreg:$0xe] =	wrdreg s26  }
0x19: {  	s1 =	simm.s32 $0x16580;
	s11 =	simm.s32 $0x16980;
	[dreg:$0x10] =	wrdreg s6  }
0x1a: {  	s22 =	simm.s32 $0x80;
	s23 =	simm.s32 $0x16400;
	[dreg:$0x6] =	wrdreg s7  }
0x1b: {  	s24 =	simm.s32 $0x1B380;
	s26 =	simm.s32 $0x16480;
	[dreg:$0x8] =	wrdreg s8  }
.LBB2_1:
0x1c: {  	s6 =	rddreg [dreg:$0x4]  }
0x1d: {  	[tilespmem:s18], [sflag:$0x3] =	stream.linear.gather [hbm4b:s6+s3], $0x4800, $0x38;
	[tilespmem:$0x1FB80] =	vst v63  }
0x1e: {  	_ =	swait.ge [sflag:s19], $0x4800  }
0x1f: {  	[sflag:s19] =	ssyncset.done $0x0  }
0x20: {  	s6 =	rddreg [dreg:$0x5];
	[sflag:s19] =	ssyncadd.s32 $0xFFFFB800  }
0x21: {  	[spmem:s6] =	stream.linear.scatter [tilespmem:s18], [sflag:$0x3], $0x4800, $0x38;
	[tilespmem:$0x1FB80] =	vst v63  }
0x22: {  	_ =	swait.ge [sflag:s19], $0x4800  }
0x23: {  	[sflag:s19] =	ssyncset.done $0x0  }
0x24: {  	[sflag:s19] =	ssyncadd.s32 $0xFFFFB800  }
0x25: {  	[spmem:s7] =	stream.linear.scatter [tilespmem:s18], [sflag:$0x3], $0x4800, $0x38;
	[tilespmem:$0x1FB80] =	vst v63  }
0x26: {  	_ =	swait.ge [sflag:s19], $0x4800  }
0x27: {  	[sflag:s19] =	ssyncset.done $0x0  }
0x28: {  	[sflag:s19] =	ssyncadd.s32 $0xFFFFB800  }
0x29: {  	[spmem:s9] =	stream.linear.scatter [tilespmem:s18], [sflag:$0x3], $0x4800, $0x38;
	[tilespmem:$0x1FB80] =	vst v63  }
0x2a: {  	_ =	swait.ge [sflag:s19], $0x4800  }
0x2b: {  	[sflag:s19] =	ssyncset.done $0x0  }
0x2c: {  	[sflag:s19] =	ssyncadd.s32 $0xFFFFB800  }
0x2d: {  	[spmem:s8] =	stream.linear.scatter [tilespmem:s18], [sflag:$0x3], $0x4800, $0x38;
	[tilespmem:$0x1FB80] =	vst v63  }
0x2e: {  	_ =	swait.ge [sflag:s19], $0x4800  }
0x2f: {  	[sflag:s19] =	ssyncset.done $0x0  }
0x30: {  	[sflag:s19] =	ssyncadd.s32 $0xFFFFB800  }
0x31: {  	[spmem:s10] =	stream.linear.scatter [tilespmem:s18], [sflag:$0x3], $0x4380, $0x38;
	[tilespmem:$0x1FB80] =	vst v63  }
0x32: {  	_ =	swait.ge [sflag:s19], $0x4380  }
0x33: {  	[sflag:s19] =	ssyncset.done $0x0  }
0x34: {  	[sflag:s19] =	ssyncadd.s32 $0xFFFFBC80  }
0x35: {  	s9 =	sadd.s32 $0x0, s17;
	[bflag:$0x0] =	sbarrier.arrive $0xFFFF  }
0x36: {  	[tilespmem:s20], [sflag:$0x3] =	stream.linear.gather [hbm4b:s9+s3], $0x400, $0x38;
	[tilespmem:$0x1FB80] =	vst v63  }
0x37: {  	_ =	swait.ge [sflag:s19], $0x400  }
0x38: {  	s10 =	rddreg [dreg:$0x3];
	[sflag:s19] =	ssyncset.done $0x0  }
0x39: {  	[sflag:s19] =	ssyncadd.s32 $0xFFFFFC00;
	s8 =	sadd.s32 $0x0, s10  }
0x3a: {  	[tilespmem:s21], [sflag:$0x3] =	stream.linear.gather [hbm4b:s8+s3], $0x400, $0x38;
	[tilespmem:$0x1FB80] =	vst v63  }
0x3b: {  	_ =	swait.ge [sflag:s19], $0x400  }
0x3c: {  	[sflag:s19] =	ssyncset.done $0x0  }
0x3d: {  	[sflag:s19] =	ssyncadd.s32 $0xFFFFFC00  }
0x3e: {  	[tilespmem:s18], [sflag:$0x1] =	stream.indirect.gather [hbm4b:s4+s22], $0x90, s20, s22, $0xb8;
	[tilespmem:$0x1FB80] =	vst v63  }
0x3f: {  	_ = 	snop  }
0x40: {  	[tilespmem:s24], [sflag:$0x2] =	stream.indirect.gather [hbm4b:s4+s22], $0x90, s23, s22, $0xb8;
	[tilespmem:$0x1FB80] =	vst v63  }
0x41: {  	_ =	swait.ge [sflag:s25], $0x4800  }
0x42: {  	[sflag:s25] =	ssyncset.done $0x0  }
0x43: {  	[sflag:s25] =	ssyncadd.s32 $0xFFFFB800  }
0x44: {  	[spmem:s2] =	stream.indirect.scatter.add.f32 [tilespmem:s18], [sflag:$0x3], $0x90, s21, s22, $0xb8;
	[tilespmem:$0x1FB80] =	vst v63  }
0x45: {  	_ =	swait.ge [sflag:s19], $0x4800  }
0x46: {  	[sflag:s19] =	ssyncset.done $0x0  }
0x47: {  	[sflag:s19] =	ssyncadd.s32 $0xFFFFB800  }
0x48: {  	[tilespmem:s18], [sflag:$0x1] =	stream.indirect.gather [hbm4b:s4+s22], $0x90, s26, s22, $0xb8;
	[tilespmem:$0x1FB80] =	vst v63  }
0x49: {  	_ =	swait.ge [sflag:s28], $0x4800  }
0x4a: {  	[sflag:s28] =	ssyncset.done $0x0  }
0x4b: {  	[sflag:s28] =	ssyncadd.s32 $0xFFFFB800  }
0x4c: {  	[spmem:s2] =	stream.indirect.scatter.add.f32 [tilespmem:s24], [sflag:$0x3], $0x90, s29, s22, $0xb8;
	[tilespmem:$0x1FB80] =	vst v63  }
0x4d: {  	_ =	swait.ge [sflag:s19], $0x4800  }
0x4e: {  	[sflag:s19] =	ssyncset.done $0x0  }
0x4f: {  	[sflag:s19] =	ssyncadd.s32 $0xFFFFB800  }
0x50: {  	[tilespmem:s24], [sflag:$0x2] =	stream.indirect.gather [hbm4b:s4+s22], $0x90, s30, s22, $0xb8;
	[tilespmem:$0x1FB80] =	vst v63  }
0x51: {  	_ =	swait.ge [sflag:s25], $0x4800  }
0x52: {  	[sflag:s25] =	ssyncset.done $0x0  }
0x53: {  	[sflag:s25] =	ssyncadd.s32 $0xFFFFB800  }
0x54: {  	[spmem:s2] =	stream.indirect.scatter.add.f32 [tilespmem:s18], [sflag:$0x3], $0x90, s31, s22, $0xb8;
	[tilespmem:$0x1FB80] =	vst v63  }
0x55: {  	_ =	swait.ge [sflag:s19], $0x4800  }
0x56: {  	[sflag:s19] =	ssyncset.done $0x0  }
0x57: {  	[sflag:s19] =	ssyncadd.s32 $0xFFFFB800  }
0x58: {  	[tilespmem:s18], [sflag:$0x1] =	stream.indirect.gather [hbm4b:s4+s22], $0x90, s1, s22, $0xb8;
	[tilespmem:$0x1FB80] =	vst v63  }
0x59: {  	_ =	swait.ge [sflag:s28], $0x4800  }
0x5a: {  	[sflag:s28] =	ssyncset.done $0x0  }
0x5b: {  	[sflag:s28] =	ssyncadd.s32 $0xFFFFB800  }
0x5c: {  	[spmem:s2] =	stream.indirect.scatter.add.f32 [tilespmem:s24], [sflag:$0x3], $0x90, s0, s22, $0xb8;
	[tilespmem:$0x1FB80] =	vst v63  }
0x5d: {  	_ =	swait.ge [sflag:s19], $0x4800  }
0x5e: {  	[sflag:s19] =	ssyncset.done $0x0  }
0x5f: {  	[sflag:s19] =	ssyncadd.s32 $0xFFFFB800  }
0x60: {  	[tilespmem:s24], [sflag:$0x2] =	stream.indirect.gather [hbm4b:s4+s22], $0x90, s5, s22, $0xb8;
	[tilespmem:$0x1FB80] =	vst v63  }
0x61: {  	_ =	swait.ge [sflag:s25], $0x4800  }
0x62: {  	[sflag:s25] =	ssyncset.done $0x0  }
0x63: {  	[sflag:s25] =	ssyncadd.s32 $0xFFFFB800  }
0x64: {  	[spmem:s2] =	stream.indirect.scatter.add.f32 [tilespmem:s18], [sflag:$0x3], $0x90, s11, s22, $0xb8;
	[tilespmem:$0x1FB80] =	vst v63  }
0x65: {  	_ =	swait.ge [sflag:s19], $0x4800  }
0x66: {  	[sflag:s19] =	ssyncset.done $0x0  }
0x67: {  	[sflag:s19] =	ssyncadd.s32 $0xFFFFB800  }
0x68: {  	[tilespmem:s18], [sflag:$0x1] =	stream.indirect.gather [hbm4b:s4+s22], $0x90, s12, s22, $0xb8;
	[tilespmem:$0x1FB80] =	vst v63  }
0x69: {  	_ =	swait.ge [sflag:s28], $0x4800  }
0x6a: {  	[sflag:s28] =	ssyncset.done $0x0  }
0x6b: {  	[sflag:s28] =	ssyncadd.s32 $0xFFFFB800  }
0x6c: {  	[spmem:s2] =	stream.indirect.scatter.add.f32 [tilespmem:s24], [sflag:$0x3], $0x90, s13, s22, $0xb8;
	[tilespmem:$0x1FB80] =	vst v63  }
0x6d: {  	_ =	swait.ge [sflag:s19], $0x4800  }
0x6e: {  	[sflag:s19] =	ssyncset.done $0x0  }
0x6f: {  	[sflag:s19] =	ssyncadd.s32 $0xFFFFB800  }
0x70: {  	[tilespmem:s24], [sflag:$0x2] =	stream.indirect.gather [hbm4b:s4+s22], $0x90, s14, s22, $0xb8;
	[tilespmem:$0x1FB80] =	vst v63  }
0x71: {  	_ =	swait.ge [sflag:s25], $0x4800  }
0x72: {  	[sflag:s25] =	ssyncset.done $0x0  }
0x73: {  	[sflag:s25] =	ssyncadd.s32 $0xFFFFB800  }
0x74: {  	[spmem:s2] =	stream.indirect.scatter.add.f32 [tilespmem:s18], [sflag:$0x3], $0x90, s15, s22, $0xb8;
	[tilespmem:$0x1FB80] =	vst v63  }
0x75: {  	_ =	swait.ge [sflag:s19], $0x4800  }
0x76: {  	[sflag:s19] =	ssyncset.done $0x0  }
0x77: {  	[sflag:s19] =	ssyncadd.s32 $0xFFFFB800  }
0x78: {  	_ =	swait.ge [sflag:s28], $0x4800  }
0x79: {  	[sflag:s28] =	ssyncset.done $0x0  }
0x7a: {  	[sflag:s28] =	ssyncadd.s32 $0xFFFFB800  }
0x7b: {  	[spmem:s2] =	stream.indirect.scatter.add.f32 [tilespmem:s24], [sflag:$0x3], $0x90, s16, s22, $0xb8;
	[tilespmem:$0x1FB80] =	vst v63  }
0x7c: {  	_ =	swait.ge [sflag:s19], $0x4800  }
0x7d: {  	s9 =	simm.s32 $0x100;
	s8 =	simm.s32 $0x80;
	[sflag:s19] =	ssyncset.done $0x0  }
.LBB2_2:
0x7e: {  	s6 =	sadd.s32 s8, s17;
	[sflag:s19] =	ssyncadd.s32 $0xFFFFB800  }
0x7f: {  	[tilespmem:s20], [sflag:$0x3] =	stream.linear.gather [hbm4b:s6+s3], $0x400, $0x38;
	[tilespmem:$0x1FB80] =	vst v63  }
0x80: {  	s7 =	smov.u32 s9;
	s10 =	sadd.s32 $0x80, s9;
	_ =	swait.ge [sflag:s19], $0x400  }
0x81: {  	p0 =	sne.s32 s9, $0x480;
	s9 =	rddreg [dreg:$0x3];
	[sflag:s19] =	ssyncset.done $0x0  }
0x82: {  	[sflag:s19] =	ssyncadd.s32 $0xFFFFFC00;
	s6 =	sadd.s32 s8, s9  }
0x83: {  	[tilespmem:s21], [sflag:$0x3] =	stream.linear.gather [hbm4b:s6+s3], $0x400, $0x38;
	[tilespmem:$0x1FB80] =	vst v63  }
0x84: {  	_ =	swait.ge [sflag:s19], $0x400  }
0x85: {  	[sflag:s19] =	ssyncset.done $0x0  }
0x86: {  	[sflag:s19] =	ssyncadd.s32 $0xFFFFFC00  }
0x87: {  	[tilespmem:s18], [sflag:$0x1] =	stream.indirect.gather [hbm4b:s4+s22], $0x90, s20, s22, $0xb8;
	[tilespmem:$0x1FB80] =	vst v63  }
0x88: {  	_ = 	snop  }
0x89: {  	[tilespmem:s24], [sflag:$0x2] =	stream.indirect.gather [hbm4b:s4+s22], $0x90, s23, s22, $0xb8;
	[tilespmem:$0x1FB80] =	vst v63  }
0x8a: {  	_ =	swait.ge [sflag:s25], $0x4800  }
0x8b: {  	[sflag:s25] =	ssyncset.done $0x0  }
0x8c: {  	[sflag:s25] =	ssyncadd.s32 $0xFFFFB800  }
0x8d: {  	[spmem:s2] =	stream.indirect.scatter.add.f32 [tilespmem:s18], [sflag:$0x3], $0x90, s21, s22, $0xb8;
	[tilespmem:$0x1FB80] =	vst v63  }
0x8e: {  	_ =	swait.ge [sflag:s19], $0x4800  }
0x8f: {  	[sflag:s19] =	ssyncset.done $0x0  }
0x90: {  	[sflag:s19] =	ssyncadd.s32 $0xFFFFB800  }
0x91: {  	[tilespmem:s18], [sflag:$0x1] =	stream.indirect.gather [hbm4b:s4+s22], $0x90, s26, s22, $0xb8;
	[tilespmem:$0x1FB80] =	vst v63  }
0x92: {  	_ =	swait.ge [sflag:s28], $0x4800  }
0x93: {  	[sflag:s28] =	ssyncset.done $0x0  }
0x94: {  	[sflag:s28] =	ssyncadd.s32 $0xFFFFB800  }
0x95: {  	[spmem:s2] =	stream.indirect.scatter.add.f32 [tilespmem:s24], [sflag:$0x3], $0x90, s29, s22, $0xb8;
	[tilespmem:$0x1FB80] =	vst v63  }
0x96: {  	_ =	swait.ge [sflag:s19], $0x4800  }
0x97: {  	[sflag:s19] =	ssyncset.done $0x0  }
0x98: {  	[sflag:s19] =	ssyncadd.s32 $0xFFFFB800  }
0x99: {  	[tilespmem:s24], [sflag:$0x2] =	stream.indirect.gather [hbm4b:s4+s22], $0x90, s30, s22, $0xb8;
	[tilespmem:$0x1FB80] =	vst v63  }
0x9a: {  	_ =	swait.ge [sflag:s25], $0x4800  }
0x9b: {  	[sflag:s25] =	ssyncset.done $0x0  }
0x9c: {  	[sflag:s25] =	ssyncadd.s32 $0xFFFFB800  }
0x9d: {  	[spmem:s2] =	stream.indirect.scatter.add.f32 [tilespmem:s18], [sflag:$0x3], $0x90, s31, s22, $0xb8;
	[tilespmem:$0x1FB80] =	vst v63  }
0x9e: {  	_ =	swait.ge [sflag:s19], $0x4800  }
0x9f: {  	[sflag:s19] =	ssyncset.done $0x0  }
0xa0: {  	[sflag:s19] =	ssyncadd.s32 $0xFFFFB800  }
0xa1: {  	[tilespmem:s18], [sflag:$0x1] =	stream.indirect.gather [hbm4b:s4+s22], $0x90, s1, s22, $0xb8;
	[tilespmem:$0x1FB80] =	vst v63  }
0xa2: {  	_ =	swait.ge [sflag:s28], $0x4800  }
0xa3: {  	[sflag:s28] =	ssyncset.done $0x0  }
0xa4: {  	[sflag:s28] =	ssyncadd.s32 $0xFFFFB800  }
0xa5: {  	[spmem:s2] =	stream.indirect.scatter.add.f32 [tilespmem:s24], [sflag:$0x3], $0x90, s0, s22, $0xb8;
	[tilespmem:$0x1FB80] =	vst v63  }
0xa6: {  	_ =	swait.ge [sflag:s19], $0x4800  }
0xa7: {  	[sflag:s19] =	ssyncset.done $0x0  }
0xa8: {  	[sflag:s19] =	ssyncadd.s32 $0xFFFFB800  }
0xa9: {  	[tilespmem:s24], [sflag:$0x2] =	stream.indirect.gather [hbm4b:s4+s22], $0x90, s5, s22, $0xb8;
	[tilespmem:$0x1FB80] =	vst v63  }
0xaa: {  	_ =	swait.ge [sflag:s25], $0x4800  }
0xab: {  	[sflag:s25] =	ssyncset.done $0x0  }
0xac: {  	[sflag:s25] =	ssyncadd.s32 $0xFFFFB800  }
0xad: {  	[spmem:s2] =	stream.indirect.scatter.add.f32 [tilespmem:s18], [sflag:$0x3], $0x90, s11, s22, $0xb8;
	[tilespmem:$0x1FB80] =	vst v63  }
0xae: {  	_ =	swait.ge [sflag:s19], $0x4800  }
0xaf: {  	[sflag:s19] =	ssyncset.done $0x0  }
0xb0: {  	[sflag:s19] =	ssyncadd.s32 $0xFFFFB800  }
0xb1: {  	[tilespmem:s18], [sflag:$0x1] =	stream.indirect.gather [hbm4b:s4+s22], $0x90, s12, s22, $0xb8;
	[tilespmem:$0x1FB80] =	vst v63  }
0xb2: {  	_ =	swait.ge [sflag:s28], $0x4800  }
0xb3: {  	[sflag:s28] =	ssyncset.done $0x0  }
0xb4: {  	[sflag:s28] =	ssyncadd.s32 $0xFFFFB800  }
0xb5: {  	[spmem:s2] =	stream.indirect.scatter.add.f32 [tilespmem:s24], [sflag:$0x3], $0x90, s13, s22, $0xb8;
	[tilespmem:$0x1FB80] =	vst v63  }
0xb6: {  	_ =	swait.ge [sflag:s19], $0x4800  }
0xb7: {  	[sflag:s19] =	ssyncset.done $0x0  }
0xb8: {  	[sflag:s19] =	ssyncadd.s32 $0xFFFFB800  }
0xb9: {  	[tilespmem:s24], [sflag:$0x2] =	stream.indirect.gather [hbm4b:s4+s22], $0x90, s14, s22, $0xb8;
	[tilespmem:$0x1FB80] =	vst v63  }
0xba: {  	_ =	swait.ge [sflag:s25], $0x4800  }
0xbb: {  	[sflag:s25] =	ssyncset.done $0x0  }
0xbc: {  	[sflag:s25] =	ssyncadd.s32 $0xFFFFB800  }
0xbd: {  	[spmem:s2] =	stream.indirect.scatter.add.f32 [tilespmem:s18], [sflag:$0x3], $0x90, s15, s22, $0xb8;
	[tilespmem:$0x1FB80] =	vst v63  }
0xbe: {  	_ =	swait.ge [sflag:s19], $0x4800  }
0xbf: {  	[sflag:s19] =	ssyncset.done $0x0  }
0xc0: {  	[sflag:s19] =	ssyncadd.s32 $0xFFFFB800  }
0xc1: {  	_ =	swait.ge [sflag:s28], $0x4800  }
.Ltmp0:
0xc2: {  	[sflag:s28] =	ssyncset.done $0x0;
	(pc) =	sbr.rel @p0 .LBB2_2-.Ltmp0, $4  }
0xc3: {  	[sflag:s28] =	ssyncadd.s32 $0xFFFFB800  }
0xc4: {  	[spmem:s2] =	stream.indirect.scatter.add.f32 [tilespmem:s24], [sflag:$0x3], $0x90, s16, s22, $0xb8;
	[tilespmem:$0x1FB80] =	vst v63  }
0xc5: {  	_ =	swait.ge [sflag:s19], $0x4800  }
0xc6: {  	s8 =	smov.u32 s7;
	s9 =	smov.u32 s10;
	[sflag:s19] =	ssyncset.done $0x0  }
0xc7: {  	s6 =	sadd.s32 s8, s17;
	[sflag:s19] =	ssyncadd.s32 $0xFFFFB800  }
0xc8: {  	[tilespmem:s20], [sflag:$0x3] =	stream.linear.gather [hbm4b:s6+s3], $0x400, $0x38;
	[tilespmem:$0x1FB80] =	vst v63  }
0xc9: {  	_ =	swait.ge [sflag:s19], $0x400  }
0xca: {  	s7 =	rddreg [dreg:$0x3];
	[sflag:s19] =	ssyncset.done $0x0  }
0xcb: {  	s6 =	sadd.s32 s8, s7;
	[sflag:s19] =	ssyncadd.s32 $0xFFFFFC00  }
0xcc: {  	[tilespmem:s21], [sflag:$0x3] =	stream.linear.gather [hbm4b:s6+s3], $0x400, $0x38;
	[tilespmem:$0x1FB80] =	vst v63  }
0xcd: {  	_ =	swait.ge [sflag:s19], $0x400  }
0xce: {  	[sflag:s19] =	ssyncset.done $0x0  }
0xcf: {  	[sflag:s19] =	ssyncadd.s32 $0xFFFFFC00  }
0xd0: {  	[tilespmem:s18], [sflag:$0x1] =	stream.indirect.gather [hbm4b:s4+s22], $0x90, s20, s22, $0xb8;
	[tilespmem:$0x1FB80] =	vst v63  }
0xd1: {  	_ = 	snop  }
0xd2: {  	[tilespmem:s24], [sflag:$0x2] =	stream.indirect.gather [hbm4b:s4+s22], $0x90, s23, s22, $0xb8;
	[tilespmem:$0x1FB80] =	vst v63  }
0xd3: {  	_ =	swait.ge [sflag:s25], $0x4800  }
0xd4: {  	[sflag:s25] =	ssyncset.done $0x0  }
0xd5: {  	[sflag:s25] =	ssyncadd.s32 $0xFFFFB800  }
0xd6: {  	[spmem:s2] =	stream.indirect.scatter.add.f32 [tilespmem:s18], [sflag:$0x3], $0x90, s21, s22, $0xb8;
	[tilespmem:$0x1FB80] =	vst v63  }
0xd7: {  	_ =	swait.ge [sflag:s19], $0x4800  }
0xd8: {  	[sflag:s19] =	ssyncset.done $0x0  }
0xd9: {  	[sflag:s19] =	ssyncadd.s32 $0xFFFFB800  }
0xda: {  	[tilespmem:s18], [sflag:$0x1] =	stream.indirect.gather [hbm4b:s4+s22], $0x90, s26, s22, $0xb8;
	[tilespmem:$0x1FB80] =	vst v63  }
0xdb: {  	_ =	swait.ge [sflag:s28], $0x4800  }
0xdc: {  	[sflag:s28] =	ssyncset.done $0x0  }
0xdd: {  	[sflag:s28] =	ssyncadd.s32 $0xFFFFB800  }
0xde: {  	[spmem:s2] =	stream.indirect.scatter.add.f32 [tilespmem:s24], [sflag:$0x3], $0x90, s29, s22, $0xb8;
	[tilespmem:$0x1FB80] =	vst v63  }
0xdf: {  	_ =	swait.ge [sflag:s19], $0x4800  }
0xe0: {  	[sflag:s19] =	ssyncset.done $0x0  }
0xe1: {  	[sflag:s19] =	ssyncadd.s32 $0xFFFFB800  }
0xe2: {  	[tilespmem:s24], [sflag:$0x2] =	stream.indirect.gather [hbm4b:s4+s22], $0x90, s30, s22, $0xb8;
	[tilespmem:$0x1FB80] =	vst v63  }
0xe3: {  	_ =	swait.ge [sflag:s25], $0x4800  }
0xe4: {  	[sflag:s25] =	ssyncset.done $0x0  }
0xe5: {  	[sflag:s25] =	ssyncadd.s32 $0xFFFFB800  }
0xe6: {  	[spmem:s2] =	stream.indirect.scatter.add.f32 [tilespmem:s18], [sflag:$0x3], $0x90, s31, s22, $0xb8;
	[tilespmem:$0x1FB80] =	vst v63  }
0xe7: {  	_ =	swait.ge [sflag:s19], $0x4800  }
0xe8: {  	[sflag:s19] =	ssyncset.done $0x0  }
0xe9: {  	[sflag:s19] =	ssyncadd.s32 $0xFFFFB800  }
0xea: {  	[tilespmem:s18], [sflag:$0x1] =	stream.indirect.gather [hbm4b:s4+s22], $0x90, s1, s22, $0xb8;
	[tilespmem:$0x1FB80] =	vst v63  }
0xeb: {  	_ =	swait.ge [sflag:s28], $0x4800  }
0xec: {  	[sflag:s28] =	ssyncset.done $0x0  }
0xed: {  	[sflag:s28] =	ssyncadd.s32 $0xFFFFB800  }
0xee: {  	[spmem:s2] =	stream.indirect.scatter.add.f32 [tilespmem:s24], [sflag:$0x3], $0x90, s0, s22, $0xb8;
	[tilespmem:$0x1FB80] =	vst v63  }
0xef: {  	_ =	swait.ge [sflag:s19], $0x4800  }
0xf0: {  	[sflag:s19] =	ssyncset.done $0x0  }
0xf1: {  	[sflag:s19] =	ssyncadd.s32 $0xFFFFB800  }
0xf2: {  	[tilespmem:s24], [sflag:$0x2] =	stream.indirect.gather [hbm4b:s4+s22], $0x90, s5, s22, $0xb8;
	[tilespmem:$0x1FB80] =	vst v63  }
0xf3: {  	_ =	swait.ge [sflag:s25], $0x4800  }
0xf4: {  	[sflag:s25] =	ssyncset.done $0x0  }
0xf5: {  	[sflag:s25] =	ssyncadd.s32 $0xFFFFB800  }
0xf6: {  	[spmem:s2] =	stream.indirect.scatter.add.f32 [tilespmem:s18], [sflag:$0x3], $0x90, s11, s22, $0xb8;
	[tilespmem:$0x1FB80] =	vst v63  }
0xf7: {  	_ =	swait.ge [sflag:s19], $0x4800  }
0xf8: {  	[sflag:s19] =	ssyncset.done $0x0  }
0xf9: {  	[sflag:s19] =	ssyncadd.s32 $0xFFFFB800  }
0xfa: {  	[tilespmem:s18], [sflag:$0x1] =	stream.indirect.gather [hbm4b:s4+s22], $0x90, s12, s22, $0xb8;
	[tilespmem:$0x1FB80] =	vst v63  }
0xfb: {  	_ =	swait.ge [sflag:s28], $0x4800  }
0xfc: {  	[sflag:s28] =	ssyncset.done $0x0  }
0xfd: {  	[sflag:s28] =	ssyncadd.s32 $0xFFFFB800  }
0xfe: {  	[spmem:s2] =	stream.indirect.scatter.add.f32 [tilespmem:s24], [sflag:$0x3], $0x90, s13, s22, $0xb8;
	[tilespmem:$0x1FB80] =	vst v63  }
0xff: {  	_ =	swait.ge [sflag:s19], $0x4800  }
0x100: {  	[sflag:s19] =	ssyncset.done $0x0  }
0x101: {  	[sflag:s19] =	ssyncadd.s32 $0xFFFFB800  }
0x102: {  	[tilespmem:s24], [sflag:$0x2] =	stream.indirect.gather [hbm4b:s4+s22], $0x90, s14, s22, $0xb8;
	[tilespmem:$0x1FB80] =	vst v63  }
0x103: {  	_ =	swait.ge [sflag:s25], $0x4800  }
0x104: {  	[sflag:s25] =	ssyncset.done $0x0  }
0x105: {  	[sflag:s25] =	ssyncadd.s32 $0xFFFFB800  }
0x106: {  	[spmem:s2] =	stream.indirect.scatter.add.f32 [tilespmem:s18], [sflag:$0x3], $0x90, s15, s22, $0xb8;
	[tilespmem:$0x1FB80] =	vst v63  }
0x107: {  	_ =	swait.ge [sflag:s19], $0x4800  }
0x108: {  	[sflag:s19] =	ssyncset.done $0x0  }
0x109: {  	[sflag:s19] =	ssyncadd.s32 $0xFFFFB800  }
0x10a: {  	_ =	swait.ge [sflag:s28], $0x4800  }
0x10b: {  	[sflag:s28] =	ssyncset.done $0x0  }
0x10c: {  	[sflag:s28] =	ssyncadd.s32 $0xFFFFB800  }
0x10d: {  	[spmem:s2] =	stream.indirect.scatter.add.f32 [tilespmem:s24], [sflag:$0x3], $0x90, s16, s22, $0xb8;
	[tilespmem:$0x1FB80] =	vst v63  }
0x10e: {  	_ =	swait.ge [sflag:s19], $0x4800  }
0x10f: {  	[sflag:s19] =	ssyncset.done $0x0  }
0x110: {  	[sflag:s19] =	ssyncadd.s32 $0xFFFFB800  }
0x111: {  	[bflag:$0x0] =	sbarrier.arrive $0xFFFF  }
0x112: {  	s8 =	rddreg [dreg:$0x5]  }
0x113: {  	[tilespmem:s18], [sflag:$0x3] =	stream.linear.gather [spmem:s8], $0x4800, $0x38;
	[tilespmem:$0x1FB80] =	vst v63  }
0x114: {  	_ =	swait.ge [sflag:s19], $0x4800  }
0x115: {  	[sflag:s19] =	ssyncset.done $0x0  }
0x116: {  	s9 =	rddreg [dreg:$0xa];
	[sflag:s19] =	ssyncadd.s32 $0xFFFFB800  }
0x117: {  	[hbm4b:s9+s3] =	stream.linear.scatter [tilespmem:s18], [sflag:$0x3], $0x4800, $0x38;
	[tilespmem:$0x1FB80] =	vst v63  }
0x118: {  	_ =	swait.ge [sflag:s19], $0x4800  }
0x119: {  	[sflag:s19] =	ssyncset.done $0x0  }
0x11a: {  	s7 =	rddreg [dreg:$0x6];
	[sflag:s19] =	ssyncadd.s32 $0xFFFFB800  }
0x11b: {  	[tilespmem:s18], [sflag:$0x3] =	stream.linear.gather [spmem:s7], $0x4800, $0x38;
	[tilespmem:$0x1FB80] =	vst v63  }
0x11c: {  	_ =	swait.ge [sflag:s19], $0x4800  }
0x11d: {  	[sflag:s19] =	ssyncset.done $0x0  }
0x11e: {  	s10 =	rddreg [dreg:$0xb];
	[sflag:s19] =	ssyncadd.s32 $0xFFFFB800  }
0x11f: {  	[hbm4b:s10+s3] =	stream.linear.scatter [tilespmem:s18], [sflag:$0x3], $0x4800, $0x38;
	[tilespmem:$0x1FB80] =	vst v63  }
0x120: {  	_ =	swait.ge [sflag:s19], $0x4800  }
0x121: {  	[sflag:s19] =	ssyncset.done $0x0  }
0x122: {  	s8 =	rddreg [dreg:$0x7];
	[sflag:s19] =	ssyncadd.s32 $0xFFFFB800  }
0x123: {  	[tilespmem:s18], [sflag:$0x3] =	stream.linear.gather [spmem:s8], $0x4800, $0x38;
	[tilespmem:$0x1FB80] =	vst v63  }
0x124: {  	_ =	swait.ge [sflag:s19], $0x4800  }
0x125: {  	[sflag:s19] =	ssyncset.done $0x0  }
0x126: {  	s9 =	rddreg [dreg:$0xc];
	[sflag:s19] =	ssyncadd.s32 $0xFFFFB800  }
0x127: {  	[hbm4b:s9+s3] =	stream.linear.scatter [tilespmem:s18], [sflag:$0x3], $0x4800, $0x38;
	[tilespmem:$0x1FB80] =	vst v63  }
0x128: {  	_ =	swait.ge [sflag:s19], $0x4800  }
0x129: {  	[sflag:s19] =	ssyncset.done $0x0  }
0x12a: {  	s8 =	rddreg [dreg:$0x8];
	[sflag:s19] =	ssyncadd.s32 $0xFFFFB800  }
0x12b: {  	[tilespmem:s18], [sflag:$0x3] =	stream.linear.gather [spmem:s8], $0x4800, $0x38;
	[tilespmem:$0x1FB80] =	vst v63  }
0x12c: {  	_ =	swait.ge [sflag:s19], $0x4800  }
0x12d: {  	[sflag:s19] =	ssyncset.done $0x0  }
0x12e: {  	s10 =	rddreg [dreg:$0xd];
	[sflag:s19] =	ssyncadd.s32 $0xFFFFB800  }
0x12f: {  	[hbm4b:s10+s3] =	stream.linear.scatter [tilespmem:s18], [sflag:$0x3], $0x4800, $0x38;
	[tilespmem:$0x1FB80] =	vst v63  }
0x130: {  	_ =	swait.ge [sflag:s19], $0x4800  }
0x131: {  	[sflag:s19] =	ssyncset.done $0x0  }
0x132: {  	s10 =	rddreg [dreg:$0x9];
	[sflag:s19] =	ssyncadd.s32 $0xFFFFB800  }
0x133: {  	[tilespmem:s18], [sflag:$0x3] =	stream.linear.gather [spmem:s10], $0x4380, $0x38;
	[tilespmem:$0x1FB80] =	vst v63  }
0x134: {  	_ =	swait.ge [sflag:s19], $0x4380  }
0x135: {  	[sflag:s19] =	ssyncset.done $0x0  }
0x136: {  	s9 =	rddreg [dreg:$0xe];
	[sflag:s19] =	ssyncadd.s32 $0xFFFFBC80  }
0x137: {  	[hbm4b:s9+s3] =	stream.linear.scatter [tilespmem:s18], [sflag:$0x3], $0x4380, $0x38;
	[tilespmem:$0x1FB80] =	vst v63  }
0x138: {  	_ =	swait.ge [sflag:s19], $0x4380  }
0x139: {  	s9 =	rddreg [dreg:$0x10]  }
0x13a: {  	s6 =	rddreg [dreg:$0xf];
	s9 =	sadd.s32 $0x1, s9  }
0x13b: {  	p0 =	sne.s32 s9, s6  }
.Ltmp1:
0x13c: {  	_ = 	snop;
	(pc) =	sbr.rel @p0 .LBB2_1-.Ltmp1, $3  }
0x13d: {  	_ =	sdelay $0x1  }
0x13e: {  	[sflag:s19] =	ssyncset.done $0x0;
	[dreg:$0x10] =	wrdreg s9  }
0x13f: {  	[sflag:s19] =	ssyncadd.s32 $0xFFFFBC80;
	s9 =	rddreg [dreg:$0x7]  }
0x140: {  	_ =	sfence.sel $0x180000  }
0x141: {  	[bflag:$0x0] =	sbarrier.arrive $0xFFFF  }
0x142: {  	_ =	strace $0x90000047  }
0x143: {  	s0 =	stileid.u32;
	[bflag:$0x2] =	sbarrier.arrive $0xFFFF  }
0x144: {  	p0 =	sne.s32 s0, $0x0;
	s0 =	rddreg [dreg:$0x2]  }
0x145: {  	s0 =	sadd.s32 @!p0 $0x100000, s0  }
0x146: {  	[sflag:s0] =	ssyncadd.tile.s32 @!p0 $0x1;
	_ =	shalt  }
.Lfunc_end2:
_tile_overlayer_lowered:
.L_overlay_start_2:
0x147: {  	(tag) =	ssettag $0x2  }
0x148: {  	s0 =	rddreg [dreg:$0x0];
	s2 =	stileid.u32  }
0x149: {  	s1 =	rddreg [dreg:$0x1];
	p0 =	sne.s32 s2, $0x0  }
0x14a: {  	s3 =	rddreg [dreg:$0x2];
	[bflag:$0x3] =	sbarrier.arrive $0xFFFF;
	s2 =	simm.s32 @!p0 $0x1C03  }
0x14b: {  	[timem:s3], [sflag:s2] =	dma.local @!p0 [hbm:s0], s1  }
0x14c: {  	s0 =	simm.s32 @!p0 $0x3  }
0x14d: {  	_ =	swait.ge @!p0 [sflag:s0], s1  }
0x14e: {  	s1 =	ssub.s32 @!p0 $0x0, s1;
	[sflag:s0] =	ssyncset.done @!p0 $0x0  }
0x14f: {  	[sflag:s0] =	ssyncadd.s32 @!p0 s1  }
0x150: {  	[bflag:$0x3] =	sbarrier.arrive $0xFFFF  }
0x151: {  	_ =	shalt  }

</sc_bundles>
